<compile_context>
chip_gen: v7x
topology: tpu7x:2x2x1
jax: 0.10.2.dev20260603
libtpu: 0.0.44.dev20260713+nightly
codegen_flags: <defaults>
</compile_context>

<pallas_src>
import functools

import jax
import jax.numpy as jnp
from jax import lax
from jax.experimental import pallas as pl
from jax.experimental.pallas import tpu as pltpu
from jax.experimental.pallas import tpu_sc as plsc

N = 10000
E = 320000
D = 128
R = 16

NC = 2
NS = 16
NW = NC * NS
K = 80
ZR = 80
NZCH = N // ZR

BE = 2560
MB = BE // 128

CHUNKS = ((0, 63), (63, 62))

PI = 3.14159265358979323846

_mesh = plsc.VectorSubcoreMesh(core_axis_name="c", subcore_axis_name="s")


def _make_sc_angle(ebase, eh):
    epw = eh // NW

    def body(coord_hbm, ei_hbm, m_hbm, coord_v, row_v, col_v, m_v, sem):
        c = lax.axis_index("c")
        s = lax.axis_index("s")
        wid = s * NC + c
        base = ebase + wid * epw
        pltpu.async_copy(coord_hbm, coord_v, sem).wait()
        pltpu.async_copy(ei_hbm.at[pl.ds(base, epw)], row_v, sem).wait()
        pltpu.async_copy(ei_hbm.at[pl.ds(E + base, epw)], col_v, sem).wait()

        def grp(g, carry):
            off = g * 16
            r16 = row_v[pl.ds(off, 16)] * 3
            c16 = col_v[pl.ds(off, 16)] * 3
            xr = plsc.load_gather(coord_v, [r16])
            yr = plsc.load_gather(coord_v, [r16 + 1])
            zr = plsc.load_gather(coord_v, [r16 + 2])
            xc = plsc.load_gather(coord_v, [c16])
            yc = plsc.load_gather(coord_v, [c16 + 1])
            zc = plsc.load_gather(coord_v, [c16 + 2])
            dx = xr - xc
            dy = yr - yc
            dz = zr - zc
            q = dx * dx + dy * dy + dz * dz
            m_v[pl.ds(off, 16)] = jnp.minimum(q * jnp.float32(1e24),
                                              jnp.float32(1.0))
            return carry

        if epw % 32 == 0:
            def grp2(g, carry):
                grp(2 * g, carry)
                grp(2 * g + 1, carry)
                return carry

            lax.fori_loop(0, epw // 32, grp2, 0)
        else:
            lax.fori_loop(0, epw // 16, grp, 0)
        pltpu.sync_copy(m_v, m_hbm.at[pl.ds(wid * epw, epw)])

    return functools.partial(
        pl.kernel,
        out_type=jax.ShapeDtypeStruct((eh,), jnp.float32),
        mesh=_mesh,
        compiler_params=pltpu.CompilerParams(needs_layout_passes=False),
        scratch_types=[
            pltpu.VMEM((3 * N,), jnp.float32),
            pltpu.VMEM((epw,), jnp.int32),
            pltpu.VMEM((epw,), jnp.int32),
            pltpu.VMEM((epw,), jnp.float32),
            pltpu.SemaphoreType.DMA,
        ],
    )(body)


_sc_angles = [_make_sc_angle(b * BE, n * BE) for b, n in CHUNKS]


def _make_sc_scatter(ebase, eh):
    epw = eh // NW
    nch = epw // K

    def body(msg_hbm, ei_hbm, out_hbm,
             acc, idx0, idx1, msg0, msg1, zbuf,
             sem_i0, sem_i1, sem_m0, sem_m1):
        c = lax.axis_index("c")
        s = lax.axis_index("s")
        wid = s * NC + c
        mbase = wid * epw
        ibase = ebase + wid * epw

        def zb(r, carry):
            for k8 in range(8):
                zbuf[r, pl.ds(k8 * 16, 16)] = jnp.zeros((16,), jnp.float32)
            return carry

        lax.fori_loop(0, ZR, zb, 0)

        def zchunk(t, carry):
            j = s + t * NS

            @pl.when(j < NZCH)
            def _():
                pltpu.sync_copy(zbuf, acc.at[pl.ds(j * ZR, ZR)])

            return carry

        lax.fori_loop(0, (NZCH + NS - 1) // NS, zchunk, 0)
        plsc.subcore_barrier()

        def start(g, idx_b, msg_b, sem_i, sem_m):
            pltpu.async_copy(ei_hbm.at[pl.ds(ibase + g * K, K)], idx_b, sem_i)
            pltpu.async_copy(msg_hbm.at[pl.ds(mbase + g * K, K)], msg_b,
                             sem_m)

        def wait(idx_b, msg_b, sem_i, sem_m):
            pltpu.make_async_copy(ei_hbm.at[pl.ds(ibase, K)], idx_b,
                                  sem_i).wait()
            pltpu.make_async_copy(msg_hbm.at[pl.ds(mbase, K)], msg_b,
                                  sem_m).wait()

        start(0, idx0, msg0, sem_i0, sem_m0)

        def pipe(i, carry):
            g1 = i * 2 + 1

            @pl.when(g1 < nch)
            def _():
                start(g1, idx1, msg1, sem_i1, sem_m1)

            wait(idx0, msg0, sem_i0, sem_m0)
            pltpu.sync_copy(msg0, acc.at[idx0], add=True)

            @pl.when(g1 + 1 < nch)
            def _():
                start(g1 + 1, idx0, msg0, sem_i0, sem_m0)

            @pl.when(g1 < nch)
            def _():
                wait(idx1, msg1, sem_i1, sem_m1)
                pltpu.sync_copy(msg1, acc.at[idx1], add=True)

            return carry

        lax.fori_loop(0, (nch + 1) // 2, pipe, 0)
        plsc.subcore_barrier()

        def dchunk(t, carry):
            j = s + t * NS

            @pl.when(j < NZCH)
            def _():
                pltpu.sync_copy(acc.at[pl.ds(j * ZR, ZR)],
                                out_hbm.at[pl.ds(c * N + j * ZR, ZR)])

            return carry

        lax.fori_loop(0, (NZCH + NS - 1) // NS, dchunk, 0)

    return functools.partial(
        pl.kernel,
        out_type=jax.ShapeDtypeStruct((NC * N, D), jnp.float32),
        mesh=_mesh,
        scratch_types=[
            pltpu.VMEM_SHARED((N, D), jnp.float32),
            pltpu.VMEM((K,), jnp.int32),
            pltpu.VMEM((K,), jnp.int32),
            pltpu.VMEM((K, D), jnp.float32),
            pltpu.VMEM((K, D), jnp.float32),
            pltpu.VMEM((ZR, D), jnp.float32),
            pltpu.SemaphoreType.DMA,
            pltpu.SemaphoreType.DMA,
            pltpu.SemaphoreType.DMA,
            pltpu.SemaphoreType.DMA,
        ],
    )(body)


_sc_scatters = [_make_sc_scatter(b * BE, n * BE) for b, n in CHUNKS]


def _acos_poly(x):
    p = jnp.float32(-0.0012624911)
    for a in (0.0066700901, -0.0170881256, 0.0308918810, -0.0501743046,
              0.0889789874, -0.2145988016, 1.5707963050):
        p = p * x + jnp.float32(a)
    return jnp.sqrt(jnp.maximum(jnp.float32(1.0) - x, jnp.float32(0.0))) * p


def _tc_edge_body(rbft_ref, m_ref, w1rt_ref, w1a_ref, b1_ref, w2t_ref, b2_ref,
                  out_ref):
    mrow = m_ref[...].reshape(MB, 128)
    ang = jnp.float32(PI) - _acos_poly(mrow)
    ang_rep = jnp.broadcast_to(ang[:, None, :],
                               (MB, 128, 128)).reshape(BE, 128)
    sub = lax.broadcasted_iota(jnp.int32, (BE, 128), 0)
    lane = lax.broadcasted_iota(jnp.int32, (BE, 128), 1)
    m1 = jnp.where(lax.rem(sub, 128) == lane, ang_rep, jnp.float32(0.0))
    wb = jnp.broadcast_to(w1a_ref[...], (128, D))
    z_ang = jnp.dot(m1, wb, preferred_element_type=jnp.float32)
    z = lax.dot_general(rbft_ref[...], w1rt_ref[...],
                        (((0,), (0,)), ((), ())),
                        preferred_element_type=jnp.float32)
    z = z + z_ang + b1_ref[...]
    h = z * (jnp.float32(1.0) / (jnp.float32(1.0) + jnp.exp(-z)))
    out_ref[...] = jnp.dot(h.astype(jnp.bfloat16), w2t_ref[...],
                           preferred_element_type=jnp.float32) + b2_ref[...]


def _make_tc_edge(ebase, eh):
    bb = ebase // BE
    nblk = eh // BE

    def call(rbft, m3, w1rt, w1a, b1, w2t, b2):
        return pl.pallas_call(
            _tc_edge_body,
            grid=(nblk,),
            in_specs=[
                pl.BlockSpec((R, BE), lambda i: (0, i + bb)),
                pl.BlockSpec((1, MB, 128), lambda i: (i, 0, 0)),
                pl.BlockSpec((R, D), lambda i: (0, 0)),
                pl.BlockSpec((1, D), lambda i: (0, 0)),
                pl.BlockSpec((1, D), lambda i: (0, 0)),
                pl.BlockSpec((D, D), lambda i: (0, 0)),
                pl.BlockSpec((1, D), lambda i: (0, 0)),
            ],
            out_specs=pl.BlockSpec((BE, D), lambda i: (i, 0)),
            out_shape=jax.ShapeDtypeStruct((eh, D), jnp.float32),
        )(rbft, m3, w1rt, w1a, b1, w2t, b2)

    return call


_tc_edges = [_make_tc_edge(b * BE, n * BE) for b, n in CHUNKS]


BN = 2000


def _tc_node_body(*refs):
    x_ref = refs[0]
    prefs = refs[1:-5]
    w3t_ref, b3_ref, w4t_ref, b4_ref, out_ref = refs[-5:]
    agg = prefs[0][...]
    for p in prefs[1:]:
        agg = agg + p[...]
    t = jnp.dot(agg, w3t_ref[...],
                preferred_element_type=jnp.float32) + b3_ref[...]
    u = t * (jnp.float32(1.0) / (jnp.float32(1.0) + jnp.exp(-t)))
    upd = jnp.dot(u, w4t_ref[...],
                  preferred_element_type=jnp.float32) + b4_ref[...]
    out_ref[...] = x_ref[...] + upd


def _tc_node(x, parts, w3t, b3, w4t, b4):
    nb = N // BN
    pspecs = []
    pargs = []
    for p in parts:
        pspecs.append(pl.BlockSpec((BN, D), lambda i: (i, 0)))
        pspecs.append(pl.BlockSpec((BN, D), lambda i, nb=nb: (i + nb, 0)))
        pargs.append(p)
        pargs.append(p)
    return pl.pallas_call(
        _tc_node_body,
        grid=(nb,),
        in_specs=[pl.BlockSpec((BN, D), lambda i: (i, 0))] + pspecs + [
            pl.BlockSpec((D, D), lambda i: (0, 0)),
            pl.BlockSpec((1, D), lambda i: (0, 0)),
            pl.BlockSpec((D, D), lambda i: (0, 0)),
            pl.BlockSpec((1, D), lambda i: (0, 0)),
        ],
        out_specs=pl.BlockSpec((BN, D), lambda i: (i, 0)),
        out_shape=jax.ShapeDtypeStruct((N, D), jnp.float32),
    )(x, *pargs, w3t, b3, w4t, b4)


@jax.jit
def kernel(x, edge_index, coord, rbf_feature, W1, b1, W2, b2, W3, b3, W4, b4):
    ei_flat = edge_index.astype(jnp.int32).reshape(2 * E)
    coord_flat = coord.astype(jnp.float32).reshape(3 * N)

    w1rt = W1[:, :R].T
    w1a = W1[:, R].reshape(1, D)
    b1r = b1.reshape(1, D)
    w2t = W2.T.astype(jnp.bfloat16)
    b2r = b2.reshape(1, D)
    w3t = W3.T
    b3r = b3.reshape(1, D)
    w4t = W4.T
    b4r = b4.reshape(1, D)
    rbft = rbf_feature.T

    parts = []
    for (b, n), ang_k, edge_k, scat_k in zip(CHUNKS, _sc_angles, _tc_edges,
                                             _sc_scatters):
        m = ang_k(coord_flat, ei_flat)
        msg = edge_k(rbft, m.reshape(n, MB, 128),
                     w1rt, w1a, b1r, w2t, b2r)
        parts.append(scat_k(msg, ei_flat))
    return _tc_node(x, parts, w3t, b3r, w4t, b4r)

# --- scband reference (transcript-rebuilt; emitter-appended) ---
"""Pipeline reference for scband-dime-net-block-37220186587473 (READ-ONLY COPY).

The authoritative reference and input builder live on the scoring server;
editing this copy changes nothing except your own understanding.
"""

import jax, jax.numpy as jnp
import numpy as np


def _normalize(v, eps=1e-12):
    n = jnp.linalg.norm(v, axis=-1, keepdims=True)
    return v / jnp.maximum(n, eps)


def compute_angle(v1, v2, eps=1e-08):
    c = (_normalize(v1) * _normalize(v2)).sum(-1)
    c = jnp.clip(c, -1.0 + eps, 1.0 - eps)
    return jnp.arccos(c)[..., None]


def setup_inputs(seed: int = 0):
    key = jax.random.key(seed)
    ks = jax.random.split(key, 12)
    N, E, D, R = 10000, 320000, 128, 16
    x = jax.random.normal(ks[0], (N, D), dtype=jnp.float32)
    edge_index = jax.random.randint(ks[1], (2, E), 0, N)
    coord = jax.random.normal(ks[2], (N, 3), dtype=jnp.float32)
    rbf_feature = jax.random.normal(ks[3], (E, R), dtype=jnp.float32)
    s = 0.05
    W1 = jax.random.normal(ks[4], (D, R + 1), dtype=jnp.float32) * s
    b1 = jnp.zeros((D,), dtype=jnp.float32)
    W2 = jax.random.normal(ks[5], (D, D), dtype=jnp.float32) * s
    b2 = jnp.zeros((D,), dtype=jnp.float32)
    W3 = jax.random.normal(ks[6], (D, D), dtype=jnp.float32) * s
    b3 = jnp.zeros((D,), dtype=jnp.float32)
    W4 = jax.random.normal(ks[7], (D, D), dtype=jnp.float32) * s
    b4 = jnp.zeros((D,), dtype=jnp.float32)
    return {"x": x, "edge_index": edge_index, "coord": coord, "rbf_feature": rbf_feature,
            "W1": W1, "b1": b1, "W2": W2, "b2": b2, "W3": W3, "b3": b3, "W4": W4, "b4": b4}


def reference(x, edge_index, coord, rbf_feature, W1, b1, W2, b2, W3, b3, W4, b4):
    row = edge_index[0]
    col = edge_index[1]
    v_ij = coord[row] - coord[col]
    angle = compute_angle(v_ij, -v_ij)
    edge_feat = jnp.concatenate([rbf_feature, angle], axis=-1)
    h = jax.nn.silu(edge_feat @ W1.T + b1)
    edge_msg = h @ W2.T + b2
    out = jnp.zeros_like(x).at[row].add(edge_msg)
    u = jax.nn.silu(out @ W3.T + b3)
    upd = u @ W4.T + b4
    return x + upd

if __name__ == "__main__":
    import jax
    _d = setup_inputs()
    print(jax.jit(kernel)(*tuple(_d.values())))

</pallas_src>

<mosaic_0001>
#map = affine_map<(d0, d1) -> (0)>
module attributes {stable_mosaic.version = 14 : i64} {
  func.func @body(%arg0: i32, %arg1: i32, %arg2: memref<30000xf32, #tpu.memory_space<hbm>>, %arg3: memref<640000xi32, #tpu.memory_space<hbm>>, %arg4: memref<158720xf32, #tpu.memory_space<hbm>>, %arg5: memref<30000xf32, #tpu.memory_space<vmem>>, %arg6: memref<4960xi32, #tpu.memory_space<vmem>>, %arg7: memref<4960xi32, #tpu.memory_space<vmem>>, %arg8: memref<4960xf32, #tpu.memory_space<vmem>>, %arg9: memref<!tpu.dma_semaphore, #tpu.memory_space<semaphore_mem>>) attributes {dimension_semantics = [#tpu.dimension_semantics<core_parallel>, #tpu.dimension_semantics<subcore_parallel>], iteration_bounds = array<i64: 2, 16>, scalar_prefetch = 0 : i64, scratch_operands = 5 : i64, tpu.core_type = #tpu.core_type<sc_vector_subcore>, window_params = [{transform_indices = #map}, {transform_indices = #map}, {transform_indices = #map}]} {
    %mul3A = arith.constant 2 : i32
    %mul3A_0 = arith.muli %arg1, %mul3A : i32
    %add3A = arith.addi %mul3A_0, %arg0 : i32
    %mul3A_1 = arith.constant 4960 : i32
    %mul3A_2 = arith.muli %add3A, %mul3A_1 : i32
    %add3A_3 = arith.constant 161280 : i32
    %add3A_4 = arith.addi %add3A_3, %mul3A_2 : i32
    tpu.enqueue_dma source(%arg2 : memref<30000xf32, #tpu.memory_space<hbm>>) target(%arg5 : memref<30000xf32, #tpu.memory_space<vmem>>) target_semaphore(%arg9 : memref<!tpu.dma_semaphore, #tpu.memory_space<semaphore_mem>>)
    tpu.wait_dma2 semaphore(%arg9 : memref<!tpu.dma_semaphore, #tpu.memory_space<semaphore_mem>>) src(%arg2 : memref<30000xf32, #tpu.memory_space<hbm>>) dst(%arg5 : memref<30000xf32, #tpu.memory_space<vmem>>)
    %dma_start3A = tpu.memref_slice %arg3[%add3A_4] : memref<640000xi32, #tpu.memory_space<hbm>> -> memref<4960xi32, #tpu.memory_space<hbm>>
    %dma_start3A_5 = tpu.memref_slice %arg3[%add3A_4] : memref<640000xi32, #tpu.memory_space<hbm>> -> memref<4960xi32, #tpu.memory_space<hbm>>
    tpu.enqueue_dma source(%dma_start3A_5 : memref<4960xi32, #tpu.memory_space<hbm>>) target(%arg6 : memref<4960xi32, #tpu.memory_space<vmem>>) target_semaphore(%arg9 : memref<!tpu.dma_semaphore, #tpu.memory_space<semaphore_mem>>)
    %dma_wait3A = tpu.memref_slice %arg3[%add3A_4] : memref<640000xi32, #tpu.memory_space<hbm>> -> memref<4960xi32, #tpu.memory_space<hbm>>
    %dma_wait3A_6 = tpu.memref_slice %arg3[%add3A_4] : memref<640000xi32, #tpu.memory_space<hbm>> -> memref<4960xi32, #tpu.memory_space<hbm>>
    tpu.wait_dma2 semaphore(%arg9 : memref<!tpu.dma_semaphore, #tpu.memory_space<semaphore_mem>>) src(%dma_wait3A_6 : memref<4960xi32, #tpu.memory_space<hbm>>) dst(%arg6 : memref<4960xi32, #tpu.memory_space<vmem>>)
    %add3A_7 = arith.constant 320000 : i32
    %add3A_8 = arith.addi %add3A_7, %add3A_4 : i32
    %dma_start3A_9 = tpu.memref_slice %arg3[%add3A_8] : memref<640000xi32, #tpu.memory_space<hbm>> -> memref<4960xi32, #tpu.memory_space<hbm>>
    %dma_start3A_10 = tpu.memref_slice %arg3[%add3A_8] : memref<640000xi32, #tpu.memory_space<hbm>> -> memref<4960xi32, #tpu.memory_space<hbm>>
    tpu.enqueue_dma source(%dma_start3A_10 : memref<4960xi32, #tpu.memory_space<hbm>>) target(%arg7 : memref<4960xi32, #tpu.memory_space<vmem>>) target_semaphore(%arg9 : memref<!tpu.dma_semaphore, #tpu.memory_space<semaphore_mem>>)
    %dma_wait3A_11 = tpu.memref_slice %arg3[%add3A_8] : memref<640000xi32, #tpu.memory_space<hbm>> -> memref<4960xi32, #tpu.memory_space<hbm>>
    %dma_wait3A_12 = tpu.memref_slice %arg3[%add3A_8] : memref<640000xi32, #tpu.memory_space<hbm>> -> memref<4960xi32, #tpu.memory_space<hbm>>
    tpu.wait_dma2 semaphore(%arg9 : memref<!tpu.dma_semaphore, #tpu.memory_space<semaphore_mem>>) src(%dma_wait3A_12 : memref<4960xi32, #tpu.memory_space<hbm>>) dst(%arg7 : memref<4960xi32, #tpu.memory_space<vmem>>)
    %scan3A = arith.constant 0 : i32
    %scan3A_13 = arith.constant 0 : i32
    %scan3A_14 = arith.constant 155 : i32
    %scan3A_15 = arith.addi %scan3A_13, %scan3A_14 : i32
    %scan3A_16 = arith.constant 1 : i32
    scf.for %scan3A_20 = %scan3A_13 to %scan3A_15 step %scan3A_16  : i32 {
      %mul3A_21 = arith.constant 2 : i32
      %mul3A_22 = arith.muli %mul3A_21, %scan3A_20 : i32
      %mul3A_23 = arith.constant 16 : i32
      %mul3A_24 = arith.muli %mul3A_22, %mul3A_23 : i32
      %get3A = arith.index_cast %mul3A_24 : i32 to index
      %get3A_25 = tpu.vector_load %arg6[%get3A] {strides = array<i32>} : memref<4960xi32, #tpu.memory_space<vmem>>, vector<16xi32>,
      %mul3A_26 = arith.constant 3 : i32
      %mul3A_27 = vector.broadcast %mul3A_26 : i32 to vector<16xi32>
      %mul3A_28 = arith.muli %get3A_25, %mul3A_27 : vector<16xi32>
      %get3A_29 = arith.index_cast %mul3A_24 : i32 to index
      %get3A_30 = tpu.vector_load %arg7[%get3A_29] {strides = array<i32>} : memref<4960xi32, #tpu.memory_space<vmem>>, vector<16xi32>,
      %mul3A_31 = arith.constant 3 : i32
      %mul3A_32 = vector.broadcast %mul3A_31 : i32 to vector<16xi32>
      %mul3A_33 = arith.muli %get3A_30, %mul3A_32 : vector<16xi32>
      %gather3A = tpu.vector_load_idx %arg5[%mul3A_28] : memref<30000xf32, #tpu.memory_space<vmem>>[vector<16xi32>], vector<16xf32>,
      %add3A_34 = arith.constant 1 : i32
      %add3A_35 = vector.broadcast %add3A_34 : i32 to vector<16xi32>
      %add3A_36 = arith.addi %mul3A_28, %add3A_35 : vector<16xi32>
      %gather3A_37 = tpu.vector_load_idx %arg5[%add3A_36] : memref<30000xf32, #tpu.memory_space<vmem>>[vector<16xi32>], vector<16xf32>,
      %add3A_38 = arith.constant 2 : i32
      %add3A_39 = vector.broadcast %add3A_38 : i32 to vector<16xi32>
      %add3A_40 = arith.addi %mul3A_28, %add3A_39 : vector<16xi32>
      %gather3A_41 = tpu.vector_load_idx %arg5[%add3A_40] : memref<30000xf32, #tpu.memory_space<vmem>>[vector<16xi32>], vector<16xf32>,
      %gather3A_42 = tpu.vector_load_idx %arg5[%mul3A_33] : memref<30000xf32, #tpu.memory_space<vmem>>[vector<16xi32>], vector<16xf32>,
      %add3A_43 = arith.constant 1 : i32
      %add3A_44 = vector.broadcast %add3A_43 : i32 to vector<16xi32>
      %add3A_45 = arith.addi %mul3A_33, %add3A_44 : vector<16xi32>
      %gather3A_46 = tpu.vector_load_idx %arg5[%add3A_45] : memref<30000xf32, #tpu.memory_space<vmem>>[vector<16xi32>], vector<16xf32>,
      %add3A_47 = arith.constant 2 : i32
      %add3A_48 = vector.broadcast %add3A_47 : i32 to vector<16xi32>
      %add3A_49 = arith.addi %mul3A_33, %add3A_48 : vector<16xi32>
      %gather3A_50 = tpu.vector_load_idx %arg5[%add3A_49] : memref<30000xf32, #tpu.memory_space<vmem>>[vector<16xi32>], vector<16xf32>,
      %sub3A = arith.subf %gather3A, %gather3A_42 : vector<16xf32>
      %sub3A_51 = arith.subf %gather3A_37, %gather3A_46 : vector<16xf32>
      %sub3A_52 = arith.subf %gather3A_41, %gather3A_50 : vector<16xf32>
      %mul3A_53 = arith.mulf %sub3A, %sub3A : vector<16xf32>
      %mul3A_54 = arith.mulf %sub3A_51, %sub3A_51 : vector<16xf32>
      %add3A_55 = arith.addf %mul3A_53, %mul3A_54 : vector<16xf32>
      %mul3A_56 = arith.mulf %sub3A_52, %sub3A_52 : vector<16xf32>
      %add3A_57 = arith.addf %add3A_55, %mul3A_56 : vector<16xf32>
      %mul3A_58 = arith.constant 1.000000e+24 : f32
      %mul3A_59 = vector.broadcast %mul3A_58 : f32 to vector<16xf32>
      %mul3A_60 = arith.mulf %add3A_57, %mul3A_59 : vector<16xf32>
      %min3A = arith.constant 1.000000e+00 : f32
      %min3A_61 = vector.broadcast %min3A : f32 to vector<16xf32>
      %min3A_62 = arith.minimumf %mul3A_60, %min3A_61 : vector<16xf32>
      %swap3A = arith.index_cast %mul3A_24 : i32 to index
      %swap3A_63 = tpu.vector_load %arg8[%swap3A] {strides = array<i32>} : memref<4960xf32, #tpu.memory_space<vmem>>, vector<16xf32>,
      tpu.vector_store %arg8[%swap3A], %min3A_62 {strides = array<i32>} : memref<4960xf32, #tpu.memory_space<vmem>>, vector<16xf32>,
      %mul3A_64 = arith.constant 2 : i32
      %mul3A_65 = arith.muli %mul3A_64, %scan3A_20 : i32
      %add3A_66 = arith.constant 1 : i32
      %add3A_67 = arith.addi %mul3A_65, %add3A_66 : i32
      %mul3A_68 = arith.constant 16 : i32
      %mul3A_69 = arith.muli %add3A_67, %mul3A_68 : i32
      %get3A_70 = arith.index_cast %mul3A_69 : i32 to index
      %get3A_71 = tpu.vector_load %arg6[%get3A_70] {strides = array<i32>} : memref<4960xi32, #tpu.memory_space<vmem>>, vector<16xi32>,
      %mul3A_72 = arith.constant 3 : i32
      %mul3A_73 = vector.broadcast %mul3A_72 : i32 to vector<16xi32>
      %mul3A_74 = arith.muli %get3A_71, %mul3A_73 : vector<16xi32>
      %get3A_75 = arith.index_cast %mul3A_69 : i32 to index
      %get3A_76 = tpu.vector_load %arg7[%get3A_75] {strides = array<i32>} : memref<4960xi32, #tpu.memory_space<vmem>>, vector<16xi32>,
      %mul3A_77 = arith.constant 3 : i32
      %mul3A_78 = vector.broadcast %mul3A_77 : i32 to vector<16xi32>
      %mul3A_79 = arith.muli %get3A_76, %mul3A_78 : vector<16xi32>
      %gather3A_80 = tpu.vector_load_idx %arg5[%mul3A_74] : memref<30000xf32, #tpu.memory_space<vmem>>[vector<16xi32>], vector<16xf32>,
      %add3A_81 = arith.constant 1 : i32
      %add3A_82 = vector.broadcast %add3A_81 : i32 to vector<16xi32>
      %add3A_83 = arith.addi %mul3A_74, %add3A_82 : vector<16xi32>
      %gather3A_84 = tpu.vector_load_idx %arg5[%add3A_83] : memref<30000xf32, #tpu.memory_space<vmem>>[vector<16xi32>], vector<16xf32>,
      %add3A_85 = arith.constant 2 : i32
      %add3A_86 = vector.broadcast %add3A_85 : i32 to vector<16xi32>
      %add3A_87 = arith.addi %mul3A_74, %add3A_86 : vector<16xi32>
      %gather3A_88 = tpu.vector_load_idx %arg5[%add3A_87] : memref<30000xf32, #tpu.memory_space<vmem>>[vector<16xi32>], vector<16xf32>,
      %gather3A_89 = tpu.vector_load_idx %arg5[%mul3A_79] : memref<30000xf32, #tpu.memory_space<vmem>>[vector<16xi32>], vector<16xf32>,
      %add3A_90 = arith.constant 1 : i32
      %add3A_91 = vector.broadcast %add3A_90 : i32 to vector<16xi32>
      %add3A_92 = arith.addi %mul3A_79, %add3A_91 : vector<16xi32>
      %gather3A_93 = tpu.vector_load_idx %arg5[%add3A_92] : memref<30000xf32, #tpu.memory_space<vmem>>[vector<16xi32>], vector<16xf32>,
      %add3A_94 = arith.constant 2 : i32
      %add3A_95 = vector.broadcast %add3A_94 : i32 to vector<16xi32>
      %add3A_96 = arith.addi %mul3A_79, %add3A_95 : vector<16xi32>
      %gather3A_97 = tpu.vector_load_idx %arg5[%add3A_96] : memref<30000xf32, #tpu.memory_space<vmem>>[vector<16xi32>], vector<16xf32>,
      %sub3A_98 = arith.subf %gather3A_80, %gather3A_89 : vector<16xf32>
      %sub3A_99 = arith.subf %gather3A_84, %gather3A_93 : vector<16xf32>
      %sub3A_100 = arith.subf %gather3A_88, %gather3A_97 : vector<16xf32>
      %mul3A_101 = arith.mulf %sub3A_98, %sub3A_98 : vector<16xf32>
      %mul3A_102 = arith.mulf %sub3A_99, %sub3A_99 : vector<16xf32>
      %add3A_103 = arith.addf %mul3A_101, %mul3A_102 : vector<16xf32>
      %mul3A_104 = arith.mulf %sub3A_100, %sub3A_100 : vector<16xf32>
      %add3A_105 = arith.addf %add3A_103, %mul3A_104 : vector<16xf32>
      %mul3A_106 = arith.constant 1.000000e+24 : f32
      %mul3A_107 = vector.broadcast %mul3A_106 : f32 to vector<16xf32>
      %mul3A_108 = arith.mulf %add3A_105, %mul3A_107 : vector<16xf32>
      %min3A_109 = arith.constant 1.000000e+00 : f32
      %min3A_110 = vector.broadcast %min3A_109 : f32 to vector<16xf32>
      %min3A_111 = arith.minimumf %mul3A_108, %min3A_110 : vector<16xf32>
      %swap3A_112 = arith.index_cast %mul3A_69 : i32 to index
      %swap3A_113 = tpu.vector_load %arg8[%swap3A_112] {strides = array<i32>} : memref<4960xf32, #tpu.memory_space<vmem>>, vector<16xf32>,
      tpu.vector_store %arg8[%swap3A_112], %min3A_111 {strides = array<i32>} : memref<4960xf32, #tpu.memory_space<vmem>>, vector<16xf32>,
    }
    %scan3A_17 = arith.constant 155 : i32
    %mul3A_18 = arith.constant 4960 : i32
    %mul3A_19 = arith.muli %add3A, %mul3A_18 : i32
    "tpu.region"() ({
      %run_scoped3A = tpu.sem_alloc : memref<!tpu.dma_semaphore, #tpu.memory_space<semaphore_mem>>
      %dma_start3A_20 = tpu.memref_slice %arg4[%mul3A_19] : memref<158720xf32, #tpu.memory_space<hbm>> -> memref<4960xf32, #tpu.memory_space<hbm>>
      %dma_start3A_21 = tpu.memref_slice %arg4[%mul3A_19] : memref<158720xf32, #tpu.memory_space<hbm>> -> memref<4960xf32, #tpu.memory_space<hbm>>
      tpu.enqueue_dma source(%arg8 : memref<4960xf32, #tpu.memory_space<vmem>>) target(%dma_start3A_21 : memref<4960xf32, #tpu.memory_space<hbm>>) target_semaphore(%run_scoped3A : memref<!tpu.dma_semaphore, #tpu.memory_space<semaphore_mem>>)
      %dma_wait3A_22 = tpu.memref_slice %arg4[%mul3A_19] : memref<158720xf32, #tpu.memory_space<hbm>> -> memref<4960xf32, #tpu.memory_space<hbm>>
      %dma_wait3A_23 = tpu.memref_slice %arg4[%mul3A_19] : memref<158720xf32, #tpu.memory_space<hbm>> -> memref<4960xf32, #tpu.memory_space<hbm>>
      tpu.wait_dma2 semaphore(%run_scoped3A : memref<!tpu.dma_semaphore, #tpu.memory_space<semaphore_mem>>) src(%arg8 : memref<4960xf32, #tpu.memory_space<vmem>>) dst(%dma_wait3A_23 : memref<4960xf32, #tpu.memory_space<hbm>>)
      tpu.yield
    }) : () -> ()
    return
  }
}

#map = affine_map<(d0, d1) -> (0, 0)>
#map1 = affine_map<(d0, d1) -> (0)>
module attributes {stable_mosaic.version = 14 : i64} {
  func.func @body(%arg0: i32, %arg1: i32, %arg2: memref<161280x128xf32, #tpu.memory_space<hbm>>, %arg3: memref<640000xi32, #tpu.memory_space<hbm>>, %arg4: memref<20000x128xf32, #tpu.memory_space<hbm>>, %arg5: memref<10000x128xf32, #tpu.memory_space<vmem_shared>>, %arg6: memref<80xi32, #tpu.memory_space<vmem>>, %arg7: memref<80xi32, #tpu.memory_space<vmem>>, %arg8: memref<80x128xf32, #tpu.memory_space<vmem>>, %arg9: memref<80x128xf32, #tpu.memory_space<vmem>>, %arg10: memref<80x128xf32, #tpu.memory_space<vmem>>, %arg11: memref<!tpu.dma_semaphore, #tpu.memory_space<semaphore_mem>>, %arg12: memref<!tpu.dma_semaphore, #tpu.memory_space<semaphore_mem>>, %arg13: memref<!tpu.dma_semaphore, #tpu.memory_space<semaphore_mem>>, %arg14: memref<!tpu.dma_semaphore, #tpu.memory_space<semaphore_mem>>) attributes {dimension_semantics = [#tpu.dimension_semantics<core_parallel>, #tpu.dimension_semantics<subcore_parallel>], iteration_bounds = array<i64: 2, 16>, scalar_prefetch = 0 : i64, scratch_operands = 10 : i64, tpu.core_type = #tpu.core_type<sc_vector_subcore>, window_params = [{transform_indices = #map}, {transform_indices = #map1}, {transform_indices = #map}]} {
    %mul3A = arith.constant 2 : i32
    %mul3A_0 = arith.muli %arg1, %mul3A : i32
    %add3A = arith.addi %mul3A_0, %arg0 : i32
    %mul3A_1 = arith.constant 5040 : i32
    %mul3A_2 = arith.muli %add3A, %mul3A_1 : i32
    %mul3A_3 = arith.constant 5040 : i32
    %mul3A_4 = arith.muli %add3A, %mul3A_3 : i32
    %add3A_5 = arith.constant 0 : i32
    %add3A_6 = arith.addi %add3A_5, %mul3A_4 : i32
    %scan3A = arith.constant 0 : i32
    %scan3A_7 = arith.constant 0 : i32
    %scan3A_8 = arith.constant 80 : i32
    %scan3A_9 = arith.addi %scan3A_7, %scan3A_8 : i32
    %scan3A_10 = arith.constant 1 : i32
    scf.for %scan3A_40 = %scan3A_7 to %scan3A_9 step %scan3A_10  : i32 {
      %broadcast_in_dim3A = arith.constant 0.000000e+00 : f32
      %broadcast_in_dim3A_41 = vector.broadcast %broadcast_in_dim3A : f32 to vector<16xf32>
      %swap3A = arith.index_cast %scan3A_40 : i32 to index
      %swap3A_42 = arith.constant 0 : index
      %swap3A_43 = tpu.vector_load %arg10[%swap3A, %swap3A_42] {strides = array<i32>} : memref<80x128xf32, #tpu.memory_space<vmem>>, vector<1x16xf32>,
      %swap3A_44 = vector.shape_cast %swap3A_43 : vector<1x16xf32> to vector<16xf32>
      %swap3A_45 = vector.shape_cast %broadcast_in_dim3A_41 : vector<16xf32> to vector<1x16xf32>
      tpu.vector_store %arg10[%swap3A, %swap3A_42], %swap3A_45 {strides = array<i32>} : memref<80x128xf32, #tpu.memory_space<vmem>>, vector<1x16xf32>,
      %broadcast_in_dim3A_46 = arith.constant 0.000000e+00 : f32
      %broadcast_in_dim3A_47 = vector.broadcast %broadcast_in_dim3A_46 : f32 to vector<16xf32>
      %swap3A_48 = arith.index_cast %scan3A_40 : i32 to index
      %swap3A_49 = arith.constant 16 : index
      %swap3A_50 = tpu.vector_load %arg10[%swap3A_48, %swap3A_49] {strides = array<i32>} : memref<80x128xf32, #tpu.memory_space<vmem>>, vector<1x16xf32>,
      %swap3A_51 = vector.shape_cast %swap3A_50 : vector<1x16xf32> to vector<16xf32>
      %swap3A_52 = vector.shape_cast %broadcast_in_dim3A_47 : vector<16xf32> to vector<1x16xf32>
      tpu.vector_store %arg10[%swap3A_48, %swap3A_49], %swap3A_52 {strides = array<i32>} : memref<80x128xf32, #tpu.memory_space<vmem>>, vector<1x16xf32>,
      %broadcast_in_dim3A_53 = arith.constant 0.000000e+00 : f32
      %broadcast_in_dim3A_54 = vector.broadcast %broadcast_in_dim3A_53 : f32 to vector<16xf32>
      %swap3A_55 = arith.index_cast %scan3A_40 : i32 to index
      %swap3A_56 = arith.constant 32 : index
      %swap3A_57 = tpu.vector_load %arg10[%swap3A_55, %swap3A_56] {strides = array<i32>} : memref<80x128xf32, #tpu.memory_space<vmem>>, vector<1x16xf32>,
      %swap3A_58 = vector.shape_cast %swap3A_57 : vector<1x16xf32> to vector<16xf32>
      %swap3A_59 = vector.shape_cast %broadcast_in_dim3A_54 : vector<16xf32> to vector<1x16xf32>
      tpu.vector_store %arg10[%swap3A_55, %swap3A_56], %swap3A_59 {strides = array<i32>} : memref<80x128xf32, #tpu.memory_space<vmem>>, vector<1x16xf32>,
      %broadcast_in_dim3A_60 = arith.constant 0.000000e+00 : f32
      %broadcast_in_dim3A_61 = vector.broadcast %broadcast_in_dim3A_60 : f32 to vector<16xf32>
      %swap3A_62 = arith.index_cast %scan3A_40 : i32 to index
      %swap3A_63 = arith.constant 48 : index
      %swap3A_64 = tpu.vector_load %arg10[%swap3A_62, %swap3A_63] {strides = array<i32>} : memref<80x128xf32, #tpu.memory_space<vmem>>, vector<1x16xf32>,
      %swap3A_65 = vector.shape_cast %swap3A_64 : vector<1x16xf32> to vector<16xf32>
      %swap3A_66 = vector.shape_cast %broadcast_in_dim3A_61 : vector<16xf32> to vector<1x16xf32>
      tpu.vector_store %arg10[%swap3A_62, %swap3A_63], %swap3A_66 {strides = array<i32>} : memref<80x128xf32, #tpu.memory_space<vmem>>, vector<1x16xf32>,
      %broadcast_in_dim3A_67 = arith.constant 0.000000e+00 : f32
      %broadcast_in_dim3A_68 = vector.broadcast %broadcast_in_dim3A_67 : f32 to vector<16xf32>
      %swap3A_69 = arith.index_cast %scan3A_40 : i32 to index
      %swap3A_70 = arith.constant 64 : index
      %swap3A_71 = tpu.vector_load %arg10[%swap3A_69, %swap3A_70] {strides = array<i32>} : memref<80x128xf32, #tpu.memory_space<vmem>>, vector<1x16xf32>,
      %swap3A_72 = vector.shape_cast %swap3A_71 : vector<1x16xf32> to vector<16xf32>
      %swap3A_73 = vector.shape_cast %broadcast_in_dim3A_68 : vector<16xf32> to vector<1x16xf32>
      tpu.vector_store %arg10[%swap3A_69, %swap3A_70], %swap3A_73 {strides = array<i32>} : memref<80x128xf32, #tpu.memory_space<vmem>>, vector<1x16xf32>,
      %broadcast_in_dim3A_74 = arith.constant 0.000000e+00 : f32
      %broadcast_in_dim3A_75 = vector.broadcast %broadcast_in_dim3A_74 : f32 to vector<16xf32>
      %swap3A_76 = arith.index_cast %scan3A_40 : i32 to index
      %swap3A_77 = arith.constant 80 : index
      %swap3A_78 = tpu.vector_load %arg10[%swap3A_76, %swap3A_77] {strides = array<i32>} : memref<80x128xf32, #tpu.memory_space<vmem>>, vector<1x16xf32>,
      %swap3A_79 = vector.shape_cast %swap3A_78 : vector<1x16xf32> to vector<16xf32>
      %swap3A_80 = vector.shape_cast %broadcast_in_dim3A_75 : vector<16xf32> to vector<1x16xf32>
      tpu.vector_store %arg10[%swap3A_76, %swap3A_77], %swap3A_80 {strides = array<i32>} : memref<80x128xf32, #tpu.memory_space<vmem>>, vector<1x16xf32>,
      %broadcast_in_dim3A_81 = arith.constant 0.000000e+00 : f32
      %broadcast_in_dim3A_82 = vector.broadcast %broadcast_in_dim3A_81 : f32 to vector<16xf32>
      %swap3A_83 = arith.index_cast %scan3A_40 : i32 to index
      %swap3A_84 = arith.constant 96 : index
      %swap3A_85 = tpu.vector_load %arg10[%swap3A_83, %swap3A_84] {strides = array<i32>} : memref<80x128xf32, #tpu.memory_space<vmem>>, vector<1x16xf32>,
      %swap3A_86 = vector.shape_cast %swap3A_85 : vector<1x16xf32> to vector<16xf32>
      %swap3A_87 = vector.shape_cast %broadcast_in_dim3A_82 : vector<16xf32> to vector<1x16xf32>
      tpu.vector_store %arg10[%swap3A_83, %swap3A_84], %swap3A_87 {strides = array<i32>} : memref<80x128xf32, #tpu.memory_space<vmem>>, vector<1x16xf32>,
      %broadcast_in_dim3A_88 = arith.constant 0.000000e+00 : f32
      %broadcast_in_dim3A_89 = vector.broadcast %broadcast_in_dim3A_88 : f32 to vector<16xf32>
      %swap3A_90 = arith.index_cast %scan3A_40 : i32 to index
      %swap3A_91 = arith.constant 112 : index
      %swap3A_92 = tpu.vector_load %arg10[%swap3A_90, %swap3A_91] {strides = array<i32>} : memref<80x128xf32, #tpu.memory_space<vmem>>, vector<1x16xf32>,
      %swap3A_93 = vector.shape_cast %swap3A_92 : vector<1x16xf32> to vector<16xf32>
      %swap3A_94 = vector.shape_cast %broadcast_in_dim3A_89 : vector<16xf32> to vector<1x16xf32>
      tpu.vector_store %arg10[%swap3A_90, %swap3A_91], %swap3A_94 {strides = array<i32>} : memref<80x128xf32, #tpu.memory_space<vmem>>, vector<1x16xf32>,
    }
    %scan3A_11 = arith.constant 80 : i32
    %scan3A_12 = arith.constant 0 : i32
    %scan3A_13 = arith.constant 0 : i32
    %scan3A_14 = arith.constant 8 : i32
    %scan3A_15 = arith.addi %scan3A_13, %scan3A_14 : i32
    %scan3A_16 = arith.constant 1 : i32
    scf.for %scan3A_40 = %scan3A_13 to %scan3A_15 step %scan3A_16  : i32 {
      %mul3A_41 = arith.constant 16 : i32
      %mul3A_42 = arith.muli %scan3A_40, %mul3A_41 : i32
      %add3A_43 = arith.addi %arg1, %mul3A_42 : i32
      %lt3A = arith.constant 125 : i32
      %lt3A_44 = arith.cmpi slt, %add3A_43, %lt3A : i32
      %convert_element_type3A = arith.extui %lt3A_44 : i1 to i32
      %cond3A = arith.constant 0 : i32
      %cond3A_45 = arith.cmpi ne, %convert_element_type3A, %cond3A : i32
      scf.if %cond3A_45 {
        %mul3A_46 = arith.constant 80 : i32
        %mul3A_47 = arith.muli %add3A_43, %mul3A_46 : i32
        "tpu.region"() ({
          %run_scoped3A = tpu.sem_alloc : memref<!tpu.dma_semaphore, #tpu.memory_space<semaphore_mem>>
          %dma_start3A_48 = arith.constant 0 : i32
          %dma_start3A_49 = tpu.memref_slice %arg5[%mul3A_47, %dma_start3A_48] : memref<10000x128xf32, #tpu.memory_space<vmem_shared>> -> memref<80x128xf32, #tpu.memory_space<vmem_shared>>
          %dma_start3A_50 = arith.constant 0 : i32
          %dma_start3A_51 = tpu.memref_slice %arg5[%mul3A_47, %dma_start3A_50] : memref<10000x128xf32, #tpu.memory_space<vmem_shared>> -> memref<80x128xf32, #tpu.memory_space<vmem_shared>>
          tpu.enqueue_dma source(%arg10 : memref<80x128xf32, #tpu.memory_space<vmem>>) target(%dma_start3A_51 : memref<80x128xf32, #tpu.memory_space<vmem_shared>>) target_semaphore(%run_scoped3A : memref<!tpu.dma_semaphore, #tpu.memory_space<semaphore_mem>>)
          %dma_wait3A = arith.constant 0 : i32
          %dma_wait3A_52 = tpu.memref_slice %arg5[%mul3A_47, %dma_wait3A] : memref<10000x128xf32, #tpu.memory_space<vmem_shared>> -> memref<80x128xf32, #tpu.memory_space<vmem_shared>>
          %dma_wait3A_53 = arith.constant 0 : i32
          %dma_wait3A_54 = tpu.memref_slice %arg5[%mul3A_47, %dma_wait3A_53] : memref<10000x128xf32, #tpu.memory_space<vmem_shared>> -> memref<80x128xf32, #tpu.memory_space<vmem_shared>>
          tpu.wait_dma2 semaphore(%run_scoped3A : memref<!tpu.dma_semaphore, #tpu.memory_space<semaphore_mem>>) src(%arg10 : memref<80x128xf32, #tpu.memory_space<vmem>>) dst(%dma_wait3A_54 : memref<80x128xf32, #tpu.memory_space<vmem_shared>>)
          tpu.yield
        }) : () -> ()
      } else {
      }
    }
    %scan3A_17 = arith.constant 8 : i32
    %barrier3A = arith.constant 0 : index
    tpu.barrier barrier_id(%barrier3A)
    %add3A_18 = arith.constant 0 : i32
    %add3A_19 = arith.addi %add3A_6, %add3A_18 : i32
    %dma_start3A = tpu.memref_slice %arg3[%add3A_19] : memref<640000xi32, #tpu.memory_space<hbm>> -> memref<80xi32, #tpu.memory_space<hbm>>
    %dma_start3A_20 = tpu.memref_slice %arg3[%add3A_19] : memref<640000xi32, #tpu.memory_space<hbm>> -> memref<80xi32, #tpu.memory_space<hbm>>
    tpu.enqueue_dma source(%dma_start3A_20 : memref<80xi32, #tpu.memory_space<hbm>>) target(%arg6 : memref<80xi32, #tpu.memory_space<vmem>>) target_semaphore(%arg11 : memref<!tpu.dma_semaphore, #tpu.memory_space<semaphore_mem>>)
    %add3A_21 = arith.constant 0 : i32
    %add3A_22 = arith.addi %mul3A_2, %add3A_21 : i32
    %dma_start3A_23 = arith.constant 0 : i32
    %dma_start3A_24 = tpu.memref_slice %arg2[%add3A_22, %dma_start3A_23] : memref<161280x128xf32, #tpu.memory_space<hbm>> -> memref<80x128xf32, #tpu.memory_space<hbm>>
    %dma_start3A_25 = arith.constant 0 : i32
    %dma_start3A_26 = tpu.memref_slice %arg2[%add3A_22, %dma_start3A_25] : memref<161280x128xf32, #tpu.memory_space<hbm>> -> memref<80x128xf32, #tpu.memory_space<hbm>>
    tpu.enqueue_dma source(%dma_start3A_26 : memref<80x128xf32, #tpu.memory_space<hbm>>) target(%arg8 : memref<80x128xf32, #tpu.memory_space<vmem>>) target_semaphore(%arg13 : memref<!tpu.dma_semaphore, #tpu.memory_space<semaphore_mem>>)
    %scan3A_27 = arith.constant 0 : i32
    %scan3A_28 = arith.constant 0 : i32
    %scan3A_29 = arith.constant 32 : i32
    %scan3A_30 = arith.addi %scan3A_28, %scan3A_29 : i32
    %scan3A_31 = arith.constant 1 : i32
    scf.for %scan3A_40 = %scan3A_28 to %scan3A_30 step %scan3A_31  : i32 {
      %mul3A_41 = arith.constant 2 : i32
      %mul3A_42 = arith.muli %scan3A_40, %mul3A_41 : i32
      %add3A_43 = arith.constant 1 : i32
      %add3A_44 = arith.addi %mul3A_42, %add3A_43 : i32
      %lt3A = arith.constant 63 : i32
      %lt3A_45 = arith.cmpi slt, %add3A_44, %lt3A : i32
      %convert_element_type3A = arith.extui %lt3A_45 : i1 to i32
      %cond3A = arith.constant 0 : i32
      %cond3A_46 = arith.cmpi ne, %convert_element_type3A, %cond3A : i32
      scf.if %cond3A_46 {
        %mul3A_64 = arith.constant 80 : i32
        %mul3A_65 = arith.muli %add3A_44, %mul3A_64 : i32
        %add3A_66 = arith.addi %add3A_6, %mul3A_65 : i32
        %dma_start3A_67 = tpu.memref_slice %arg3[%add3A_66] : memref<640000xi32, #tpu.memory_space<hbm>> -> memref<80xi32, #tpu.memory_space<hbm>>
        %dma_start3A_68 = tpu.memref_slice %arg3[%add3A_66] : memref<640000xi32, #tpu.memory_space<hbm>> -> memref<80xi32, #tpu.memory_space<hbm>>
        tpu.enqueue_dma source(%dma_start3A_68 : memref<80xi32, #tpu.memory_space<hbm>>) target(%arg7 : memref<80xi32, #tpu.memory_space<vmem>>) target_semaphore(%arg12 : memref<!tpu.dma_semaphore, #tpu.memory_space<semaphore_mem>>)
        %mul3A_69 = arith.constant 80 : i32
        %mul3A_70 = arith.muli %add3A_44, %mul3A_69 : i32
        %add3A_71 = arith.addi %mul3A_2, %mul3A_70 : i32
        %dma_start3A_72 = arith.constant 0 : i32
        %dma_start3A_73 = tpu.memref_slice %arg2[%add3A_71, %dma_start3A_72] : memref<161280x128xf32, #tpu.memory_space<hbm>> -> memref<80x128xf32, #tpu.memory_space<hbm>>
        %dma_start3A_74 = arith.constant 0 : i32
        %dma_start3A_75 = tpu.memref_slice %arg2[%add3A_71, %dma_start3A_74] : memref<161280x128xf32, #tpu.memory_space<hbm>> -> memref<80x128xf32, #tpu.memory_space<hbm>>
        tpu.enqueue_dma source(%dma_start3A_75 : memref<80x128xf32, #tpu.memory_space<hbm>>) target(%arg9 : memref<80x128xf32, #tpu.memory_space<vmem>>) target_semaphore(%arg14 : memref<!tpu.dma_semaphore, #tpu.memory_space<semaphore_mem>>)
      } else {
      }
      %dma_wait3A = tpu.memref_slice %arg3[%add3A_6] : memref<640000xi32, #tpu.memory_space<hbm>> -> memref<80xi32, #tpu.memory_space<hbm>>
      %dma_wait3A_47 = tpu.memref_slice %arg3[%add3A_6] : memref<640000xi32, #tpu.memory_space<hbm>> -> memref<80xi32, #tpu.memory_space<hbm>>
      tpu.wait_dma2 semaphore(%arg11 : memref<!tpu.dma_semaphore, #tpu.memory_space<semaphore_mem>>) src(%dma_wait3A_47 : memref<80xi32, #tpu.memory_space<hbm>>) dst(%arg6 : memref<80xi32, #tpu.memory_space<vmem>>)
      %dma_wait3A_48 = arith.constant 0 : i32
      %dma_wait3A_49 = tpu.memref_slice %arg2[%mul3A_2, %dma_wait3A_48] : memref<161280x128xf32, #tpu.memory_space<hbm>> -> memref<80x128xf32, #tpu.memory_space<hbm>>
      %dma_wait3A_50 = arith.constant 0 : i32
      %dma_wait3A_51 = tpu.memref_slice %arg2[%mul3A_2, %dma_wait3A_50] : memref<161280x128xf32, #tpu.memory_space<hbm>> -> memref<80x128xf32, #tpu.memory_space<hbm>>
      tpu.wait_dma2 semaphore(%arg13 : memref<!tpu.dma_semaphore, #tpu.memory_space<semaphore_mem>>) src(%dma_wait3A_51 : memref<80x128xf32, #tpu.memory_space<hbm>>) dst(%arg8 : memref<80x128xf32, #tpu.memory_space<vmem>>)
      "tpu.region"() ({
        %run_scoped3A = tpu.sem_alloc : memref<!tpu.dma_semaphore, #tpu.memory_space<semaphore_mem>>
        %dma_start3A_64 = arith.constant 0 : i32
        %dma_start3A_65 = arith.constant 0 : i32
        %dma_start3A_66 = tpu.memref_slice %arg5[%dma_start3A_64, %dma_start3A_65] : memref<10000x128xf32, #tpu.memory_space<vmem_shared>> -> memref<10000x128xf32, #tpu.memory_space<vmem_shared>>
        tpu.enqueue_indirect_dma source(%arg8 : memref<80x128xf32, #tpu.memory_space<vmem>>) target(%dma_start3A_66 : memref<10000x128xf32, #tpu.memory_space<vmem_shared>>) offsets(%arg6 : memref<80xi32, #tpu.memory_space<vmem>>) semaphore(%run_scoped3A : memref<!tpu.dma_semaphore, #tpu.memory_space<semaphore_mem>>) {add = true}
        %dma_wait3A_67 = arith.constant 0 : i32
        %dma_wait3A_68 = arith.constant 0 : i32
        %dma_wait3A_69 = tpu.memref_slice %arg5[%dma_wait3A_67, %dma_wait3A_68] : memref<10000x128xf32, #tpu.memory_space<vmem_shared>> -> memref<10000x128xf32, #tpu.memory_space<vmem_shared>>
        tpu.wait_indirect_dma semaphore(%run_scoped3A : memref<!tpu.dma_semaphore, #tpu.memory_space<semaphore_mem>>) src(%arg8 : memref<80x128xf32, #tpu.memory_space<vmem>>) dst(%dma_wait3A_69 : memref<10000x128xf32, #tpu.memory_space<vmem_shared>>)
        tpu.yield
      }) : () -> ()
      %add3A_52 = arith.constant 1 : i32
      %add3A_53 = arith.addi %add3A_44, %add3A_52 : i32
      %lt3A_54 = arith.constant 63 : i32
      %lt3A_55 = arith.cmpi slt, %add3A_53, %lt3A_54 : i32
      %convert_element_type3A_56 = arith.extui %lt3A_55 : i1 to i32
      %cond3A_57 = arith.constant 0 : i32
      %cond3A_58 = arith.cmpi ne, %convert_element_type3A_56, %cond3A_57 : i32
      scf.if %cond3A_58 {
        %add3A_64 = arith.constant 1 : i32
        %add3A_65 = arith.addi %add3A_44, %add3A_64 : i32
        %mul3A_66 = arith.constant 80 : i32
        %mul3A_67 = arith.muli %add3A_65, %mul3A_66 : i32
        %add3A_68 = arith.addi %add3A_6, %mul3A_67 : i32
        %dma_start3A_69 = tpu.memref_slice %arg3[%add3A_68] : memref<640000xi32, #tpu.memory_space<hbm>> -> memref<80xi32, #tpu.memory_space<hbm>>
        %dma_start3A_70 = tpu.memref_slice %arg3[%add3A_68] : memref<640000xi32, #tpu.memory_space<hbm>> -> memref<80xi32, #tpu.memory_space<hbm>>
        tpu.enqueue_dma source(%dma_start3A_70 : memref<80xi32, #tpu.memory_space<hbm>>) target(%arg6 : memref<80xi32, #tpu.memory_space<vmem>>) target_semaphore(%arg11 : memref<!tpu.dma_semaphore, #tpu.memory_space<semaphore_mem>>)
        %mul3A_71 = arith.constant 80 : i32
        %mul3A_72 = arith.muli %add3A_65, %mul3A_71 : i32
        %add3A_73 = arith.addi %mul3A_2, %mul3A_72 : i32
        %dma_start3A_74 = arith.constant 0 : i32
        %dma_start3A_75 = tpu.memref_slice %arg2[%add3A_73, %dma_start3A_74] : memref<161280x128xf32, #tpu.memory_space<hbm>> -> memref<80x128xf32, #tpu.memory_space<hbm>>
        %dma_start3A_76 = arith.constant 0 : i32
        %dma_start3A_77 = tpu.memref_slice %arg2[%add3A_73, %dma_start3A_76] : memref<161280x128xf32, #tpu.memory_space<hbm>> -> memref<80x128xf32, #tpu.memory_space<hbm>>
        tpu.enqueue_dma source(%dma_start3A_77 : memref<80x128xf32, #tpu.memory_space<hbm>>) target(%arg8 : memref<80x128xf32, #tpu.memory_space<vmem>>) target_semaphore(%arg13 : memref<!tpu.dma_semaphore, #tpu.memory_space<semaphore_mem>>)
      } else {
      }
      %lt3A_59 = arith.constant 63 : i32
      %lt3A_60 = arith.cmpi slt, %add3A_44, %lt3A_59 : i32
      %convert_element_type3A_61 = arith.extui %lt3A_60 : i1 to i32
      %cond3A_62 = arith.constant 0 : i32
      %cond3A_63 = arith.cmpi ne, %convert_element_type3A_61, %cond3A_62 : i32
      scf.if %cond3A_63 {
        %dma_wait3A_64 = tpu.memref_slice %arg3[%add3A_6] : memref<640000xi32, #tpu.memory_space<hbm>> -> memref<80xi32, #tpu.memory_space<hbm>>
        %dma_wait3A_65 = tpu.memref_slice %arg3[%add3A_6] : memref<640000xi32, #tpu.memory_space<hbm>> -> memref<80xi32, #tpu.memory_space<hbm>>
        tpu.wait_dma2 semaphore(%arg12 : memref<!tpu.dma_semaphore, #tpu.memory_space<semaphore_mem>>) src(%dma_wait3A_65 : memref<80xi32, #tpu.memory_space<hbm>>) dst(%arg7 : memref<80xi32, #tpu.memory_space<vmem>>)
        %dma_wait3A_66 = arith.constant 0 : i32
        %dma_wait3A_67 = tpu.memref_slice %arg2[%mul3A_2, %dma_wait3A_66] : memref<161280x128xf32, #tpu.memory_space<hbm>> -> memref<80x128xf32, #tpu.memory_space<hbm>>
        %dma_wait3A_68 = arith.constant 0 : i32
        %dma_wait3A_69 = tpu.memref_slice %arg2[%mul3A_2, %dma_wait3A_68] : memref<161280x128xf32, #tpu.memory_space<hbm>> -> memref<80x128xf32, #tpu.memory_space<hbm>>
        tpu.wait_dma2 semaphore(%arg14 : memref<!tpu.dma_semaphore, #tpu.memory_space<semaphore_mem>>) src(%dma_wait3A_69 : memref<80x128xf32, #tpu.memory_space<hbm>>) dst(%arg9 : memref<80x128xf32, #tpu.memory_space<vmem>>)
        "tpu.region"() ({
          %run_scoped3A = tpu.sem_alloc : memref<!tpu.dma_semaphore, #tpu.memory_space<semaphore_mem>>
          %dma_start3A_70 = arith.constant 0 : i32
          %dma_start3A_71 = arith.constant 0 : i32
          %dma_start3A_72 = tpu.memref_slice %arg5[%dma_start3A_70, %dma_start3A_71] : memref<10000x128xf32, #tpu.memory_space<vmem_shared>> -> memref<10000x128xf32, #tpu.memory_space<vmem_shared>>
          tpu.enqueue_indirect_dma source(%arg9 : memref<80x128xf32, #tpu.memory_space<vmem>>) target(%dma_start3A_72 : memref<10000x128xf32, #tpu.memory_space<vmem_shared>>) offsets(%arg7 : memref<80xi32, #tpu.memory_space<vmem>>) semaphore(%run_scoped3A : memref<!tpu.dma_semaphore, #tpu.memory_space<semaphore_mem>>) {add = true}
          %dma_wait3A_73 = arith.constant 0 : i32
          %dma_wait3A_74 = arith.constant 0 : i32
          %dma_wait3A_75 = tpu.memref_slice %arg5[%dma_wait3A_73, %dma_wait3A_74] : memref<10000x128xf32, #tpu.memory_space<vmem_shared>> -> memref<10000x128xf32, #tpu.memory_space<vmem_shared>>
          tpu.wait_indirect_dma semaphore(%run_scoped3A : memref<!tpu.dma_semaphore, #tpu.memory_space<semaphore_mem>>) src(%arg9 : memref<80x128xf32, #tpu.memory_space<vmem>>) dst(%dma_wait3A_75 : memref<10000x128xf32, #tpu.memory_space<vmem_shared>>)
          tpu.yield
        }) : () -> ()
      } else {
      }
    }
    %scan3A_32 = arith.constant 32 : i32
    %barrier3A_33 = arith.constant 0 : index
    tpu.barrier barrier_id(%barrier3A_33)
    %scan3A_34 = arith.constant 0 : i32
    %scan3A_35 = arith.constant 0 : i32
    %scan3A_36 = arith.constant 8 : i32
    %scan3A_37 = arith.addi %scan3A_35, %scan3A_36 : i32
    %scan3A_38 = arith.constant 1 : i32
    scf.for %scan3A_40 = %scan3A_35 to %scan3A_37 step %scan3A_38  : i32 {
      %mul3A_41 = arith.constant 16 : i32
      %mul3A_42 = arith.muli %scan3A_40, %mul3A_41 : i32
      %add3A_43 = arith.addi %arg1, %mul3A_42 : i32
      %lt3A = arith.constant 125 : i32
      %lt3A_44 = arith.cmpi slt, %add3A_43, %lt3A : i32
      %convert_element_type3A = arith.extui %lt3A_44 : i1 to i32
      %cond3A = arith.constant 0 : i32
      %cond3A_45 = arith.cmpi ne, %convert_element_type3A, %cond3A : i32
      scf.if %cond3A_45 {
        %mul3A_46 = arith.constant 80 : i32
        %mul3A_47 = arith.muli %add3A_43, %mul3A_46 : i32
        %mul3A_48 = arith.constant 10000 : i32
        %mul3A_49 = arith.muli %arg0, %mul3A_48 : i32
        %mul3A_50 = arith.constant 80 : i32
        %mul3A_51 = arith.muli %add3A_43, %mul3A_50 : i32
        %add3A_52 = arith.addi %mul3A_49, %mul3A_51 : i32
        "tpu.region"() ({
          %run_scoped3A = tpu.sem_alloc : memref<!tpu.dma_semaphore, #tpu.memory_space<semaphore_mem>>
          %dma_start3A_53 = arith.constant 0 : i32
          %dma_start3A_54 = tpu.memref_slice %arg4[%add3A_52, %dma_start3A_53] : memref<20000x128xf32, #tpu.memory_space<hbm>> -> memref<80x128xf32, #tpu.memory_space<hbm>>
          %dma_start3A_55 = arith.constant 0 : i32
          %dma_start3A_56 = tpu.memref_slice %arg5[%mul3A_47, %dma_start3A_55] : memref<10000x128xf32, #tpu.memory_space<vmem_shared>> -> memref<80x128xf32, #tpu.memory_space<vmem_shared>>
          tpu.enqueue_dma source(%dma_start3A_56 : memref<80x128xf32, #tpu.memory_space<vmem_shared>>) target(%dma_start3A_54 : memref<80x128xf32, #tpu.memory_space<hbm>>) target_semaphore(%run_scoped3A : memref<!tpu.dma_semaphore, #tpu.memory_space<semaphore_mem>>)
          %dma_wait3A = arith.constant 0 : i32
          %dma_wait3A_57 = tpu.memref_slice %arg4[%add3A_52, %dma_wait3A] : memref<20000x128xf32, #tpu.memory_space<hbm>> -> memref<80x128xf32, #tpu.memory_space<hbm>>
          %dma_wait3A_58 = arith.constant 0 : i32
          %dma_wait3A_59 = tpu.memref_slice %arg5[%mul3A_47, %dma_wait3A_58] : memref<10000x128xf32, #tpu.memory_space<vmem_shared>> -> memref<80x128xf32, #tpu.memory_space<vmem_shared>>
          tpu.wait_dma2 semaphore(%run_scoped3A : memref<!tpu.dma_semaphore, #tpu.memory_space<semaphore_mem>>) src(%dma_wait3A_59 : memref<80x128xf32, #tpu.memory_space<vmem_shared>>) dst(%dma_wait3A_57 : memref<80x128xf32, #tpu.memory_space<hbm>>)
          tpu.yield
        }) : () -> ()
      } else {
      }
    }
    %scan3A_39 = arith.constant 8 : i32
    return
  }
}

#map = affine_map<(d0, d1) -> (0)>
module attributes {stable_mosaic.version = 14 : i64} {
  func.func @body(%arg0: i32, %arg1: i32, %arg2: memref<30000xf32, #tpu.memory_space<hbm>>, %arg3: memref<640000xi32, #tpu.memory_space<hbm>>, %arg4: memref<161280xf32, #tpu.memory_space<hbm>>, %arg5: memref<30000xf32, #tpu.memory_space<vmem>>, %arg6: memref<5040xi32, #tpu.memory_space<vmem>>, %arg7: memref<5040xi32, #tpu.memory_space<vmem>>, %arg8: memref<5040xf32, #tpu.memory_space<vmem>>, %arg9: memref<!tpu.dma_semaphore, #tpu.memory_space<semaphore_mem>>) attributes {dimension_semantics = [#tpu.dimension_semantics<core_parallel>, #tpu.dimension_semantics<subcore_parallel>], iteration_bounds = array<i64: 2, 16>, scalar_prefetch = 0 : i64, scratch_operands = 5 : i64, tpu.core_type = #tpu.core_type<sc_vector_subcore>, window_params = [{transform_indices = #map}, {transform_indices = #map}, {transform_indices = #map}]} {
    %mul3A = arith.constant 2 : i32
    %mul3A_0 = arith.muli %arg1, %mul3A : i32
    %add3A = arith.addi %mul3A_0, %arg0 : i32
    %mul3A_1 = arith.constant 5040 : i32
    %mul3A_2 = arith.muli %add3A, %mul3A_1 : i32
    %add3A_3 = arith.constant 0 : i32
    %add3A_4 = arith.addi %add3A_3, %mul3A_2 : i32
    tpu.enqueue_dma source(%arg2 : memref<30000xf32, #tpu.memory_space<hbm>>) target(%arg5 : memref<30000xf32, #tpu.memory_space<vmem>>) target_semaphore(%arg9 : memref<!tpu.dma_semaphore, #tpu.memory_space<semaphore_mem>>)
    tpu.wait_dma2 semaphore(%arg9 : memref<!tpu.dma_semaphore, #tpu.memory_space<semaphore_mem>>) src(%arg2 : memref<30000xf32, #tpu.memory_space<hbm>>) dst(%arg5 : memref<30000xf32, #tpu.memory_space<vmem>>)
    %dma_start3A = tpu.memref_slice %arg3[%add3A_4] : memref<640000xi32, #tpu.memory_space<hbm>> -> memref<5040xi32, #tpu.memory_space<hbm>>
    %dma_start3A_5 = tpu.memref_slice %arg3[%add3A_4] : memref<640000xi32, #tpu.memory_space<hbm>> -> memref<5040xi32, #tpu.memory_space<hbm>>
    tpu.enqueue_dma source(%dma_start3A_5 : memref<5040xi32, #tpu.memory_space<hbm>>) target(%arg6 : memref<5040xi32, #tpu.memory_space<vmem>>) target_semaphore(%arg9 : memref<!tpu.dma_semaphore, #tpu.memory_space<semaphore_mem>>)
    %dma_wait3A = tpu.memref_slice %arg3[%add3A_4] : memref<640000xi32, #tpu.memory_space<hbm>> -> memref<5040xi32, #tpu.memory_space<hbm>>
    %dma_wait3A_6 = tpu.memref_slice %arg3[%add3A_4] : memref<640000xi32, #tpu.memory_space<hbm>> -> memref<5040xi32, #tpu.memory_space<hbm>>
    tpu.wait_dma2 semaphore(%arg9 : memref<!tpu.dma_semaphore, #tpu.memory_space<semaphore_mem>>) src(%dma_wait3A_6 : memref<5040xi32, #tpu.memory_space<hbm>>) dst(%arg6 : memref<5040xi32, #tpu.memory_space<vmem>>)
    %add3A_7 = arith.constant 320000 : i32
    %add3A_8 = arith.addi %add3A_7, %add3A_4 : i32
    %dma_start3A_9 = tpu.memref_slice %arg3[%add3A_8] : memref<640000xi32, #tpu.memory_space<hbm>> -> memref<5040xi32, #tpu.memory_space<hbm>>
    %dma_start3A_10 = tpu.memref_slice %arg3[%add3A_8] : memref<640000xi32, #tpu.memory_space<hbm>> -> memref<5040xi32, #tpu.memory_space<hbm>>
    tpu.enqueue_dma source(%dma_start3A_10 : memref<5040xi32, #tpu.memory_space<hbm>>) target(%arg7 : memref<5040xi32, #tpu.memory_space<vmem>>) target_semaphore(%arg9 : memref<!tpu.dma_semaphore, #tpu.memory_space<semaphore_mem>>)
    %dma_wait3A_11 = tpu.memref_slice %arg3[%add3A_8] : memref<640000xi32, #tpu.memory_space<hbm>> -> memref<5040xi32, #tpu.memory_space<hbm>>
    %dma_wait3A_12 = tpu.memref_slice %arg3[%add3A_8] : memref<640000xi32, #tpu.memory_space<hbm>> -> memref<5040xi32, #tpu.memory_space<hbm>>
    tpu.wait_dma2 semaphore(%arg9 : memref<!tpu.dma_semaphore, #tpu.memory_space<semaphore_mem>>) src(%dma_wait3A_12 : memref<5040xi32, #tpu.memory_space<hbm>>) dst(%arg7 : memref<5040xi32, #tpu.memory_space<vmem>>)
    %scan3A = arith.constant 0 : i32
    %scan3A_13 = arith.constant 0 : i32
    %scan3A_14 = arith.constant 315 : i32
    %scan3A_15 = arith.addi %scan3A_13, %scan3A_14 : i32
    %scan3A_16 = arith.constant 1 : i32
    scf.for %scan3A_20 = %scan3A_13 to %scan3A_15 step %scan3A_16  : i32 {
      %mul3A_21 = arith.constant 16 : i32
      %mul3A_22 = arith.muli %scan3A_20, %mul3A_21 : i32
      %get3A = arith.index_cast %mul3A_22 : i32 to index
      %get3A_23 = tpu.vector_load %arg6[%get3A] {strides = array<i32>} : memref<5040xi32, #tpu.memory_space<vmem>>, vector<16xi32>,
      %mul3A_24 = arith.constant 3 : i32
      %mul3A_25 = vector.broadcast %mul3A_24 : i32 to vector<16xi32>
      %mul3A_26 = arith.muli %get3A_23, %mul3A_25 : vector<16xi32>
      %get3A_27 = arith.index_cast %mul3A_22 : i32 to index
      %get3A_28 = tpu.vector_load %arg7[%get3A_27] {strides = array<i32>} : memref<5040xi32, #tpu.memory_space<vmem>>, vector<16xi32>,
      %mul3A_29 = arith.constant 3 : i32
      %mul3A_30 = vector.broadcast %mul3A_29 : i32 to vector<16xi32>
      %mul3A_31 = arith.muli %get3A_28, %mul3A_30 : vector<16xi32>
      %gather3A = tpu.vector_load_idx %arg5[%mul3A_26] : memref<30000xf32, #tpu.memory_space<vmem>>[vector<16xi32>], vector<16xf32>,
      %add3A_32 = arith.constant 1 : i32
      %add3A_33 = vector.broadcast %add3A_32 : i32 to vector<16xi32>
      %add3A_34 = arith.addi %mul3A_26, %add3A_33 : vector<16xi32>
      %gather3A_35 = tpu.vector_load_idx %arg5[%add3A_34] : memref<30000xf32, #tpu.memory_space<vmem>>[vector<16xi32>], vector<16xf32>,
      %add3A_36 = arith.constant 2 : i32
      %add3A_37 = vector.broadcast %add3A_36 : i32 to vector<16xi32>
      %add3A_38 = arith.addi %mul3A_26, %add3A_37 : vector<16xi32>
      %gather3A_39 = tpu.vector_load_idx %arg5[%add3A_38] : memref<30000xf32, #tpu.memory_space<vmem>>[vector<16xi32>], vector<16xf32>,
      %gather3A_40 = tpu.vector_load_idx %arg5[%mul3A_31] : memref<30000xf32, #tpu.memory_space<vmem>>[vector<16xi32>], vector<16xf32>,
      %add3A_41 = arith.constant 1 : i32
      %add3A_42 = vector.broadcast %add3A_41 : i32 to vector<16xi32>
      %add3A_43 = arith.addi %mul3A_31, %add3A_42 : vector<16xi32>
      %gather3A_44 = tpu.vector_load_idx %arg5[%add3A_43] : memref<30000xf32, #tpu.memory_space<vmem>>[vector<16xi32>], vector<16xf32>,
      %add3A_45 = arith.constant 2 : i32
      %add3A_46 = vector.broadcast %add3A_45 : i32 to vector<16xi32>
      %add3A_47 = arith.addi %mul3A_31, %add3A_46 : vector<16xi32>
      %gather3A_48 = tpu.vector_load_idx %arg5[%add3A_47] : memref<30000xf32, #tpu.memory_space<vmem>>[vector<16xi32>], vector<16xf32>,
      %sub3A = arith.subf %gather3A, %gather3A_40 : vector<16xf32>
      %sub3A_49 = arith.subf %gather3A_35, %gather3A_44 : vector<16xf32>
      %sub3A_50 = arith.subf %gather3A_39, %gather3A_48 : vector<16xf32>
      %mul3A_51 = arith.mulf %sub3A, %sub3A : vector<16xf32>
      %mul3A_52 = arith.mulf %sub3A_49, %sub3A_49 : vector<16xf32>
      %add3A_53 = arith.addf %mul3A_51, %mul3A_52 : vector<16xf32>
      %mul3A_54 = arith.mulf %sub3A_50, %sub3A_50 : vector<16xf32>
      %add3A_55 = arith.addf %add3A_53, %mul3A_54 : vector<16xf32>
      %mul3A_56 = arith.constant 1.000000e+24 : f32
      %mul3A_57 = vector.broadcast %mul3A_56 : f32 to vector<16xf32>
      %mul3A_58 = arith.mulf %add3A_55, %mul3A_57 : vector<16xf32>
      %min3A = arith.constant 1.000000e+00 : f32
      %min3A_59 = vector.broadcast %min3A : f32 to vector<16xf32>
      %min3A_60 = arith.minimumf %mul3A_58, %min3A_59 : vector<16xf32>
      %swap3A = arith.index_cast %mul3A_22 : i32 to index
      %swap3A_61 = tpu.vector_load %arg8[%swap3A] {strides = array<i32>} : memref<5040xf32, #tpu.memory_space<vmem>>, vector<16xf32>,
      tpu.vector_store %arg8[%swap3A], %min3A_60 {strides = array<i32>} : memref<5040xf32, #tpu.memory_space<vmem>>, vector<16xf32>,
    }
    %scan3A_17 = arith.constant 315 : i32
    %mul3A_18 = arith.constant 5040 : i32
    %mul3A_19 = arith.muli %add3A, %mul3A_18 : i32
    "tpu.region"() ({
      %run_scoped3A = tpu.sem_alloc : memref<!tpu.dma_semaphore, #tpu.memory_space<semaphore_mem>>
      %dma_start3A_20 = tpu.memref_slice %arg4[%mul3A_19] : memref<161280xf32, #tpu.memory_space<hbm>> -> memref<5040xf32, #tpu.memory_space<hbm>>
      %dma_start3A_21 = tpu.memref_slice %arg4[%mul3A_19] : memref<161280xf32, #tpu.memory_space<hbm>> -> memref<5040xf32, #tpu.memory_space<hbm>>
      tpu.enqueue_dma source(%arg8 : memref<5040xf32, #tpu.memory_space<vmem>>) target(%dma_start3A_21 : memref<5040xf32, #tpu.memory_space<hbm>>) target_semaphore(%run_scoped3A : memref<!tpu.dma_semaphore, #tpu.memory_space<semaphore_mem>>)
      %dma_wait3A_22 = tpu.memref_slice %arg4[%mul3A_19] : memref<161280xf32, #tpu.memory_space<hbm>> -> memref<5040xf32, #tpu.memory_space<hbm>>
      %dma_wait3A_23 = tpu.memref_slice %arg4[%mul3A_19] : memref<161280xf32, #tpu.memory_space<hbm>> -> memref<5040xf32, #tpu.memory_space<hbm>>
      tpu.wait_dma2 semaphore(%run_scoped3A : memref<!tpu.dma_semaphore, #tpu.memory_space<semaphore_mem>>) src(%arg8 : memref<5040xf32, #tpu.memory_space<vmem>>) dst(%dma_wait3A_23 : memref<5040xf32, #tpu.memory_space<hbm>>)
      tpu.yield
    }) : () -> ()
    return
  }
}

#map = affine_map<(d0, d1) -> (0, 0)>
#map1 = affine_map<(d0, d1) -> (0)>
module attributes {stable_mosaic.version = 14 : i64} {
  func.func @body(%arg0: i32, %arg1: i32, %arg2: memref<158720x128xf32, #tpu.memory_space<hbm>>, %arg3: memref<640000xi32, #tpu.memory_space<hbm>>, %arg4: memref<20000x128xf32, #tpu.memory_space<hbm>>, %arg5: memref<10000x128xf32, #tpu.memory_space<vmem_shared>>, %arg6: memref<80xi32, #tpu.memory_space<vmem>>, %arg7: memref<80xi32, #tpu.memory_space<vmem>>, %arg8: memref<80x128xf32, #tpu.memory_space<vmem>>, %arg9: memref<80x128xf32, #tpu.memory_space<vmem>>, %arg10: memref<80x128xf32, #tpu.memory_space<vmem>>, %arg11: memref<!tpu.dma_semaphore, #tpu.memory_space<semaphore_mem>>, %arg12: memref<!tpu.dma_semaphore, #tpu.memory_space<semaphore_mem>>, %arg13: memref<!tpu.dma_semaphore, #tpu.memory_space<semaphore_mem>>, %arg14: memref<!tpu.dma_semaphore, #tpu.memory_space<semaphore_mem>>) attributes {dimension_semantics = [#tpu.dimension_semantics<core_parallel>, #tpu.dimension_semantics<subcore_parallel>], iteration_bounds = array<i64: 2, 16>, scalar_prefetch = 0 : i64, scratch_operands = 10 : i64, tpu.core_type = #tpu.core_type<sc_vector_subcore>, window_params = [{transform_indices = #map}, {transform_indices = #map1}, {transform_indices = #map}]} {
    %mul3A = arith.constant 2 : i32
    %mul3A_0 = arith.muli %arg1, %mul3A : i32
    %add3A = arith.addi %mul3A_0, %arg0 : i32
    %mul3A_1 = arith.constant 4960 : i32
    %mul3A_2 = arith.muli %add3A, %mul3A_1 : i32
    %mul3A_3 = arith.constant 4960 : i32
    %mul3A_4 = arith.muli %add3A, %mul3A_3 : i32
    %add3A_5 = arith.constant 161280 : i32
    %add3A_6 = arith.addi %add3A_5, %mul3A_4 : i32
    %scan3A = arith.constant 0 : i32
    %scan3A_7 = arith.constant 0 : i32
    %scan3A_8 = arith.constant 80 : i32
    %scan3A_9 = arith.addi %scan3A_7, %scan3A_8 : i32
    %scan3A_10 = arith.constant 1 : i32
    scf.for %scan3A_40 = %scan3A_7 to %scan3A_9 step %scan3A_10  : i32 {
      %broadcast_in_dim3A = arith.constant 0.000000e+00 : f32
      %broadcast_in_dim3A_41 = vector.broadcast %broadcast_in_dim3A : f32 to vector<16xf32>
      %swap3A = arith.index_cast %scan3A_40 : i32 to index
      %swap3A_42 = arith.constant 0 : index
      %swap3A_43 = tpu.vector_load %arg10[%swap3A, %swap3A_42] {strides = array<i32>} : memref<80x128xf32, #tpu.memory_space<vmem>>, vector<1x16xf32>,
      %swap3A_44 = vector.shape_cast %swap3A_43 : vector<1x16xf32> to vector<16xf32>
      %swap3A_45 = vector.shape_cast %broadcast_in_dim3A_41 : vector<16xf32> to vector<1x16xf32>
      tpu.vector_store %arg10[%swap3A, %swap3A_42], %swap3A_45 {strides = array<i32>} : memref<80x128xf32, #tpu.memory_space<vmem>>, vector<1x16xf32>,
      %broadcast_in_dim3A_46 = arith.constant 0.000000e+00 : f32
      %broadcast_in_dim3A_47 = vector.broadcast %broadcast_in_dim3A_46 : f32 to vector<16xf32>
      %swap3A_48 = arith.index_cast %scan3A_40 : i32 to index
      %swap3A_49 = arith.constant 16 : index
      %swap3A_50 = tpu.vector_load %arg10[%swap3A_48, %swap3A_49] {strides = array<i32>} : memref<80x128xf32, #tpu.memory_space<vmem>>, vector<1x16xf32>,
      %swap3A_51 = vector.shape_cast %swap3A_50 : vector<1x16xf32> to vector<16xf32>
      %swap3A_52 = vector.shape_cast %broadcast_in_dim3A_47 : vector<16xf32> to vector<1x16xf32>
      tpu.vector_store %arg10[%swap3A_48, %swap3A_49], %swap3A_52 {strides = array<i32>} : memref<80x128xf32, #tpu.memory_space<vmem>>, vector<1x16xf32>,
      %broadcast_in_dim3A_53 = arith.constant 0.000000e+00 : f32
      %broadcast_in_dim3A_54 = vector.broadcast %broadcast_in_dim3A_53 : f32 to vector<16xf32>
      %swap3A_55 = arith.index_cast %scan3A_40 : i32 to index
      %swap3A_56 = arith.constant 32 : index
      %swap3A_57 = tpu.vector_load %arg10[%swap3A_55, %swap3A_56] {strides = array<i32>} : memref<80x128xf32, #tpu.memory_space<vmem>>, vector<1x16xf32>,
      %swap3A_58 = vector.shape_cast %swap3A_57 : vector<1x16xf32> to vector<16xf32>
      %swap3A_59 = vector.shape_cast %broadcast_in_dim3A_54 : vector<16xf32> to vector<1x16xf32>
      tpu.vector_store %arg10[%swap3A_55, %swap3A_56], %swap3A_59 {strides = array<i32>} : memref<80x128xf32, #tpu.memory_space<vmem>>, vector<1x16xf32>,
      %broadcast_in_dim3A_60 = arith.constant 0.000000e+00 : f32
      %broadcast_in_dim3A_61 = vector.broadcast %broadcast_in_dim3A_60 : f32 to vector<16xf32>
      %swap3A_62 = arith.index_cast %scan3A_40 : i32 to index
      %swap3A_63 = arith.constant 48 : index
      %swap3A_64 = tpu.vector_load %arg10[%swap3A_62, %swap3A_63] {strides = array<i32>} : memref<80x128xf32, #tpu.memory_space<vmem>>, vector<1x16xf32>,
      %swap3A_65 = vector.shape_cast %swap3A_64 : vector<1x16xf32> to vector<16xf32>
      %swap3A_66 = vector.shape_cast %broadcast_in_dim3A_61 : vector<16xf32> to vector<1x16xf32>
      tpu.vector_store %arg10[%swap3A_62, %swap3A_63], %swap3A_66 {strides = array<i32>} : memref<80x128xf32, #tpu.memory_space<vmem>>, vector<1x16xf32>,
      %broadcast_in_dim3A_67 = arith.constant 0.000000e+00 : f32
      %broadcast_in_dim3A_68 = vector.broadcast %broadcast_in_dim3A_67 : f32 to vector<16xf32>
      %swap3A_69 = arith.index_cast %scan3A_40 : i32 to index
      %swap3A_70 = arith.constant 64 : index
      %swap3A_71 = tpu.vector_load %arg10[%swap3A_69, %swap3A_70] {strides = array<i32>} : memref<80x128xf32, #tpu.memory_space<vmem>>, vector<1x16xf32>,
      %swap3A_72 = vector.shape_cast %swap3A_71 : vector<1x16xf32> to vector<16xf32>
      %swap3A_73 = vector.shape_cast %broadcast_in_dim3A_68 : vector<16xf32> to vector<1x16xf32>
      tpu.vector_store %arg10[%swap3A_69, %swap3A_70], %swap3A_73 {strides = array<i32>} : memref<80x128xf32, #tpu.memory_space<vmem>>, vector<1x16xf32>,
      %broadcast_in_dim3A_74 = arith.constant 0.000000e+00 : f32
      %broadcast_in_dim3A_75 = vector.broadcast %broadcast_in_dim3A_74 : f32 to vector<16xf32>
      %swap3A_76 = arith.index_cast %scan3A_40 : i32 to index
      %swap3A_77 = arith.constant 80 : index
      %swap3A_78 = tpu.vector_load %arg10[%swap3A_76, %swap3A_77] {strides = array<i32>} : memref<80x128xf32, #tpu.memory_space<vmem>>, vector<1x16xf32>,
      %swap3A_79 = vector.shape_cast %swap3A_78 : vector<1x16xf32> to vector<16xf32>
      %swap3A_80 = vector.shape_cast %broadcast_in_dim3A_75 : vector<16xf32> to vector<1x16xf32>
      tpu.vector_store %arg10[%swap3A_76, %swap3A_77], %swap3A_80 {strides = array<i32>} : memref<80x128xf32, #tpu.memory_space<vmem>>, vector<1x16xf32>,
      %broadcast_in_dim3A_81 = arith.constant 0.000000e+00 : f32
      %broadcast_in_dim3A_82 = vector.broadcast %broadcast_in_dim3A_81 : f32 to vector<16xf32>
      %swap3A_83 = arith.index_cast %scan3A_40 : i32 to index
      %swap3A_84 = arith.constant 96 : index
      %swap3A_85 = tpu.vector_load %arg10[%swap3A_83, %swap3A_84] {strides = array<i32>} : memref<80x128xf32, #tpu.memory_space<vmem>>, vector<1x16xf32>,
      %swap3A_86 = vector.shape_cast %swap3A_85 : vector<1x16xf32> to vector<16xf32>
      %swap3A_87 = vector.shape_cast %broadcast_in_dim3A_82 : vector<16xf32> to vector<1x16xf32>
      tpu.vector_store %arg10[%swap3A_83, %swap3A_84], %swap3A_87 {strides = array<i32>} : memref<80x128xf32, #tpu.memory_space<vmem>>, vector<1x16xf32>,
      %broadcast_in_dim3A_88 = arith.constant 0.000000e+00 : f32
      %broadcast_in_dim3A_89 = vector.broadcast %broadcast_in_dim3A_88 : f32 to vector<16xf32>
      %swap3A_90 = arith.index_cast %scan3A_40 : i32 to index
      %swap3A_91 = arith.constant 112 : index
      %swap3A_92 = tpu.vector_load %arg10[%swap3A_90, %swap3A_91] {strides = array<i32>} : memref<80x128xf32, #tpu.memory_space<vmem>>, vector<1x16xf32>,
      %swap3A_93 = vector.shape_cast %swap3A_92 : vector<1x16xf32> to vector<16xf32>
      %swap3A_94 = vector.shape_cast %broadcast_in_dim3A_89 : vector<16xf32> to vector<1x16xf32>
      tpu.vector_store %arg10[%swap3A_90, %swap3A_91], %swap3A_94 {strides = array<i32>} : memref<80x128xf32, #tpu.memory_space<vmem>>, vector<1x16xf32>,
    }
    %scan3A_11 = arith.constant 80 : i32
    %scan3A_12 = arith.constant 0 : i32
    %scan3A_13 = arith.constant 0 : i32
    %scan3A_14 = arith.constant 8 : i32
    %scan3A_15 = arith.addi %scan3A_13, %scan3A_14 : i32
    %scan3A_16 = arith.constant 1 : i32
    scf.for %scan3A_40 = %scan3A_13 to %scan3A_15 step %scan3A_16  : i32 {
      %mul3A_41 = arith.constant 16 : i32
      %mul3A_42 = arith.muli %scan3A_40, %mul3A_41 : i32
      %add3A_43 = arith.addi %arg1, %mul3A_42 : i32
      %lt3A = arith.constant 125 : i32
      %lt3A_44 = arith.cmpi slt, %add3A_43, %lt3A : i32
      %convert_element_type3A = arith.extui %lt3A_44 : i1 to i32
      %cond3A = arith.constant 0 : i32
      %cond3A_45 = arith.cmpi ne, %convert_element_type3A, %cond3A : i32
      scf.if %cond3A_45 {
        %mul3A_46 = arith.constant 80 : i32
        %mul3A_47 = arith.muli %add3A_43, %mul3A_46 : i32
        "tpu.region"() ({
          %run_scoped3A = tpu.sem_alloc : memref<!tpu.dma_semaphore, #tpu.memory_space<semaphore_mem>>
          %dma_start3A_48 = arith.constant 0 : i32
          %dma_start3A_49 = tpu.memref_slice %arg5[%mul3A_47, %dma_start3A_48] : memref<10000x128xf32, #tpu.memory_space<vmem_shared>> -> memref<80x128xf32, #tpu.memory_space<vmem_shared>>
          %dma_start3A_50 = arith.constant 0 : i32
          %dma_start3A_51 = tpu.memref_slice %arg5[%mul3A_47, %dma_start3A_50] : memref<10000x128xf32, #tpu.memory_space<vmem_shared>> -> memref<80x128xf32, #tpu.memory_space<vmem_shared>>
          tpu.enqueue_dma source(%arg10 : memref<80x128xf32, #tpu.memory_space<vmem>>) target(%dma_start3A_51 : memref<80x128xf32, #tpu.memory_space<vmem_shared>>) target_semaphore(%run_scoped3A : memref<!tpu.dma_semaphore, #tpu.memory_space<semaphore_mem>>)
          %dma_wait3A = arith.constant 0 : i32
          %dma_wait3A_52 = tpu.memref_slice %arg5[%mul3A_47, %dma_wait3A] : memref<10000x128xf32, #tpu.memory_space<vmem_shared>> -> memref<80x128xf32, #tpu.memory_space<vmem_shared>>
          %dma_wait3A_53 = arith.constant 0 : i32
          %dma_wait3A_54 = tpu.memref_slice %arg5[%mul3A_47, %dma_wait3A_53] : memref<10000x128xf32, #tpu.memory_space<vmem_shared>> -> memref<80x128xf32, #tpu.memory_space<vmem_shared>>
          tpu.wait_dma2 semaphore(%run_scoped3A : memref<!tpu.dma_semaphore, #tpu.memory_space<semaphore_mem>>) src(%arg10 : memref<80x128xf32, #tpu.memory_space<vmem>>) dst(%dma_wait3A_54 : memref<80x128xf32, #tpu.memory_space<vmem_shared>>)
          tpu.yield
        }) : () -> ()
      } else {
      }
    }
    %scan3A_17 = arith.constant 8 : i32
    %barrier3A = arith.constant 0 : index
    tpu.barrier barrier_id(%barrier3A)
    %add3A_18 = arith.constant 0 : i32
    %add3A_19 = arith.addi %add3A_6, %add3A_18 : i32
    %dma_start3A = tpu.memref_slice %arg3[%add3A_19] : memref<640000xi32, #tpu.memory_space<hbm>> -> memref<80xi32, #tpu.memory_space<hbm>>
    %dma_start3A_20 = tpu.memref_slice %arg3[%add3A_19] : memref<640000xi32, #tpu.memory_space<hbm>> -> memref<80xi32, #tpu.memory_space<hbm>>
    tpu.enqueue_dma source(%dma_start3A_20 : memref<80xi32, #tpu.memory_space<hbm>>) target(%arg6 : memref<80xi32, #tpu.memory_space<vmem>>) target_semaphore(%arg11 : memref<!tpu.dma_semaphore, #tpu.memory_space<semaphore_mem>>)
    %add3A_21 = arith.constant 0 : i32
    %add3A_22 = arith.addi %mul3A_2, %add3A_21 : i32
    %dma_start3A_23 = arith.constant 0 : i32
    %dma_start3A_24 = tpu.memref_slice %arg2[%add3A_22, %dma_start3A_23] : memref<158720x128xf32, #tpu.memory_space<hbm>> -> memref<80x128xf32, #tpu.memory_space<hbm>>
    %dma_start3A_25 = arith.constant 0 : i32
    %dma_start3A_26 = tpu.memref_slice %arg2[%add3A_22, %dma_start3A_25] : memref<158720x128xf32, #tpu.memory_space<hbm>> -> memref<80x128xf32, #tpu.memory_space<hbm>>
    tpu.enqueue_dma source(%dma_start3A_26 : memref<80x128xf32, #tpu.memory_space<hbm>>) target(%arg8 : memref<80x128xf32, #tpu.memory_space<vmem>>) target_semaphore(%arg13 : memref<!tpu.dma_semaphore, #tpu.memory_space<semaphore_mem>>)
    %scan3A_27 = arith.constant 0 : i32
    %scan3A_28 = arith.constant 0 : i32
    %scan3A_29 = arith.constant 31 : i32
    %scan3A_30 = arith.addi %scan3A_28, %scan3A_29 : i32
    %scan3A_31 = arith.constant 1 : i32
    scf.for %scan3A_40 = %scan3A_28 to %scan3A_30 step %scan3A_31  : i32 {
      %mul3A_41 = arith.constant 2 : i32
      %mul3A_42 = arith.muli %scan3A_40, %mul3A_41 : i32
      %add3A_43 = arith.constant 1 : i32
      %add3A_44 = arith.addi %mul3A_42, %add3A_43 : i32
      %lt3A = arith.constant 62 : i32
      %lt3A_45 = arith.cmpi slt, %add3A_44, %lt3A : i32
      %convert_element_type3A = arith.extui %lt3A_45 : i1 to i32
      %cond3A = arith.constant 0 : i32
      %cond3A_46 = arith.cmpi ne, %convert_element_type3A, %cond3A : i32
      scf.if %cond3A_46 {
        %mul3A_64 = arith.constant 80 : i32
        %mul3A_65 = arith.muli %add3A_44, %mul3A_64 : i32
        %add3A_66 = arith.addi %add3A_6, %mul3A_65 : i32
        %dma_start3A_67 = tpu.memref_slice %arg3[%add3A_66] : memref<640000xi32, #tpu.memory_space<hbm>> -> memref<80xi32, #tpu.memory_space<hbm>>
        %dma_start3A_68 = tpu.memref_slice %arg3[%add3A_66] : memref<640000xi32, #tpu.memory_space<hbm>> -> memref<80xi32, #tpu.memory_space<hbm>>
        tpu.enqueue_dma source(%dma_start3A_68 : memref<80xi32, #tpu.memory_space<hbm>>) target(%arg7 : memref<80xi32, #tpu.memory_space<vmem>>) target_semaphore(%arg12 : memref<!tpu.dma_semaphore, #tpu.memory_space<semaphore_mem>>)
        %mul3A_69 = arith.constant 80 : i32
        %mul3A_70 = arith.muli %add3A_44, %mul3A_69 : i32
        %add3A_71 = arith.addi %mul3A_2, %mul3A_70 : i32
        %dma_start3A_72 = arith.constant 0 : i32
        %dma_start3A_73 = tpu.memref_slice %arg2[%add3A_71, %dma_start3A_72] : memref<158720x128xf32, #tpu.memory_space<hbm>> -> memref<80x128xf32, #tpu.memory_space<hbm>>
        %dma_start3A_74 = arith.constant 0 : i32
        %dma_start3A_75 = tpu.memref_slice %arg2[%add3A_71, %dma_start3A_74] : memref<158720x128xf32, #tpu.memory_space<hbm>> -> memref<80x128xf32, #tpu.memory_space<hbm>>
        tpu.enqueue_dma source(%dma_start3A_75 : memref<80x128xf32, #tpu.memory_space<hbm>>) target(%arg9 : memref<80x128xf32, #tpu.memory_space<vmem>>) target_semaphore(%arg14 : memref<!tpu.dma_semaphore, #tpu.memory_space<semaphore_mem>>)
      } else {
      }
      %dma_wait3A = tpu.memref_slice %arg3[%add3A_6] : memref<640000xi32, #tpu.memory_space<hbm>> -> memref<80xi32, #tpu.memory_space<hbm>>
      %dma_wait3A_47 = tpu.memref_slice %arg3[%add3A_6] : memref<640000xi32, #tpu.memory_space<hbm>> -> memref<80xi32, #tpu.memory_space<hbm>>
      tpu.wait_dma2 semaphore(%arg11 : memref<!tpu.dma_semaphore, #tpu.memory_space<semaphore_mem>>) src(%dma_wait3A_47 : memref<80xi32, #tpu.memory_space<hbm>>) dst(%arg6 : memref<80xi32, #tpu.memory_space<vmem>>)
      %dma_wait3A_48 = arith.constant 0 : i32
      %dma_wait3A_49 = tpu.memref_slice %arg2[%mul3A_2, %dma_wait3A_48] : memref<158720x128xf32, #tpu.memory_space<hbm>> -> memref<80x128xf32, #tpu.memory_space<hbm>>
      %dma_wait3A_50 = arith.constant 0 : i32
      %dma_wait3A_51 = tpu.memref_slice %arg2[%mul3A_2, %dma_wait3A_50] : memref<158720x128xf32, #tpu.memory_space<hbm>> -> memref<80x128xf32, #tpu.memory_space<hbm>>
      tpu.wait_dma2 semaphore(%arg13 : memref<!tpu.dma_semaphore, #tpu.memory_space<semaphore_mem>>) src(%dma_wait3A_51 : memref<80x128xf32, #tpu.memory_space<hbm>>) dst(%arg8 : memref<80x128xf32, #tpu.memory_space<vmem>>)
      "tpu.region"() ({
        %run_scoped3A = tpu.sem_alloc : memref<!tpu.dma_semaphore, #tpu.memory_space<semaphore_mem>>
        %dma_start3A_64 = arith.constant 0 : i32
        %dma_start3A_65 = arith.constant 0 : i32
        %dma_start3A_66 = tpu.memref_slice %arg5[%dma_start3A_64, %dma_start3A_65] : memref<10000x128xf32, #tpu.memory_space<vmem_shared>> -> memref<10000x128xf32, #tpu.memory_space<vmem_shared>>
        tpu.enqueue_indirect_dma source(%arg8 : memref<80x128xf32, #tpu.memory_space<vmem>>) target(%dma_start3A_66 : memref<10000x128xf32, #tpu.memory_space<vmem_shared>>) offsets(%arg6 : memref<80xi32, #tpu.memory_space<vmem>>) semaphore(%run_scoped3A : memref<!tpu.dma_semaphore, #tpu.memory_space<semaphore_mem>>) {add = true}
        %dma_wait3A_67 = arith.constant 0 : i32
        %dma_wait3A_68 = arith.constant 0 : i32
        %dma_wait3A_69 = tpu.memref_slice %arg5[%dma_wait3A_67, %dma_wait3A_68] : memref<10000x128xf32, #tpu.memory_space<vmem_shared>> -> memref<10000x128xf32, #tpu.memory_space<vmem_shared>>
        tpu.wait_indirect_dma semaphore(%run_scoped3A : memref<!tpu.dma_semaphore, #tpu.memory_space<semaphore_mem>>) src(%arg8 : memref<80x128xf32, #tpu.memory_space<vmem>>) dst(%dma_wait3A_69 : memref<10000x128xf32, #tpu.memory_space<vmem_shared>>)
        tpu.yield
      }) : () -> ()
      %add3A_52 = arith.constant 1 : i32
      %add3A_53 = arith.addi %add3A_44, %add3A_52 : i32
      %lt3A_54 = arith.constant 62 : i32
      %lt3A_55 = arith.cmpi slt, %add3A_53, %lt3A_54 : i32
      %convert_element_type3A_56 = arith.extui %lt3A_55 : i1 to i32
      %cond3A_57 = arith.constant 0 : i32
      %cond3A_58 = arith.cmpi ne, %convert_element_type3A_56, %cond3A_57 : i32
      scf.if %cond3A_58 {
        %add3A_64 = arith.constant 1 : i32
        %add3A_65 = arith.addi %add3A_44, %add3A_64 : i32
        %mul3A_66 = arith.constant 80 : i32
        %mul3A_67 = arith.muli %add3A_65, %mul3A_66 : i32
        %add3A_68 = arith.addi %add3A_6, %mul3A_67 : i32
        %dma_start3A_69 = tpu.memref_slice %arg3[%add3A_68] : memref<640000xi32, #tpu.memory_space<hbm>> -> memref<80xi32, #tpu.memory_space<hbm>>
        %dma_start3A_70 = tpu.memref_slice %arg3[%add3A_68] : memref<640000xi32, #tpu.memory_space<hbm>> -> memref<80xi32, #tpu.memory_space<hbm>>
        tpu.enqueue_dma source(%dma_start3A_70 : memref<80xi32, #tpu.memory_space<hbm>>) target(%arg6 : memref<80xi32, #tpu.memory_space<vmem>>) target_semaphore(%arg11 : memref<!tpu.dma_semaphore, #tpu.memory_space<semaphore_mem>>)
        %mul3A_71 = arith.constant 80 : i32
        %mul3A_72 = arith.muli %add3A_65, %mul3A_71 : i32
        %add3A_73 = arith.addi %mul3A_2, %mul3A_72 : i32
        %dma_start3A_74 = arith.constant 0 : i32
        %dma_start3A_75 = tpu.memref_slice %arg2[%add3A_73, %dma_start3A_74] : memref<158720x128xf32, #tpu.memory_space<hbm>> -> memref<80x128xf32, #tpu.memory_space<hbm>>
        %dma_start3A_76 = arith.constant 0 : i32
        %dma_start3A_77 = tpu.memref_slice %arg2[%add3A_73, %dma_start3A_76] : memref<158720x128xf32, #tpu.memory_space<hbm>> -> memref<80x128xf32, #tpu.memory_space<hbm>>
        tpu.enqueue_dma source(%dma_start3A_77 : memref<80x128xf32, #tpu.memory_space<hbm>>) target(%arg8 : memref<80x128xf32, #tpu.memory_space<vmem>>) target_semaphore(%arg13 : memref<!tpu.dma_semaphore, #tpu.memory_space<semaphore_mem>>)
      } else {
      }
      %lt3A_59 = arith.constant 62 : i32
      %lt3A_60 = arith.cmpi slt, %add3A_44, %lt3A_59 : i32
      %convert_element_type3A_61 = arith.extui %lt3A_60 : i1 to i32
      %cond3A_62 = arith.constant 0 : i32
      %cond3A_63 = arith.cmpi ne, %convert_element_type3A_61, %cond3A_62 : i32
      scf.if %cond3A_63 {
        %dma_wait3A_64 = tpu.memref_slice %arg3[%add3A_6] : memref<640000xi32, #tpu.memory_space<hbm>> -> memref<80xi32, #tpu.memory_space<hbm>>
        %dma_wait3A_65 = tpu.memref_slice %arg3[%add3A_6] : memref<640000xi32, #tpu.memory_space<hbm>> -> memref<80xi32, #tpu.memory_space<hbm>>
        tpu.wait_dma2 semaphore(%arg12 : memref<!tpu.dma_semaphore, #tpu.memory_space<semaphore_mem>>) src(%dma_wait3A_65 : memref<80xi32, #tpu.memory_space<hbm>>) dst(%arg7 : memref<80xi32, #tpu.memory_space<vmem>>)
        %dma_wait3A_66 = arith.constant 0 : i32
        %dma_wait3A_67 = tpu.memref_slice %arg2[%mul3A_2, %dma_wait3A_66] : memref<158720x128xf32, #tpu.memory_space<hbm>> -> memref<80x128xf32, #tpu.memory_space<hbm>>
        %dma_wait3A_68 = arith.constant 0 : i32
        %dma_wait3A_69 = tpu.memref_slice %arg2[%mul3A_2, %dma_wait3A_68] : memref<158720x128xf32, #tpu.memory_space<hbm>> -> memref<80x128xf32, #tpu.memory_space<hbm>>
        tpu.wait_dma2 semaphore(%arg14 : memref<!tpu.dma_semaphore, #tpu.memory_space<semaphore_mem>>) src(%dma_wait3A_69 : memref<80x128xf32, #tpu.memory_space<hbm>>) dst(%arg9 : memref<80x128xf32, #tpu.memory_space<vmem>>)
        "tpu.region"() ({
          %run_scoped3A = tpu.sem_alloc : memref<!tpu.dma_semaphore, #tpu.memory_space<semaphore_mem>>
          %dma_start3A_70 = arith.constant 0 : i32
          %dma_start3A_71 = arith.constant 0 : i32
          %dma_start3A_72 = tpu.memref_slice %arg5[%dma_start3A_70, %dma_start3A_71] : memref<10000x128xf32, #tpu.memory_space<vmem_shared>> -> memref<10000x128xf32, #tpu.memory_space<vmem_shared>>
          tpu.enqueue_indirect_dma source(%arg9 : memref<80x128xf32, #tpu.memory_space<vmem>>) target(%dma_start3A_72 : memref<10000x128xf32, #tpu.memory_space<vmem_shared>>) offsets(%arg7 : memref<80xi32, #tpu.memory_space<vmem>>) semaphore(%run_scoped3A : memref<!tpu.dma_semaphore, #tpu.memory_space<semaphore_mem>>) {add = true}
          %dma_wait3A_73 = arith.constant 0 : i32
          %dma_wait3A_74 = arith.constant 0 : i32
          %dma_wait3A_75 = tpu.memref_slice %arg5[%dma_wait3A_73, %dma_wait3A_74] : memref<10000x128xf32, #tpu.memory_space<vmem_shared>> -> memref<10000x128xf32, #tpu.memory_space<vmem_shared>>
          tpu.wait_indirect_dma semaphore(%run_scoped3A : memref<!tpu.dma_semaphore, #tpu.memory_space<semaphore_mem>>) src(%arg9 : memref<80x128xf32, #tpu.memory_space<vmem>>) dst(%dma_wait3A_75 : memref<10000x128xf32, #tpu.memory_space<vmem_shared>>)
          tpu.yield
        }) : () -> ()
      } else {
      }
    }
    %scan3A_32 = arith.constant 31 : i32
    %barrier3A_33 = arith.constant 0 : index
    tpu.barrier barrier_id(%barrier3A_33)
    %scan3A_34 = arith.constant 0 : i32
    %scan3A_35 = arith.constant 0 : i32
    %scan3A_36 = arith.constant 8 : i32
    %scan3A_37 = arith.addi %scan3A_35, %scan3A_36 : i32
    %scan3A_38 = arith.constant 1 : i32
    scf.for %scan3A_40 = %scan3A_35 to %scan3A_37 step %scan3A_38  : i32 {
      %mul3A_41 = arith.constant 16 : i32
      %mul3A_42 = arith.muli %scan3A_40, %mul3A_41 : i32
      %add3A_43 = arith.addi %arg1, %mul3A_42 : i32
      %lt3A = arith.constant 125 : i32
      %lt3A_44 = arith.cmpi slt, %add3A_43, %lt3A : i32
      %convert_element_type3A = arith.extui %lt3A_44 : i1 to i32
      %cond3A = arith.constant 0 : i32
      %cond3A_45 = arith.cmpi ne, %convert_element_type3A, %cond3A : i32
      scf.if %cond3A_45 {
        %mul3A_46 = arith.constant 80 : i32
        %mul3A_47 = arith.muli %add3A_43, %mul3A_46 : i32
        %mul3A_48 = arith.constant 10000 : i32
        %mul3A_49 = arith.muli %arg0, %mul3A_48 : i32
        %mul3A_50 = arith.constant 80 : i32
        %mul3A_51 = arith.muli %add3A_43, %mul3A_50 : i32
        %add3A_52 = arith.addi %mul3A_49, %mul3A_51 : i32
        "tpu.region"() ({
          %run_scoped3A = tpu.sem_alloc : memref<!tpu.dma_semaphore, #tpu.memory_space<semaphore_mem>>
          %dma_start3A_53 = arith.constant 0 : i32
          %dma_start3A_54 = tpu.memref_slice %arg4[%add3A_52, %dma_start3A_53] : memref<20000x128xf32, #tpu.memory_space<hbm>> -> memref<80x128xf32, #tpu.memory_space<hbm>>
          %dma_start3A_55 = arith.constant 0 : i32
          %dma_start3A_56 = tpu.memref_slice %arg5[%mul3A_47, %dma_start3A_55] : memref<10000x128xf32, #tpu.memory_space<vmem_shared>> -> memref<80x128xf32, #tpu.memory_space<vmem_shared>>
          tpu.enqueue_dma source(%dma_start3A_56 : memref<80x128xf32, #tpu.memory_space<vmem_shared>>) target(%dma_start3A_54 : memref<80x128xf32, #tpu.memory_space<hbm>>) target_semaphore(%run_scoped3A : memref<!tpu.dma_semaphore, #tpu.memory_space<semaphore_mem>>)
          %dma_wait3A = arith.constant 0 : i32
          %dma_wait3A_57 = tpu.memref_slice %arg4[%add3A_52, %dma_wait3A] : memref<20000x128xf32, #tpu.memory_space<hbm>> -> memref<80x128xf32, #tpu.memory_space<hbm>>
          %dma_wait3A_58 = arith.constant 0 : i32
          %dma_wait3A_59 = tpu.memref_slice %arg5[%mul3A_47, %dma_wait3A_58] : memref<10000x128xf32, #tpu.memory_space<vmem_shared>> -> memref<80x128xf32, #tpu.memory_space<vmem_shared>>
          tpu.wait_dma2 semaphore(%run_scoped3A : memref<!tpu.dma_semaphore, #tpu.memory_space<semaphore_mem>>) src(%dma_wait3A_59 : memref<80x128xf32, #tpu.memory_space<vmem_shared>>) dst(%dma_wait3A_57 : memref<80x128xf32, #tpu.memory_space<hbm>>)
          tpu.yield
        }) : () -> ()
      } else {
      }
    }
    %scan3A_39 = arith.constant 8 : i32
    return
  }
}

module attributes {stable_mosaic.version = 14 : i64} {
  func.func @_tc_edge_body(%arg0: i32, %arg1: memref<16x2560xf32, #tpu.memory_space<vmem>>, %arg2: memref<1x20x128xf32, #tpu.memory_space<vmem>>, %arg3: memref<16x128xf32, #tpu.memory_space<vmem>>, %arg4: memref<1x128xf32, #tpu.memory_space<vmem>>, %arg5: memref<1x128xf32, #tpu.memory_space<vmem>>, %arg6: memref<128x128xbf16, #tpu.memory_space<vmem>>, %arg7: memref<1x128xf32, #tpu.memory_space<vmem>>, %arg8: memref<2560x128xf32, #tpu.memory_space<vmem>>) attributes {dimension_semantics = [#tpu.dimension_semantics<arbitrary>], iteration_bounds = array<i64: 63>, scalar_prefetch = 0 : i64, scratch_operands = 0 : i64, tpu.core_type = #tpu.core_type<tc>, window_params = [{transform_indices = @transform_0, window_bounds = array<i64: 16, 2560>}, {transform_indices = @transform_1, window_bounds = array<i64: 1, 20, 128>}, {pipeline_mode = #tpu.pipeline_mode<synchronous>, transform_indices = @transform_2, window_bounds = array<i64: 16, 128>}, {pipeline_mode = #tpu.pipeline_mode<synchronous>, transform_indices = @transform_3, window_bounds = array<i64: 1, 128>}, {pipeline_mode = #tpu.pipeline_mode<synchronous>, transform_indices = @transform_4, window_bounds = array<i64: 1, 128>}, {pipeline_mode = #tpu.pipeline_mode<synchronous>, transform_indices = @transform_5, window_bounds = array<i64: 128, 128>}, {pipeline_mode = #tpu.pipeline_mode<synchronous>, transform_indices = @transform_6, window_bounds = array<i64: 1, 128>}, {transform_indices = @transform_7, window_bounds = array<i64: 2560, 128>}]} {
    %get3A = arith.constant 0 : index
    %get3A_0 = arith.constant 0 : index
    %get3A_1 = arith.constant 0 : index
    %get3A_2 = vector.load %arg2[%get3A, %get3A_0, %get3A_1] : memref<1x20x128xf32, #tpu.memory_space<vmem>>, vector<1x20x128xf32>
    %reshape3A = vector.shape_cast %get3A_2 : vector<1x20x128xf32> to vector<20x128xf32>
    %mul3A = arith.constant -0.0012624911 : f32
    %mul3A_3 = vector.broadcast %mul3A : f32 to vector<20x128xf32>
    %mul3A_4 = arith.mulf %mul3A_3, %reshape3A : vector<20x128xf32>
    %add3A = arith.constant 6.670090e-03 : f32
    %add3A_5 = vector.broadcast %add3A : f32 to vector<20x128xf32>
    %add3A_6 = arith.addf %mul3A_4, %add3A_5 : vector<20x128xf32>
    %mul3A_7 = arith.mulf %add3A_6, %reshape3A : vector<20x128xf32>
    %add3A_8 = arith.constant -0.0170881264 : f32
    %add3A_9 = vector.broadcast %add3A_8 : f32 to vector<20x128xf32>
    %add3A_10 = arith.addf %mul3A_7, %add3A_9 : vector<20x128xf32>
    %mul3A_11 = arith.mulf %add3A_10, %reshape3A : vector<20x128xf32>
    %add3A_12 = arith.constant 0.0308918804 : f32
    %add3A_13 = vector.broadcast %add3A_12 : f32 to vector<20x128xf32>
    %add3A_14 = arith.addf %mul3A_11, %add3A_13 : vector<20x128xf32>
    %mul3A_15 = arith.mulf %add3A_14, %reshape3A : vector<20x128xf32>
    %add3A_16 = arith.constant -0.0501743034 : f32
    %add3A_17 = vector.broadcast %add3A_16 : f32 to vector<20x128xf32>
    %add3A_18 = arith.addf %mul3A_15, %add3A_17 : vector<20x128xf32>
    %mul3A_19 = arith.mulf %add3A_18, %reshape3A : vector<20x128xf32>
    %add3A_20 = arith.constant 0.0889789909 : f32
    %add3A_21 = vector.broadcast %add3A_20 : f32 to vector<20x128xf32>
    %add3A_22 = arith.addf %mul3A_19, %add3A_21 : vector<20x128xf32>
    %mul3A_23 = arith.mulf %add3A_22, %reshape3A : vector<20x128xf32>
    %add3A_24 = arith.constant -0.214598805 : f32
    %add3A_25 = vector.broadcast %add3A_24 : f32 to vector<20x128xf32>
    %add3A_26 = arith.addf %mul3A_23, %add3A_25 : vector<20x128xf32>
    %mul3A_27 = arith.mulf %add3A_26, %reshape3A : vector<20x128xf32>
    %add3A_28 = arith.constant 1.57079625 : f32
    %add3A_29 = vector.broadcast %add3A_28 : f32 to vector<20x128xf32>
    %add3A_30 = arith.addf %mul3A_27, %add3A_29 : vector<20x128xf32>
    %sub3A = arith.constant 1.000000e+00 : f32
    %sub3A_31 = vector.broadcast %sub3A : f32 to vector<20x128xf32>
    %sub3A_32 = arith.subf %sub3A_31, %reshape3A : vector<20x128xf32>
    %max3A = arith.constant 0.000000e+00 : f32
    %max3A_33 = vector.broadcast %max3A : f32 to vector<20x128xf32>
    %max3A_34 = arith.maximumf %sub3A_32, %max3A_33 : vector<20x128xf32>
    %sqrt3A = math.sqrt %max3A_34 : vector<20x128xf32>
    %mul3A_35 = arith.mulf %sqrt3A, %add3A_30 : vector<20x128xf32>
    %sub3A_36 = arith.constant 3.14159274 : f32
    %sub3A_37 = vector.broadcast %sub3A_36 : f32 to vector<20x128xf32>
    %sub3A_38 = arith.subf %sub3A_37, %mul3A_35 : vector<20x128xf32>
    %broadcast_in_dim3A = vector.shape_cast %sub3A_38 : vector<20x128xf32> to vector<20x1x128xf32>
    %broadcast_in_dim3A_39 = vector.shape_cast %broadcast_in_dim3A : vector<20x1x128xf32> to vector<20x1x128xf32>
    %broadcast_in_dim3A_40 = vector.broadcast %broadcast_in_dim3A_39 : vector<20x1x128xf32> to vector<20x128x128xf32>
    %reshape3A_41 = vector.shape_cast %broadcast_in_dim3A_40 : vector<20x128x128xf32> to vector<2560x128xf32>
    %iota3A = tpu.iota {dimensions = array<i32: 0>} : vector<2560x128xi32>
    %iota3A_42 = tpu.iota {dimensions = array<i32: 1>} : vector<2560x128xi32>
    %rem3A = arith.constant 128 : i32
    %rem3A_43 = vector.broadcast %rem3A : i32 to vector<2560x128xi32>
    %rem3A_44 = arith.remsi %iota3A, %rem3A_43 : vector<2560x128xi32>
    %eq3A = arith.cmpi eq, %rem3A_44, %iota3A_42 : vector<2560x128xi32>
    %jit3A = arith.constant 0.000000e+00 : f32
    %broadcast_in_dim3A_45 = vector.broadcast %jit3A : f32 to vector<2560x128xf32>
    %select_n3A = arith.select %eq3A, %reshape3A_41, %broadcast_in_dim3A_45 : vector<2560x128xi1>, vector<2560x128xf32>
    %get3A_46 = arith.constant 0 : index
    %get3A_47 = arith.constant 0 : index
    %get3A_48 = vector.load %arg4[%get3A_46, %get3A_47] : memref<1x128xf32, #tpu.memory_space<vmem>>, vector<1x128xf32>
    %broadcast_in_dim3A_49 = vector.shape_cast %get3A_48 : vector<1x128xf32> to vector<1x128xf32>
    %broadcast_in_dim3A_50 = vector.broadcast %broadcast_in_dim3A_49 : vector<1x128xf32> to vector<128x128xf32>
    %dot_general3A = arith.constant dense<0.000000e+00> : vector<2560x128xf32>
    %dot_general3A_51 = tpu.matmul %select_n3A, %broadcast_in_dim3A_50, %dot_general3A {dimension_numbers = #tpu.dot_dimension_numbers<[1], [0], [0], [1], [0, 0, 1, 1], [], []>, transpose_lhs_hint = false} : vector<2560x128xf32>, vector<128x128xf32>, vector<2560x128xf32> -> vector<2560x128xf32>
    %get3A_52 = arith.constant 0 : index
    %get3A_53 = arith.constant 0 : index
    %get3A_54 = vector.load %arg1[%get3A_52, %get3A_53] : memref<16x2560xf32, #tpu.memory_space<vmem>>, vector<16x2560xf32>
    %get3A_55 = arith.constant 0 : index
    %get3A_56 = arith.constant 0 : index
    %get3A_57 = vector.load %arg3[%get3A_55, %get3A_56] : memref<16x128xf32, #tpu.memory_space<vmem>>, vector<16x128xf32>
    %dot_general3A_58 = arith.constant dense<0.000000e+00> : vector<2560x128xf32>
    %dot_general3A_59 = tpu.matmul %get3A_54, %get3A_57, %dot_general3A_58 {dimension_numbers = #tpu.dot_dimension_numbers<[0], [0], [1], [1], [0, 1, 1, 1], [], []>, transpose_lhs_hint = false} : vector<16x2560xf32>, vector<16x128xf32>, vector<2560x128xf32> -> vector<2560x128xf32>
    %add3A_60 = arith.addf %dot_general3A_59, %dot_general3A_51 : vector<2560x128xf32>
    %get3A_61 = arith.constant 0 : index
    %get3A_62 = arith.constant 0 : index
    %get3A_63 = vector.load %arg5[%get3A_61, %get3A_62] : memref<1x128xf32, #tpu.memory_space<vmem>>, vector<1x128xf32>
    %add3A_64 = vector.broadcast %get3A_63 : vector<1x128xf32> to vector<2560x128xf32>
    %add3A_65 = arith.addf %add3A_60, %add3A_64 : vector<2560x128xf32>
    %neg3A = arith.constant 0.000000e+00 : f32
    %neg3A_66 = vector.broadcast %neg3A : f32 to vector<2560x128xf32>
    %neg3A_67 = arith.subf %neg3A_66, %add3A_65 : vector<2560x128xf32>
    %exp3A = math.exp %neg3A_67 : vector<2560x128xf32>
    %add3A_68 = arith.constant 1.000000e+00 : f32
    %add3A_69 = vector.broadcast %add3A_68 : f32 to vector<2560x128xf32>
    %add3A_70 = arith.addf %add3A_69, %exp3A : vector<2560x128xf32>
    %div3A = arith.constant 1.000000e+00 : f32
    %div3A_71 = vector.broadcast %div3A : f32 to vector<2560x128xf32>
    %div3A_72 = arith.divf %div3A_71, %add3A_70 : vector<2560x128xf32>
    %mul3A_73 = arith.mulf %add3A_65, %div3A_72 : vector<2560x128xf32>
    %convert_element_type3A = arith.truncf %mul3A_73 : vector<2560x128xf32> to vector<2560x128xbf16>
    %get3A_74 = arith.constant 0 : index
    %get3A_75 = arith.constant 0 : index
    %get3A_76 = vector.load %arg6[%get3A_74, %get3A_75] : memref<128x128xbf16, #tpu.memory_space<vmem>>, vector<128x128xbf16>
    %dot_general3A_77 = arith.constant dense<0.000000e+00> : vector<2560x128xf32>
    %dot_general3A_78 = tpu.matmul %convert_element_type3A, %get3A_76, %dot_general3A_77 {dimension_numbers = #tpu.dot_dimension_numbers<[1], [0], [0], [1], [0, 0, 1, 1], [], []>, transpose_lhs_hint = false} : vector<2560x128xbf16>, vector<128x128xbf16>, vector<2560x128xf32> -> vector<2560x128xf32>
    %get3A_79 = arith.constant 0 : index
    %get3A_80 = arith.constant 0 : index
    %get3A_81 = vector.load %arg7[%get3A_79, %get3A_80] : memref<1x128xf32, #tpu.memory_space<vmem>>, vector<1x128xf32>
    %add3A_82 = vector.broadcast %get3A_81 : vector<1x128xf32> to vector<2560x128xf32>
    %add3A_83 = arith.addf %dot_general3A_78, %add3A_82 : vector<2560x128xf32>
    %swap3A = arith.constant 0 : index
    %swap3A_84 = arith.constant 0 : index
    %swap3A_85 = vector.load %arg8[%swap3A, %swap3A_84] : memref<2560x128xf32, #tpu.memory_space<vmem>>, vector<2560x128xf32>
    tpu.vector_store %arg8[%swap3A, %swap3A_84], %add3A_83 {strides = array<i32>} : memref<2560x128xf32, #tpu.memory_space<vmem>>, vector<2560x128xf32>,
    return
  }
  func.func @transform_0(%arg0: i32) -> (i32, i32) {
    %add3A = arith.constant 0 : i32
    %add3A_0 = arith.addi %arg0, %add3A : i32
    %c0_i32 = arith.constant 0 : i32
    %c0_i32_1 = arith.constant 0 : i32
    return %c0_i32, %add3A_0 : i32, i32
  }
  func.func @transform_1(%arg0: i32) -> (i32, i32, i32) {
    %c0_i32 = arith.constant 0 : i32
    %c0_i32_0 = arith.constant 0 : i32
    %c0_i32_1 = arith.constant 0 : i32
    return %arg0, %c0_i32, %c0_i32_0 : i32, i32, i32
  }
  func.func @transform_2(%arg0: i32) -> (i32, i32) {
    %c0_i32 = arith.constant 0 : i32
    %c0_i32_0 = arith.constant 0 : i32
    %c0_i32_1 = arith.constant 0 : i32
    return %c0_i32, %c0_i32_0 : i32, i32
  }
  func.func @transform_3(%arg0: i32) -> (i32, i32) {
    %c0_i32 = arith.constant 0 : i32
    %c0_i32_0 = arith.constant 0 : i32
    %c0_i32_1 = arith.constant 0 : i32
    return %c0_i32, %c0_i32_0 : i32, i32
  }
  func.func @transform_4(%arg0: i32) -> (i32, i32) {
    %c0_i32 = arith.constant 0 : i32
    %c0_i32_0 = arith.constant 0 : i32
    %c0_i32_1 = arith.constant 0 : i32
    return %c0_i32, %c0_i32_0 : i32, i32
  }
  func.func @transform_5(%arg0: i32) -> (i32, i32) {
    %c0_i32 = arith.constant 0 : i32
    %c0_i32_0 = arith.constant 0 : i32
    %c0_i32_1 = arith.constant 0 : i32
    return %c0_i32, %c0_i32_0 : i32, i32
  }
  func.func @transform_6(%arg0: i32) -> (i32, i32) {
    %c0_i32 = arith.constant 0 : i32
    %c0_i32_0 = arith.constant 0 : i32
    %c0_i32_1 = arith.constant 0 : i32
    return %c0_i32, %c0_i32_0 : i32, i32
  }
  func.func @transform_7(%arg0: i32) -> (i32, i32) {
    %c0_i32 = arith.constant 0 : i32
    %c0_i32_0 = arith.constant 0 : i32
    return %arg0, %c0_i32 : i32, i32
  }
}

module attributes {stable_mosaic.version = 14 : i64} {
  func.func @_tc_edge_body(%arg0: i32, %arg1: memref<16x2560xf32, #tpu.memory_space<vmem>>, %arg2: memref<1x20x128xf32, #tpu.memory_space<vmem>>, %arg3: memref<16x128xf32, #tpu.memory_space<vmem>>, %arg4: memref<1x128xf32, #tpu.memory_space<vmem>>, %arg5: memref<1x128xf32, #tpu.memory_space<vmem>>, %arg6: memref<128x128xbf16, #tpu.memory_space<vmem>>, %arg7: memref<1x128xf32, #tpu.memory_space<vmem>>, %arg8: memref<2560x128xf32, #tpu.memory_space<vmem>>) attributes {dimension_semantics = [#tpu.dimension_semantics<arbitrary>], iteration_bounds = array<i64: 62>, scalar_prefetch = 0 : i64, scratch_operands = 0 : i64, tpu.core_type = #tpu.core_type<tc>, window_params = [{transform_indices = @transform_0, window_bounds = array<i64: 16, 2560>}, {transform_indices = @transform_1, window_bounds = array<i64: 1, 20, 128>}, {pipeline_mode = #tpu.pipeline_mode<synchronous>, transform_indices = @transform_2, window_bounds = array<i64: 16, 128>}, {pipeline_mode = #tpu.pipeline_mode<synchronous>, transform_indices = @transform_3, window_bounds = array<i64: 1, 128>}, {pipeline_mode = #tpu.pipeline_mode<synchronous>, transform_indices = @transform_4, window_bounds = array<i64: 1, 128>}, {pipeline_mode = #tpu.pipeline_mode<synchronous>, transform_indices = @transform_5, window_bounds = array<i64: 128, 128>}, {pipeline_mode = #tpu.pipeline_mode<synchronous>, transform_indices = @transform_6, window_bounds = array<i64: 1, 128>}, {transform_indices = @transform_7, window_bounds = array<i64: 2560, 128>}]} {
    %get3A = arith.constant 0 : index
    %get3A_0 = arith.constant 0 : index
    %get3A_1 = arith.constant 0 : index
    %get3A_2 = vector.load %arg2[%get3A, %get3A_0, %get3A_1] : memref<1x20x128xf32, #tpu.memory_space<vmem>>, vector<1x20x128xf32>
    %reshape3A = vector.shape_cast %get3A_2 : vector<1x20x128xf32> to vector<20x128xf32>
    %mul3A = arith.constant -0.0012624911 : f32
    %mul3A_3 = vector.broadcast %mul3A : f32 to vector<20x128xf32>
    %mul3A_4 = arith.mulf %mul3A_3, %reshape3A : vector<20x128xf32>
    %add3A = arith.constant 6.670090e-03 : f32
    %add3A_5 = vector.broadcast %add3A : f32 to vector<20x128xf32>
    %add3A_6 = arith.addf %mul3A_4, %add3A_5 : vector<20x128xf32>
    %mul3A_7 = arith.mulf %add3A_6, %reshape3A : vector<20x128xf32>
    %add3A_8 = arith.constant -0.0170881264 : f32
    %add3A_9 = vector.broadcast %add3A_8 : f32 to vector<20x128xf32>
    %add3A_10 = arith.addf %mul3A_7, %add3A_9 : vector<20x128xf32>
    %mul3A_11 = arith.mulf %add3A_10, %reshape3A : vector<20x128xf32>
    %add3A_12 = arith.constant 0.0308918804 : f32
    %add3A_13 = vector.broadcast %add3A_12 : f32 to vector<20x128xf32>
    %add3A_14 = arith.addf %mul3A_11, %add3A_13 : vector<20x128xf32>
    %mul3A_15 = arith.mulf %add3A_14, %reshape3A : vector<20x128xf32>
    %add3A_16 = arith.constant -0.0501743034 : f32
    %add3A_17 = vector.broadcast %add3A_16 : f32 to vector<20x128xf32>
    %add3A_18 = arith.addf %mul3A_15, %add3A_17 : vector<20x128xf32>
    %mul3A_19 = arith.mulf %add3A_18, %reshape3A : vector<20x128xf32>
    %add3A_20 = arith.constant 0.0889789909 : f32
    %add3A_21 = vector.broadcast %add3A_20 : f32 to vector<20x128xf32>
    %add3A_22 = arith.addf %mul3A_19, %add3A_21 : vector<20x128xf32>
    %mul3A_23 = arith.mulf %add3A_22, %reshape3A : vector<20x128xf32>
    %add3A_24 = arith.constant -0.214598805 : f32
    %add3A_25 = vector.broadcast %add3A_24 : f32 to vector<20x128xf32>
    %add3A_26 = arith.addf %mul3A_23, %add3A_25 : vector<20x128xf32>
    %mul3A_27 = arith.mulf %add3A_26, %reshape3A : vector<20x128xf32>
    %add3A_28 = arith.constant 1.57079625 : f32
    %add3A_29 = vector.broadcast %add3A_28 : f32 to vector<20x128xf32>
    %add3A_30 = arith.addf %mul3A_27, %add3A_29 : vector<20x128xf32>
    %sub3A = arith.constant 1.000000e+00 : f32
    %sub3A_31 = vector.broadcast %sub3A : f32 to vector<20x128xf32>
    %sub3A_32 = arith.subf %sub3A_31, %reshape3A : vector<20x128xf32>
    %max3A = arith.constant 0.000000e+00 : f32
    %max3A_33 = vector.broadcast %max3A : f32 to vector<20x128xf32>
    %max3A_34 = arith.maximumf %sub3A_32, %max3A_33 : vector<20x128xf32>
    %sqrt3A = math.sqrt %max3A_34 : vector<20x128xf32>
    %mul3A_35 = arith.mulf %sqrt3A, %add3A_30 : vector<20x128xf32>
    %sub3A_36 = arith.constant 3.14159274 : f32
    %sub3A_37 = vector.broadcast %sub3A_36 : f32 to vector<20x128xf32>
    %sub3A_38 = arith.subf %sub3A_37, %mul3A_35 : vector<20x128xf32>
    %broadcast_in_dim3A = vector.shape_cast %sub3A_38 : vector<20x128xf32> to vector<20x1x128xf32>
    %broadcast_in_dim3A_39 = vector.shape_cast %broadcast_in_dim3A : vector<20x1x128xf32> to vector<20x1x128xf32>
    %broadcast_in_dim3A_40 = vector.broadcast %broadcast_in_dim3A_39 : vector<20x1x128xf32> to vector<20x128x128xf32>
    %reshape3A_41 = vector.shape_cast %broadcast_in_dim3A_40 : vector<20x128x128xf32> to vector<2560x128xf32>
    %iota3A = tpu.iota {dimensions = array<i32: 0>} : vector<2560x128xi32>
    %iota3A_42 = tpu.iota {dimensions = array<i32: 1>} : vector<2560x128xi32>
    %rem3A = arith.constant 128 : i32
    %rem3A_43 = vector.broadcast %rem3A : i32 to vector<2560x128xi32>
    %rem3A_44 = arith.remsi %iota3A, %rem3A_43 : vector<2560x128xi32>
    %eq3A = arith.cmpi eq, %rem3A_44, %iota3A_42 : vector<2560x128xi32>
    %jit3A = arith.constant 0.000000e+00 : f32
    %broadcast_in_dim3A_45 = vector.broadcast %jit3A : f32 to vector<2560x128xf32>
    %select_n3A = arith.select %eq3A, %reshape3A_41, %broadcast_in_dim3A_45 : vector<2560x128xi1>, vector<2560x128xf32>
    %get3A_46 = arith.constant 0 : index
    %get3A_47 = arith.constant 0 : index
    %get3A_48 = vector.load %arg4[%get3A_46, %get3A_47] : memref<1x128xf32, #tpu.memory_space<vmem>>, vector<1x128xf32>
    %broadcast_in_dim3A_49 = vector.shape_cast %get3A_48 : vector<1x128xf32> to vector<1x128xf32>
    %broadcast_in_dim3A_50 = vector.broadcast %broadcast_in_dim3A_49 : vector<1x128xf32> to vector<128x128xf32>
    %dot_general3A = arith.constant dense<0.000000e+00> : vector<2560x128xf32>
    %dot_general3A_51 = tpu.matmul %select_n3A, %broadcast_in_dim3A_50, %dot_general3A {dimension_numbers = #tpu.dot_dimension_numbers<[1], [0], [0], [1], [0, 0, 1, 1], [], []>, transpose_lhs_hint = false} : vector<2560x128xf32>, vector<128x128xf32>, vector<2560x128xf32> -> vector<2560x128xf32>
    %get3A_52 = arith.constant 0 : index
    %get3A_53 = arith.constant 0 : index
    %get3A_54 = vector.load %arg1[%get3A_52, %get3A_53] : memref<16x2560xf32, #tpu.memory_space<vmem>>, vector<16x2560xf32>
    %get3A_55 = arith.constant 0 : index
    %get3A_56 = arith.constant 0 : index
    %get3A_57 = vector.load %arg3[%get3A_55, %get3A_56] : memref<16x128xf32, #tpu.memory_space<vmem>>, vector<16x128xf32>
    %dot_general3A_58 = arith.constant dense<0.000000e+00> : vector<2560x128xf32>
    %dot_general3A_59 = tpu.matmul %get3A_54, %get3A_57, %dot_general3A_58 {dimension_numbers = #tpu.dot_dimension_numbers<[0], [0], [1], [1], [0, 1, 1, 1], [], []>, transpose_lhs_hint = false} : vector<16x2560xf32>, vector<16x128xf32>, vector<2560x128xf32> -> vector<2560x128xf32>
    %add3A_60 = arith.addf %dot_general3A_59, %dot_general3A_51 : vector<2560x128xf32>
    %get3A_61 = arith.constant 0 : index
    %get3A_62 = arith.constant 0 : index
    %get3A_63 = vector.load %arg5[%get3A_61, %get3A_62] : memref<1x128xf32, #tpu.memory_space<vmem>>, vector<1x128xf32>
    %add3A_64 = vector.broadcast %get3A_63 : vector<1x128xf32> to vector<2560x128xf32>
    %add3A_65 = arith.addf %add3A_60, %add3A_64 : vector<2560x128xf32>
    %neg3A = arith.constant 0.000000e+00 : f32
    %neg3A_66 = vector.broadcast %neg3A : f32 to vector<2560x128xf32>
    %neg3A_67 = arith.subf %neg3A_66, %add3A_65 : vector<2560x128xf32>
    %exp3A = math.exp %neg3A_67 : vector<2560x128xf32>
    %add3A_68 = arith.constant 1.000000e+00 : f32
    %add3A_69 = vector.broadcast %add3A_68 : f32 to vector<2560x128xf32>
    %add3A_70 = arith.addf %add3A_69, %exp3A : vector<2560x128xf32>
    %div3A = arith.constant 1.000000e+00 : f32
    %div3A_71 = vector.broadcast %div3A : f32 to vector<2560x128xf32>
    %div3A_72 = arith.divf %div3A_71, %add3A_70 : vector<2560x128xf32>
    %mul3A_73 = arith.mulf %add3A_65, %div3A_72 : vector<2560x128xf32>
    %convert_element_type3A = arith.truncf %mul3A_73 : vector<2560x128xf32> to vector<2560x128xbf16>
    %get3A_74 = arith.constant 0 : index
    %get3A_75 = arith.constant 0 : index
    %get3A_76 = vector.load %arg6[%get3A_74, %get3A_75] : memref<128x128xbf16, #tpu.memory_space<vmem>>, vector<128x128xbf16>
    %dot_general3A_77 = arith.constant dense<0.000000e+00> : vector<2560x128xf32>
    %dot_general3A_78 = tpu.matmul %convert_element_type3A, %get3A_76, %dot_general3A_77 {dimension_numbers = #tpu.dot_dimension_numbers<[1], [0], [0], [1], [0, 0, 1, 1], [], []>, transpose_lhs_hint = false} : vector<2560x128xbf16>, vector<128x128xbf16>, vector<2560x128xf32> -> vector<2560x128xf32>
    %get3A_79 = arith.constant 0 : index
    %get3A_80 = arith.constant 0 : index
    %get3A_81 = vector.load %arg7[%get3A_79, %get3A_80] : memref<1x128xf32, #tpu.memory_space<vmem>>, vector<1x128xf32>
    %add3A_82 = vector.broadcast %get3A_81 : vector<1x128xf32> to vector<2560x128xf32>
    %add3A_83 = arith.addf %dot_general3A_78, %add3A_82 : vector<2560x128xf32>
    %swap3A = arith.constant 0 : index
    %swap3A_84 = arith.constant 0 : index
    %swap3A_85 = vector.load %arg8[%swap3A, %swap3A_84] : memref<2560x128xf32, #tpu.memory_space<vmem>>, vector<2560x128xf32>
    tpu.vector_store %arg8[%swap3A, %swap3A_84], %add3A_83 {strides = array<i32>} : memref<2560x128xf32, #tpu.memory_space<vmem>>, vector<2560x128xf32>,
    return
  }
  func.func @transform_0(%arg0: i32) -> (i32, i32) {
    %add3A = arith.constant 63 : i32
    %add3A_0 = arith.addi %arg0, %add3A : i32
    %c0_i32 = arith.constant 0 : i32
    %c0_i32_1 = arith.constant 0 : i32
    return %c0_i32, %add3A_0 : i32, i32
  }
  func.func @transform_1(%arg0: i32) -> (i32, i32, i32) {
    %c0_i32 = arith.constant 0 : i32
    %c0_i32_0 = arith.constant 0 : i32
    %c0_i32_1 = arith.constant 0 : i32
    return %arg0, %c0_i32, %c0_i32_0 : i32, i32, i32
  }
  func.func @transform_2(%arg0: i32) -> (i32, i32) {
    %c0_i32 = arith.constant 0 : i32
    %c0_i32_0 = arith.constant 0 : i32
    %c0_i32_1 = arith.constant 0 : i32
    return %c0_i32, %c0_i32_0 : i32, i32
  }
  func.func @transform_3(%arg0: i32) -> (i32, i32) {
    %c0_i32 = arith.constant 0 : i32
    %c0_i32_0 = arith.constant 0 : i32
    %c0_i32_1 = arith.constant 0 : i32
    return %c0_i32, %c0_i32_0 : i32, i32
  }
  func.func @transform_4(%arg0: i32) -> (i32, i32) {
    %c0_i32 = arith.constant 0 : i32
    %c0_i32_0 = arith.constant 0 : i32
    %c0_i32_1 = arith.constant 0 : i32
    return %c0_i32, %c0_i32_0 : i32, i32
  }
  func.func @transform_5(%arg0: i32) -> (i32, i32) {
    %c0_i32 = arith.constant 0 : i32
    %c0_i32_0 = arith.constant 0 : i32
    %c0_i32_1 = arith.constant 0 : i32
    return %c0_i32, %c0_i32_0 : i32, i32
  }
  func.func @transform_6(%arg0: i32) -> (i32, i32) {
    %c0_i32 = arith.constant 0 : i32
    %c0_i32_0 = arith.constant 0 : i32
    %c0_i32_1 = arith.constant 0 : i32
    return %c0_i32, %c0_i32_0 : i32, i32
  }
  func.func @transform_7(%arg0: i32) -> (i32, i32) {
    %c0_i32 = arith.constant 0 : i32
    %c0_i32_0 = arith.constant 0 : i32
    return %arg0, %c0_i32 : i32, i32
  }
}

module attributes {stable_mosaic.version = 14 : i64} {
  func.func @_tc_node_body(%arg0: i32, %arg1: memref<2000x128xf32, #tpu.memory_space<vmem>>, %arg2: memref<2000x128xf32, #tpu.memory_space<vmem>>, %arg3: memref<2000x128xf32, #tpu.memory_space<vmem>>, %arg4: memref<2000x128xf32, #tpu.memory_space<vmem>>, %arg5: memref<2000x128xf32, #tpu.memory_space<vmem>>, %arg6: memref<128x128xf32, #tpu.memory_space<vmem>>, %arg7: memref<1x128xf32, #tpu.memory_space<vmem>>, %arg8: memref<128x128xf32, #tpu.memory_space<vmem>>, %arg9: memref<1x128xf32, #tpu.memory_space<vmem>>, %arg10: memref<2000x128xf32, #tpu.memory_space<vmem>>) attributes {dimension_semantics = [#tpu.dimension_semantics<arbitrary>], iteration_bounds = array<i64: 5>, scalar_prefetch = 0 : i64, scratch_operands = 0 : i64, tpu.core_type = #tpu.core_type<tc>, window_params = [{transform_indices = @transform_0, window_bounds = array<i64: 2000, 128>}, {transform_indices = @transform_1, window_bounds = array<i64: 2000, 128>}, {transform_indices = @transform_2, window_bounds = array<i64: 2000, 128>}, {transform_indices = @transform_3, window_bounds = array<i64: 2000, 128>}, {transform_indices = @transform_4, window_bounds = array<i64: 2000, 128>}, {pipeline_mode = #tpu.pipeline_mode<synchronous>, transform_indices = @transform_5, window_bounds = array<i64: 128, 128>}, {pipeline_mode = #tpu.pipeline_mode<synchronous>, transform_indices = @transform_6, window_bounds = array<i64: 1, 128>}, {pipeline_mode = #tpu.pipeline_mode<synchronous>, transform_indices = @transform_7, window_bounds = array<i64: 128, 128>}, {pipeline_mode = #tpu.pipeline_mode<synchronous>, transform_indices = @transform_8, window_bounds = array<i64: 1, 128>}, {transform_indices = @transform_9, window_bounds = array<i64: 2000, 128>}]} {
    %get3A = arith.constant 0 : index
    %get3A_0 = arith.constant 0 : index
    %get3A_1 = vector.load %arg2[%get3A, %get3A_0] : memref<2000x128xf32, #tpu.memory_space<vmem>>, vector<2000x128xf32>
    %get3A_2 = arith.constant 0 : index
    %get3A_3 = arith.constant 0 : index
    %get3A_4 = vector.load %arg3[%get3A_2, %get3A_3] : memref<2000x128xf32, #tpu.memory_space<vmem>>, vector<2000x128xf32>
    %add3A = arith.addf %get3A_1, %get3A_4 : vector<2000x128xf32>
    %get3A_5 = arith.constant 0 : index
    %get3A_6 = arith.constant 0 : index
    %get3A_7 = vector.load %arg4[%get3A_5, %get3A_6] : memref<2000x128xf32, #tpu.memory_space<vmem>>, vector<2000x128xf32>
    %add3A_8 = arith.addf %add3A, %get3A_7 : vector<2000x128xf32>
    %get3A_9 = arith.constant 0 : index
    %get3A_10 = arith.constant 0 : index
    %get3A_11 = vector.load %arg5[%get3A_9, %get3A_10] : memref<2000x128xf32, #tpu.memory_space<vmem>>, vector<2000x128xf32>
    %add3A_12 = arith.addf %add3A_8, %get3A_11 : vector<2000x128xf32>
    %get3A_13 = arith.constant 0 : index
    %get3A_14 = arith.constant 0 : index
    %get3A_15 = vector.load %arg6[%get3A_13, %get3A_14] : memref<128x128xf32, #tpu.memory_space<vmem>>, vector<128x128xf32>
    %dot_general3A = arith.constant dense<0.000000e+00> : vector<2000x128xf32>
    %dot_general3A_16 = tpu.matmul %add3A_12, %get3A_15, %dot_general3A {dimension_numbers = #tpu.dot_dimension_numbers<[1], [0], [0], [1], [0, 0, 1, 1], [], []>, transpose_lhs_hint = false} : vector<2000x128xf32>, vector<128x128xf32>, vector<2000x128xf32> -> vector<2000x128xf32>
    %get3A_17 = arith.constant 0 : index
    %get3A_18 = arith.constant 0 : index
    %get3A_19 = vector.load %arg7[%get3A_17, %get3A_18] : memref<1x128xf32, #tpu.memory_space<vmem>>, vector<1x128xf32>
    %add3A_20 = vector.broadcast %get3A_19 : vector<1x128xf32> to vector<2000x128xf32>
    %add3A_21 = arith.addf %dot_general3A_16, %add3A_20 : vector<2000x128xf32>
    %neg3A = arith.constant 0.000000e+00 : f32
    %neg3A_22 = vector.broadcast %neg3A : f32 to vector<2000x128xf32>
    %neg3A_23 = arith.subf %neg3A_22, %add3A_21 : vector<2000x128xf32>
    %exp3A = math.exp %neg3A_23 : vector<2000x128xf32>
    %add3A_24 = arith.constant 1.000000e+00 : f32
    %add3A_25 = vector.broadcast %add3A_24 : f32 to vector<2000x128xf32>
    %add3A_26 = arith.addf %add3A_25, %exp3A : vector<2000x128xf32>
    %div3A = arith.constant 1.000000e+00 : f32
    %div3A_27 = vector.broadcast %div3A : f32 to vector<2000x128xf32>
    %div3A_28 = arith.divf %div3A_27, %add3A_26 : vector<2000x128xf32>
    %mul3A = arith.mulf %add3A_21, %div3A_28 : vector<2000x128xf32>
    %get3A_29 = arith.constant 0 : index
    %get3A_30 = arith.constant 0 : index
    %get3A_31 = vector.load %arg8[%get3A_29, %get3A_30] : memref<128x128xf32, #tpu.memory_space<vmem>>, vector<128x128xf32>
    %dot_general3A_32 = arith.constant dense<0.000000e+00> : vector<2000x128xf32>
    %dot_general3A_33 = tpu.matmul %mul3A, %get3A_31, %dot_general3A_32 {dimension_numbers = #tpu.dot_dimension_numbers<[1], [0], [0], [1], [0, 0, 1, 1], [], []>, transpose_lhs_hint = false} : vector<2000x128xf32>, vector<128x128xf32>, vector<2000x128xf32> -> vector<2000x128xf32>
    %get3A_34 = arith.constant 0 : index
    %get3A_35 = arith.constant 0 : index
    %get3A_36 = vector.load %arg9[%get3A_34, %get3A_35] : memref<1x128xf32, #tpu.memory_space<vmem>>, vector<1x128xf32>
    %add3A_37 = vector.broadcast %get3A_36 : vector<1x128xf32> to vector<2000x128xf32>
    %add3A_38 = arith.addf %dot_general3A_33, %add3A_37 : vector<2000x128xf32>
    %get3A_39 = arith.constant 0 : index
    %get3A_40 = arith.constant 0 : index
    %get3A_41 = vector.load %arg1[%get3A_39, %get3A_40] : memref<2000x128xf32, #tpu.memory_space<vmem>>, vector<2000x128xf32>
    %add3A_42 = arith.addf %get3A_41, %add3A_38 : vector<2000x128xf32>
    %swap3A = arith.constant 0 : index
    %swap3A_43 = arith.constant 0 : index
    %swap3A_44 = vector.load %arg10[%swap3A, %swap3A_43] : memref<2000x128xf32, #tpu.memory_space<vmem>>, vector<2000x128xf32>
    tpu.vector_store %arg10[%swap3A, %swap3A_43], %add3A_42 {strides = array<i32>} : memref<2000x128xf32, #tpu.memory_space<vmem>>, vector<2000x128xf32>,
    return
  }
  func.func @transform_0(%arg0: i32) -> (i32, i32) {
    %c0_i32 = arith.constant 0 : i32
    %c0_i32_0 = arith.constant 0 : i32
    return %arg0, %c0_i32 : i32, i32
  }
  func.func @transform_1(%arg0: i32) -> (i32, i32) {
    %c0_i32 = arith.constant 0 : i32
    %c0_i32_0 = arith.constant 0 : i32
    return %arg0, %c0_i32 : i32, i32
  }
  func.func @transform_2(%arg0: i32) -> (i32, i32) {
    %add3A = arith.constant 5 : i32
    %add3A_0 = arith.addi %arg0, %add3A : i32
    %c0_i32 = arith.constant 0 : i32
    %c0_i32_1 = arith.constant 0 : i32
    return %add3A_0, %c0_i32 : i32, i32
  }
  func.func @transform_3(%arg0: i32) -> (i32, i32) {
    %c0_i32 = arith.constant 0 : i32
    %c0_i32_0 = arith.constant 0 : i32
    return %arg0, %c0_i32 : i32, i32
  }
  func.func @transform_4(%arg0: i32) -> (i32, i32) {
    %add3A = arith.constant 5 : i32
    %add3A_0 = arith.addi %arg0, %add3A : i32
    %c0_i32 = arith.constant 0 : i32
    %c0_i32_1 = arith.constant 0 : i32
    return %add3A_0, %c0_i32 : i32, i32
  }
  func.func @transform_5(%arg0: i32) -> (i32, i32) {
    %c0_i32 = arith.constant 0 : i32
    %c0_i32_0 = arith.constant 0 : i32
    %c0_i32_1 = arith.constant 0 : i32
    return %c0_i32, %c0_i32_0 : i32, i32
  }
  func.func @transform_6(%arg0: i32) -> (i32, i32) {
    %c0_i32 = arith.constant 0 : i32
    %c0_i32_0 = arith.constant 0 : i32
    %c0_i32_1 = arith.constant 0 : i32
    return %c0_i32, %c0_i32_0 : i32, i32
  }
  func.func @transform_7(%arg0: i32) -> (i32, i32) {
    %c0_i32 = arith.constant 0 : i32
    %c0_i32_0 = arith.constant 0 : i32
    %c0_i32_1 = arith.constant 0 : i32
    return %c0_i32, %c0_i32_0 : i32, i32
  }
  func.func @transform_8(%arg0: i32) -> (i32, i32) {
    %c0_i32 = arith.constant 0 : i32
    %c0_i32_0 = arith.constant 0 : i32
    %c0_i32_1 = arith.constant 0 : i32
    return %c0_i32, %c0_i32_0 : i32, i32
  }
  func.func @transform_9(%arg0: i32) -> (i32, i32) {
    %c0_i32 = arith.constant 0 : i32
    %c0_i32_0 = arith.constant 0 : i32
    return %arg0, %c0_i32 : i32, i32
  }
}

</mosaic_0001>

<sc_bundles>
// kernel: kernel.12.cloned.1.call-start
scs
__scs_entry_jumppad:
0x0: {  	(pc) =	sbr.rel $0x88, $3  }
0x1: {  	(tag) =	ssettag $0x0;
	lr =	simm.s32 $0x1  }
0x2: {  	[smem:$0x3F95] =	sst lr;
	_ =	strace $0xD0000000  }
0x3: {  	_ = 	snop  }
0x4: {  	_ = 	snop  }
0x5: {  	_ = 	snop  }
0x6: {  	_ = 	snop  }
0x7: {  	_ = 	snop  }
__scs_overlays_trampoline_lowered:
0x8: {  	[smem:$0x3FA4] =	sst s0  }
0x9: {  	[smem:$0x3FA5] =	sst s1  }
0xa: {  	[smem:$0x3FA6] =	sst s2  }
0xb: {  	[smem:$0x3FA7] =	sst s3  }
0xc: {  	[smem:$0x3FA8] =	sst s4  }
0xd: {  	[smem:$0x3FA9] =	sst s5  }
0xe: {  	[smem:$0x3FAA] =	sst s6  }
0xf: {  	[smem:$0x3FAB] =	sst s7  }
0x10: {  	[smem:$0x3FAC] =	sst s8  }
0x11: {  	[smem:$0x3FAD] =	sst s9;
	s0 =	simm.s32 @!p0 $0x0  }
0x12: {  	s1 =	sld [smem:$0x3F93];
	s0 =	simm.s32 @p0 $0x1  }
0x13: {  	[smem:$0x3FAE] =	sst s0;
	s0 =	simm.s32 @!p1 $0x0  }
0x14: {  	s2 =	sld [smem:$0x3F92];
	s0 =	simm.s32 @p1 $0x1  }
0x15: {  	[smem:$0x3FAF] =	sst s0;
	s0 =	simm.s32 @!p2 $0x0  }
0x16: {  	s3 =	sld [smem:$0x3FDB];
	s0 =	simm.s32 @p2 $0x1  }
0x17: {  	s4 =	simm.s32 $0x1BF5;
	[smem:$0x3FB1] =	sst s0  }
0x18: {  	s0 =	sld [smem:$0x3F94];
	_ =	swait.ge [sflag:s4], $0x0  }
0x19: {  	s7 =	sld [smem:$0x3F95]  }
0x1a: {  	s8 =	sadd.s32 $0xFFFFE003, lr  }
0x1b: {  	s9 =	sadd.s32 $0xFFFFFEF7, lr;
	s5 =	simm.s32 $0xFFFFFFFF;
	p2 =	slt.u32 s8, $0xFFFFF086  }
0x1c: {  	p1 =	slt.u32 s9, $0xF7A;
	s5 =	simm.s32 @!p2 $0x0  }
0x1d: {  	s5 =	simm.s32 @p1 $0x1;
	p0 =	seq.s32 s7, s2  }
0x1e: {  	s7 =	smul.u32 @!p0 $0xF7A, s2;
	p2 =	seq.s32 @!p0 s5, $0x0  }
0x1f: {  	s9 =	smul.u32 $0xF7A, s1;
	s8 =	simm.s32 @!p0 $0x1BF5;
	p2 =	por !p2, p0  }
0x20: {  	[sflag:s8] =	ssyncset.s32 @!p0 $0xFFFFF086;
	s6 =	sadd.s32 @!p0 s3, s7;
	s7 =	simm.s32 @!p0 $0x108  }
0x21: {  	s3 =	sadd.s32 s3, s9;
	s6 =	sadd.s32 @!p0 $0x88, s6;
	s7 =	simm.s32 @p2 $0x1082  }
0x22: {  	[simem:s7], [sflag:s8] =	dma.local @!p0 [hbm:s6], $0xF7A  }
0x23: {  	s9 =	sor.u32 $0xD0000000, s2;
	s6 =	simm.s32 $0x108;
	_ =	swait.ge @!p0 [sflag:s8], $0x0  }
0x24: {  	s3 =	sadd.s32 $0x88, s3;
	s6 =	simm.s32 @!p1 $0x1082;
	[sflag:s4] =	ssyncset.s32 $0xFFFFF086  }
0x25: {  	[simem:s6], [sflag:s4] =	dma.local [hbm:s3], $0xF7A  }
0x26: {  	[smem:$0x3F95] =	sst s1;
	(tag) =	ssettag s2;
	_ =	strace s9  }
0x27: {  	s1 =	sld [smem:$0x3FA5]  }
0x28: {  	s2 =	sld [smem:$0x3FA6]  }
0x29: {  	s4 =	sld [smem:$0x3FA8]  }
0x2a: {  	p0 =	seq.s32 s5, $0x0;
	s5 =	sld [smem:$0x3FA9]  }
0x2b: {  	s6 =	sld [smem:$0x3FAA]  }
0x2c: {  	s7 =	sld [smem:$0x3FAB]  }
0x2d: {  	s3 =	simm.s32 $0x108;
	s8 =	sld [smem:$0x3FAC]  }
0x2e: {  	s3 =	simm.s32 @!p0 $0x1082;
	s9 =	sld [smem:$0x3FAD]  }
0x2f: {  	lr =	sadd.s32 s0, s3;
	s0 =	sld [smem:$0x3FA4]  }
0x30: {  	s3 =	sld [smem:$0x3FA7]  }
0x31: {  	[smem:$0x3FB0] =	sst s10  }
0x32: {  	s10 =	sld [smem:$0x3FAE];
	_ =	sdelay $0x3  }
0x33: {  	p0 =	seq.s32 s10, $0x1;
	s10 =	sld [smem:$0x3FB0];
	_ =	sdelay $0x3  }
0x34: {  	[smem:$0x3FB0] =	sst s10  }
0x35: {  	s10 =	sld [smem:$0x3FAF];
	_ =	sdelay $0x3  }
0x36: {  	p1 =	seq.s32 s10, $0x1;
	s10 =	sld [smem:$0x3FB0];
	_ =	sdelay $0x3  }
0x37: {  	[smem:$0x3FB0] =	sst s10  }
0x38: {  	s10 =	sld [smem:$0x3FB1]  }
0x39: {  	_ = 	snop;
	(pc) =	sbr.ind lr, $3  }
0x3a: {  	_ = 	snop  }
0x3b: {  	_ = 	snop  }
0x3c: {  	p2 =	seq.s32 s10, $0x1;
	s10 =	sld [smem:$0x3FB0]  }
0x3d: {  	_ =	shalt  }
0x3e: {  	_ =	shalt  }
0x3f: {  	_ =	shalt  }
0x40: {  	_ =	shalt  }
0x41: {  	_ =	shalt  }
0x42: {  	_ =	shalt  }
0x43: {  	_ =	shalt  }
0x44: {  	_ =	shalt  }
0x45: {  	_ =	shalt  }
0x46: {  	_ =	shalt  }
0x47: {  	_ =	shalt  }
0x48: {  	_ =	shalt  }
0x49: {  	_ =	shalt  }
0x4a: {  	_ =	shalt  }
0x4b: {  	_ =	shalt  }
0x4c: {  	_ =	shalt  }
0x4d: {  	_ =	shalt  }
0x4e: {  	_ =	shalt  }
0x4f: {  	_ =	shalt  }
0x50: {  	_ =	shalt  }
0x51: {  	_ =	shalt  }
0x52: {  	_ =	shalt  }
0x53: {  	_ =	shalt  }
0x54: {  	_ =	shalt  }
0x55: {  	_ =	shalt  }
0x56: {  	_ =	shalt  }
0x57: {  	_ =	shalt  }
0x58: {  	_ =	shalt  }
0x59: {  	_ =	shalt  }
0x5a: {  	_ =	shalt  }
0x5b: {  	_ =	shalt  }
0x5c: {  	_ =	shalt  }
0x5d: {  	_ =	shalt  }
0x5e: {  	_ =	shalt  }
0x5f: {  	_ =	shalt  }
0x60: {  	_ =	shalt  }
0x61: {  	_ =	shalt  }
0x62: {  	_ =	shalt  }
0x63: {  	_ =	shalt  }
0x64: {  	_ =	shalt  }
0x65: {  	_ =	shalt  }
0x66: {  	_ =	shalt  }
0x67: {  	_ =	shalt  }
0x68: {  	_ =	shalt  }
0x69: {  	_ =	shalt  }
0x6a: {  	_ =	shalt  }
0x6b: {  	_ =	shalt  }
0x6c: {  	_ =	shalt  }
0x6d: {  	_ =	shalt  }
0x6e: {  	_ =	shalt  }
0x6f: {  	_ =	shalt  }
0x70: {  	_ =	shalt  }
0x71: {  	_ =	shalt  }
0x72: {  	_ =	shalt  }
0x73: {  	_ =	shalt  }
0x74: {  	_ =	shalt  }
0x75: {  	_ =	shalt  }
0x76: {  	_ =	shalt  }
0x77: {  	_ =	shalt  }
0x78: {  	_ =	shalt  }
0x79: {  	_ =	shalt  }
0x7a: {  	_ =	shalt  }
0x7b: {  	_ =	shalt  }
0x7c: {  	_ =	shalt  }
0x7d: {  	_ =	shalt  }
0x7e: {  	_ =	shalt  }
0x7f: {  	_ =	shalt  }
0x80: {  	_ =	shalt  }
0x81: {  	_ =	shalt  }
0x82: {  	_ =	shalt  }
0x83: {  	_ =	shalt  }
0x84: {  	_ =	shalt  }
0x85: {  	_ =	shalt  }
0x86: {  	_ =	shalt  }
0x87: {  	_ =	shalt  }
.Lfunc_end0:
.L_simem_size_0:
called_computation.1_lowered:
.L_overlay_start_0:
0x88: {  	s2 =	sld [smem:$0x3FD9]  }
0x89: {  	s3 =	sld [smem:$0x3FFE];
	_ =	sdelay $0x1  }
0x8a: {  	s1 =	srdreg.scid  }
0x8b: {  	s0 =	sand.u32 $0x1, s1  }
0x8c: {  	s17 =	sshll.u32 s0, $0xA;
	s2 =	sadd.s32 s3, s2  }
0x8d: {  	s2 =	sadd.s32 s2, s17  }
0x8e: {  	[smem:$0x3FBC] =	sst s2  }
0x8f: {  	_ = 	snop  }
0x90: {  	s18 =	sld [smem:$0x3FD0];
	(tm) =	ssettm $0x1  }
0x91: {  	s19 =	sld [smem:$0x3FFB];
	_ =	sdelay $0x3  }
0x92: {  	_ =	strace s19  }
0x93: {  	s2 =	sld [smem:$0x3FFC];
	_ =	sdelay $0x3  }
0x94: {  	_ =	strace s2  }
0x95: {  	s2 =	sld [smem:$0x3FFD];
	_ =	sdelay $0x3  }
0x96: {  	_ =	strace s2  }
0x97: {  	_ =	strace $0x8FFFFFFF  }
0x98: {  	s20 =	sld [smem:$0x3FDB];
	_ =	sdelay $0x1  }
0x99: {  	s4 =	simm.s32 $_scs_section_size  }
0x9a: {  	s5 =	simm.s32 $_size__tile_overlayer_lowered;
	s6 =	simm.s32 $_tile_overlayer_lowered  }
0x9b: {  	s7 =	simm.s32 $0x1BFF;
	s21 =	sshll.u32 s6, $0x1;
	s4 =	sadd.s32 s4, s20  }
0x9c: {  	s22 =	simm.s32 $0x0;
	s5 =	sshll.u32 s5, $0x1;
	s6 =	sadd.s32 s21, s4  }
0x9d: {  	[timem:s22], [sflag:s7] =	dma.local [hbm:s6], s5  }
0x9e: {  	_ =	swait.ge [sflag:s7], s5  }
0x9f: {  	s5 =	ssub.s32 $0x0, s5;
	[sflag:s7] =	ssyncset.done $0x0  }
0xa0: {  	[sflag:s7] =	ssyncadd.s32 s5;
	_ =	sdelay $0x1  }
0xa1: {  	s23 =	simm.s32 $0x1B8B  }
0xa2: {  	_ =	swait.ge [sflag:s23], $0x1  }
0xa3: {  	[sflag:s23] =	ssyncset.done $0x0  }
0xa4: {  	[sflag:s23] =	ssyncadd.s32 $0xFFFFFFFF  }
0xa5: {  	s5 =	sld [smem:$0x0]  }
0xa6: {  	s6 =	sand.u32 $0xFFFFFFFE, s1  }
0xa7: {  	p0 =	sne.s32 s1, s6  }
0xa8: {  	s6 =	sshll.u32 @p0 s6, $0xE  }
0xa9: {  	s6 =	sadd.s32 @p0 $0x11B8D, s6;
	s7 =	sshll.u32 @p0 s5, $0x11  }
0xaa: {  	s6 =	sor.u32 @p0 s7, s6  }
0xab: {  	[sflag:s6] =	ssyncadd.remote.s32 @p0 $0x1;
	_ =	sdelay $0x1  }
0xac: {  	s6 =	simm.s32 @p0 $0x1B8D  }
0xad: {  	_ =	swait.eq @p0 [sflag:s6], $0x1  }
0xae: {  	[sflag:s6] =	ssyncadd.s32 @p0 $0xFFFFFFFF  }
0xaf: {  	s7 =	sshll.u32 @!p0 s1, $0xE  }
0xb0: {  	s7 =	sor.u32 @!p0 $0x4000, s7;
	s6 =	simm.s32 @!p0 $0x1B8D  }
0xb1: {  	s5 =	sshll.u32 @!p0 s5, $0x11;
	s7 =	sadd.s32 @!p0 $0x11B8D, s7;
	_ =	swait.eq @!p0 [sflag:s6], $0x1  }
0xb2: {  	s5 =	sor.u32 @!p0 s5, s7;
	[sflag:s6] =	ssyncadd.s32 @!p0 $0xFFFFFFFF  }
0xb3: {  	s25 =	simm.s32 $0x1B8E;
	s24 =	sld [smem:$0x3FFE];
	[sflag:s5] =	ssyncadd.remote.s32 @!p0 $0x1  }
0xb4: {  	s26 =	simm.s32 $execute0_lowered;
	[smem:$0x3FD2] =	sst s25  }
0xb5: {  	s6 =	sshll.u32 s26, $0x1;
	_ =	strace $0x8000004C;
	[dreg:$0x1] =	wrdreg $0xFFFFFFFF  }
0xb6: {  	s28 =	simm.s32 $_size_execute0_lowered;
	s4 =	sadd.s32 s4, s6;
	[dreg:$0x0] =	wrdreg $0x0  }
0xb7: {  	s6 =	sshll.u32 s28, $0x1;
	[dreg:$0x2] =	wrdreg s4  }
0xb8: {  	[dreg:$0x3] =	wrdreg s6  }
0xb9: {  	[dreg:$0x4] =	wrdreg $0xC0  }
0xba: {  	_ =	task [dreg:s22], $0x5FFFF  }
0xbb: {  	[dreg:$0x1] =	wrdreg $0xFFFFFFFF  }
0xbc: {  	[dreg:$0x0] =	wrdreg $0x60  }
0xbd: {  	[dreg:$0x2] =	wrdreg s24  }
0xbe: {  	[dreg:$0x3] =	wrdreg s18  }
0xbf: {  	[dreg:$0x4] =	wrdreg $0x0  }
0xc0: {  	[dreg:$0x5] =	wrdreg $0x9  }
0xc1: {  	_ =	task.clear_ibuf [dreg:s22], $0x6FFFF;
	_ =	strace $0x9000004C  }
0xc2: {  	s29 =	simm.s32 $0x9;
	_ =	strace $0x8000004E  }
0xc3: {  	_ =	swait.ge [sflag:s29], $0x1  }
0xc4: {  	[sflag:s29] =	ssyncadd.s32 $0xFFFFFFFF  }
0xc5: {  	_ =	strace $0x9000004E  }
0xc6: {  	_ =	sfence  }
0xc7: {  	s30 =	sld [smem:$0x0];
	_ =	sdelay $0x2  }
0xc8: {  	s31 =	sshll.u32 s1, $0xD;
	s1 =	sshrl.u32 s1, $0x2  }
0xc9: {  	s4 =	sand.u32 $0x4000, s31;
	s1 =	sadd.s32 s1, s30  }
0xca: {  	s0 =	sor.u32 s4, s0;
	s1 =	sshll.u32 s1, $0x11  }
0xcb: {  	s0 =	sor.u32 s1, s0  }
0xcc: {  	s0 =	sadd.s32 $0x8F2B, s0  }
0xcd: {  	[sflag:s0] =	ssyncadd.remote.s32 $0x1  }
0xce: {  	_ =	sfence.sel $0xFFFF  }
0xcf: {  	[dreg:$0x0] =	wrdreg $0xFFFFFFFF;
	(pc) =	sbr.abs _section_cstart, $3  }
0xd0: {  	[dreg:$0x1] =	wrdreg $0xFFFFFFFF  }
0xd1: {  	_ =	task.clear_ibuf [dreg:s22], $0x2FFFF;
	_ =	strace $0x9FFFFFFF  }
0xd2: {  	(tm) =	ssettm $0x7FFFFFFF  }
0xd3: {  	_ =	shalt  }
tec
execute0_lowered:
.L_overlay_start_1:
0x0: {  	(tag) =	ssettag $0x1  }
0x1: {  	s0 =	srdreg.scid  }
0x2: {  	s18 =	stileid.u32;
	s4 =	rddreg [dreg:$0x0]  }
0x3: {  	s2 =	rddreg [dreg:$0x1];
	s8 =	smul.u32 $0x500, s18  }
0x4: {  	s3 =	rddreg [dreg:$0x2];
	s0 =	sand.u32 $0x1, s0;
	s23 =	smul.u32 $0x27600, s18  }
0x5: {  	s28 =	simm.s32 $0x18980;
	s7 =	sor.u32 $0x10, s18;
	s5 =	smul.u32 $0x27100, s0  }
0x6: {  	s29 =	simm.s32 $0x5;
	s10 =	sor.u32 $0x20, s18;
	s11 =	smul.u32 $0x500, s7  }
0x7: {  	s30 =	simm.s32 $0x13880;
	s14 =	sor.u32 $0x40, s18;
	s12 =	smul.u32 $0x500, s10  }
0x8: {  	s31 =	simm.s32 $0x13980;
	s19 =	sor.u32 $0x50, s18;
	s17 =	smul.u32 $0x500, s14  }
0x9: {  	s1 =	sshll.u32 s18, $0x1;
	s21 =	sor.u32 $0x70, s18;
	s22 =	smul.u32 $0x500, s19  }
0xa: {  	s9 =	sadd.s32 $0xEE00, s4;
	s1 =	sor.u32 s0, s1;
	s25 =	smul.u32 $0x500, s21  }
0xb: {  	s20 =	sor.u32 $0x60, s18;
	s13 =	ssub.s32 $0x2, s0;
	s6 =	smul.u32 $0x13B0, s1  }
0xc: {  	p0 =	sgt.u32 s21, $0x7C;
	s1 =	smul.u32 $0x13B00, s1;
	s16 =	sshrl.u32 s13, $0x1  }
0xd: {  	s4 =	sadd.s32 s5, s4;
	s5 =	sor.u32 $0x30, s18;
	s13 =	ssub.s32 s13, s16  }
0xe: {  	s15 =	smul.u32 $0x500, s5;
	s1 =	sadd.s32 s9, s1;
	s6 =	sshrl.u32 s6, $0x3  }
0xf: {  	s5 =	smul.u32 $0xA000, s5;
	[dreg:$0x4] =	wrdreg s1;
	s1 =	sadd.s32 $0x284E00, s4  }
0x10: {  	s4 =	smul.u32 $0x500, s20;
	s6 =	sadd.s32 s2, s6;
	s8 =	sadd.s32 s1, s8  }
0x11: {  	s11 =	sadd.s32 s1, s11;
	s24 =	sadd.s32 s1, s12;
	[dreg:$0x5] =	wrdreg s8  }
0x12: {  	s26 =	sadd.s32 s1, s15;
	s15 =	smul.u32 $0x13B00, s0;
	[dreg:$0x6] =	wrdreg s11  }
0x13: {  	s17 =	sadd.s32 s1, s17;
	s0 =	smul.u32 $0x13B0, s0;
	[dreg:$0x7] =	wrdreg s24  }
0x14: {  	[dreg:$0x8] =	wrdreg s26;
	s8 =	sadd.s32 s23, s9;
	s23 =	smul.u32 $0x2760, s18  }
0x15: {  	s22 =	sadd.s32 s1, s22;
	[dreg:$0x9] =	wrdreg s17;
	s24 =	smul.u32 $0xA000, s18  }
0x16: {  	s4 =	sadd.s32 s1, s4;
	s1 =	sadd.s32 s1, s25;
	s25 =	smul.u32 $0xA000, s7  }
0x17: {  	s12 =	simm.s32 $0x0;
	[dreg:$0xa] =	wrdreg s22;
	s11 =	smul.u32 $0xA000, s14  }
0x18: {  	[smem:$0x7FF] =	sst s12;
	s26 =	smax.u32 s13, $0x1;
	s14 =	smul.u32 $0xA000, s19  }
0x19: {  	s13 =	sshrl.u32 s5, $0x2;
	s19 =	smul.u32 $0xA000, s20;
	[dreg:$0xb] =	wrdreg s4  }
0x1a: {  	s20 =	smul.u32 $0xA000, s21;
	s7 =	simm.s32 $0x6;
	[dreg:$0xc] =	wrdreg s1  }
0x1b: {  	s1 =	sadd.s32 s15, s8;
	_ =	strace $0x8000004D;
	[dreg:$0xd] =	wrdreg s6  }
0x1c: {  	s8 =	smul.u32 $0xA000, s10;
	s0 =	sadd.s32 s0, s23;
	[dreg:$0xe] =	wrdreg s26  }
0x1d: {  	s4 =	sshrl.u32 s24, $0x2;
	s9 =	sshrl.u32 s25, $0x2;
	s18 =	sshrl.u32 s11, $0x2  }
0x1e: {  	s5 =	sshrl.u32 s14, $0x2;
	s23 =	sshrl.u32 s19, $0x2;
	s24 =	sshrl.u32 s20, $0x2  }
0x1f: {  	s6 =	simm.s32 $0x50;
	s15 =	sadd.s32 s4, s3;
	s16 =	sadd.s32 s9, s3  }
0x20: {  	s10 =	sshrl.u32 s8, $0x2;
	s4 =	sadd.s32 s13, s3;
	s21 =	sadd.s32 s5, s3  }
0x21: {  	s22 =	sadd.s32 s23, s3;
	s25 =	sadd.s32 $0x50, s0;
	s23 =	sadd.s32 s24, s3  }
0x22: {  	s24 =	sadd.s32 $0xA00, s1;
	s1 =	simm.s32 $0x13900;
	s5 =	simm.s32 $0x3  }
0x23: {  	s8 =	simm.s32 $0x2;
	s9 =	simm.s32 $0x4;
	s17 =	sadd.s32 s10, s3  }
0x24: {  	[dreg:$0xf] =	wrdreg s4;
	s4 =	sadd.s32 s18, s3;
	s26 =	sshrl.u32 s25, $0x3  }
0x25: {  	s25 =	sadd.s32 $0xA0, s0;
	s0 =	simm.s32 $0x16180;
	s10 =	simm.s32 $0x0  }
0x26: {  	v0 =	vimm.f32 $0.0e+00;
	[dreg:$0x10] =	wrdreg s4;
	s26 =	sadd.s32 s26, s2;
	s4 =	simm.s32 $0x1  }
.LBB2_1:
0x27: {  	s11 =	simm.s32 $0x0;
	s13 =	simm.s32 $0x200  }
.LBB2_2:
0x28: {  	p1 =	sne.s32 s13, $0x9E00;
	[tilespmem:s11+$0x189F0] =	vst v0  }
0x29: {  	[tilespmem:s11+$0x18980] =	vst v0  }
0x2a: {  	[tilespmem:s11+$0x18990] =	vst v0  }
.Ltmp0:
0x2b: {  	[tilespmem:s11+$0x189A0] =	vst v0;
	(pc) =	sbr.rel @p1 .LBB2_2-.Ltmp0, $4  }
0x2c: {  	[tilespmem:s11+$0x189B0] =	vst v0  }
0x2d: {  	[tilespmem:s11+$0x189C0] =	vst v0  }
0x2e: {  	[tilespmem:s11+$0x189D0] =	vst v0  }
0x2f: {  	[tilespmem:s11+$0x189E0] =	vst v0;
	s11 =	sshra.s32 s13, $0x2;
	s13 =	sadd.s32 $0x200, s13  }
0x30: {  	[tilespmem:s11+$0x189F0] =	vst v0  }
0x31: {  	[tilespmem:s11+$0x18980] =	vst v0  }
0x32: {  	[tilespmem:s11+$0x18990] =	vst v0  }
0x33: {  	[tilespmem:s11+$0x189A0] =	vst v0  }
0x34: {  	[tilespmem:s11+$0x189B0] =	vst v0  }
0x35: {  	[tilespmem:s11+$0x189C0] =	vst v0  }
0x36: {  	[tilespmem:s11+$0x189D0] =	vst v0  }
0x37: {  	[tilespmem:s11+$0x189E0] =	vst v0  }
0x38: {  	[spmem:s15] =	stream.linear.scatter [tilespmem:s28], [sflag:$0x5], $0x2800, $0x38;
	[tilespmem:$0x1B180] =	vst v63  }
0x39: {  	_ =	swait.ge [sflag:s29], $0x2800  }
0x3a: {  	[sflag:s29] =	ssyncset.done $0x0  }
0x3b: {  	[sflag:s29] =	ssyncadd.s32 $0xFFFFD800  }
0x3c: {  	[spmem:s16] =	stream.linear.scatter [tilespmem:s28], [sflag:$0x5], $0x2800, $0x38;
	[tilespmem:$0x1B180] =	vst v63  }
0x3d: {  	_ =	swait.ge [sflag:s29], $0x2800  }
0x3e: {  	[sflag:s29] =	ssyncset.done $0x0  }
0x3f: {  	[sflag:s29] =	ssyncadd.s32 $0xFFFFD800  }
0x40: {  	[spmem:s17] =	stream.linear.scatter [tilespmem:s28], [sflag:$0x5], $0x2800, $0x38;
	[tilespmem:$0x1B180] =	vst v63  }
0x41: {  	_ =	swait.ge [sflag:s29], $0x2800  }
0x42: {  	[sflag:s29] =	ssyncset.done $0x0  }
0x43: {  	s18 =	smov.u32 s15;
	s15 =	rddreg [dreg:$0xf];
	[sflag:s29] =	ssyncadd.s32 $0xFFFFD800  }
0x44: {  	[spmem:s15] =	stream.linear.scatter [tilespmem:s28], [sflag:$0x5], $0x2800, $0x38;
	[tilespmem:$0x1B180] =	vst v63  }
0x45: {  	_ =	swait.ge [sflag:s29], $0x2800  }
0x46: {  	[sflag:s29] =	ssyncset.done $0x0  }
0x47: {  	s19 =	smov.u32 s16;
	s16 =	rddreg [dreg:$0x10];
	[sflag:s29] =	ssyncadd.s32 $0xFFFFD800  }
0x48: {  	[spmem:s16] =	stream.linear.scatter [tilespmem:s28], [sflag:$0x5], $0x2800, $0x38;
	[tilespmem:$0x1B180] =	vst v63  }
0x49: {  	_ =	swait.ge [sflag:s29], $0x2800  }
0x4a: {  	[sflag:s29] =	ssyncset.done $0x0  }
0x4b: {  	[sflag:s29] =	ssyncadd.s32 $0xFFFFD800  }
0x4c: {  	[spmem:s21] =	stream.linear.scatter [tilespmem:s28], [sflag:$0x5], $0x2800, $0x38;
	[tilespmem:$0x1B180] =	vst v63  }
0x4d: {  	_ =	swait.ge [sflag:s29], $0x2800  }
0x4e: {  	[sflag:s29] =	ssyncset.done $0x0  }
0x4f: {  	[sflag:s29] =	ssyncadd.s32 $0xFFFFD800  }
0x50: {  	[spmem:s22] =	stream.linear.scatter [tilespmem:s28], [sflag:$0x5], $0x2800, $0x38;
	[tilespmem:$0x1B180] =	vst v63  }
0x51: {  	_ =	swait.ge [sflag:s29], $0x2800  }
0x52: {  	[sflag:s29] =	ssyncset.done $0x0  }
0x53: {  	s11 =	simm.s32 @!p0 $0x18980;
	[sflag:s29] =	ssyncadd.s32 $0xFFFFD800  }
0x54: {  	[spmem:s23] =	stream.linear.scatter @!p0 [tilespmem:s11], [sflag:$0x5], $0x2800, $0x38;
	[tilespmem:$0x1B180] =	vst v63  }
0x55: {  	s11 =	simm.s32 @!p0 $0x5  }
0x56: {  	_ =	swait.ge @!p0 [sflag:s11], $0x2800  }
0x57: {  	[sflag:s11] =	ssyncset.done @!p0 $0x0  }
0x58: {  	[sflag:s11] =	ssyncadd.s32 @!p0 $0xFFFFD800  }
0x59: {  	[bflag:$0x0] =	sbarrier.arrive $0xFFFF  }
0x5a: {  	s20 =	smov.u32 s17;
	s17 =	simm.s32 $0x0;
	s13 =	rddreg [dreg:$0xd]  }
0x5b: {  	[tilespmem:s30], [sflag:$0x1] =	stream.linear.gather [hbm4b:s13+s17], $0x50, $0x38;
	[tilespmem:$0x1B180] =	vst v63  }
0x5c: {  	s14 =	rddreg [dreg:$0x4]  }
0x5d: {  	[tilespmem:s31], [sflag:$0x3] =	stream.linear.gather [hbm4b:s14+s17], $0x2800, $0x38;
	[tilespmem:$0x1B180] =	vst v63  }
0x5e: {  	s15 =	sadd.s32 $0x0, s26  }
0x5f: {  	[tilespmem:s1], [sflag:$0x2] =	stream.linear.gather [hbm4b:s15+s12], $0x50, $0x38;
	[tilespmem:$0x1B180] =	vst v63  }
0x60: {  	s16 =	sadd.s32 $0xFFFFFB00, s24  }
0x61: {  	[tilespmem:s0], [sflag:$0x4] =	stream.linear.gather [hbm4b:s16+s12], $0x2800, $0x38;
	[tilespmem:$0x1B180] =	vst v63  }
0x62: {  	_ =	swait.ge [sflag:s4], $0x50  }
0x63: {  	[sflag:s4] =	ssyncset.done $0x0  }
0x64: {  	[sflag:s4] =	ssyncadd.s32 $0xFFFFFFB0  }
0x65: {  	_ =	swait.ge [sflag:s5], $0x2800  }
0x66: {  	[sflag:s5] =	ssyncset.done $0x0  }
0x67: {  	[sflag:s5] =	ssyncadd.s32 $0xFFFFD800  }
0x68: {  	[spmem:s3] =	stream.indirect.scatter.add.f32 [tilespmem:s31], [sflag:$0x6], $0x80, s30, s6, $0xb8;
	[tilespmem:$0x1B180] =	vst v63  }
0x69: {  	_ =	swait.ge [sflag:s7], $0x2800  }
0x6a: {  	s17 =	sshrl.u32 s25, $0x3;
	[sflag:s7] =	ssyncset.done $0x0  }
0x6b: {  	s11 =	sadd.s32 s2, s17;
	[sflag:s7] =	ssyncadd.s32 $0xFFFFD800  }
0x6c: {  	[tilespmem:s30], [sflag:$0x1] =	stream.linear.gather [hbm4b:s11+s12], $0x50, $0x38;
	[tilespmem:$0x1B180] =	vst v63  }
0x6d: {  	_ = 	snop  }
0x6e: {  	[tilespmem:s31], [sflag:$0x3] =	stream.linear.gather [hbm4b:s24+s12], $0x2800, $0x38;
	[tilespmem:$0x1B180] =	vst v63  }
0x6f: {  	_ =	swait.ge [sflag:s8], $0x50  }
0x70: {  	[sflag:s8] =	ssyncset.done $0x0  }
0x71: {  	[sflag:s8] =	ssyncadd.s32 $0xFFFFFFB0  }
0x72: {  	_ =	swait.ge [sflag:s9], $0x2800  }
0x73: {  	[sflag:s9] =	ssyncset.done $0x0  }
0x74: {  	[sflag:s9] =	ssyncadd.s32 $0xFFFFD800  }
0x75: {  	[spmem:s3] =	stream.indirect.scatter.add.f32 [tilespmem:s0], [sflag:$0x5], $0x80, s1, s6, $0xb8;
	[tilespmem:$0x1B180] =	vst v63  }
0x76: {  	s13 =	sadd.s32 $0xA0, s25;
	s14 =	simm.s32 $0x14;
	_ =	swait.ge [sflag:s29], $0x2800  }
0x77: {  	s15 =	simm.s32 $0x28;
	s11 =	sadd.s32 $0xA00, s24;
	[sflag:s29] =	ssyncset.done $0x0  }
.LBB2_4:
0x78: {  	s16 =	sadd.s32 s14, s26  }
0x79: {  	[sflag:s29] =	ssyncadd.s32 $0xFFFFD800;
	s14 =	smov.u32 s15;
	s17 =	sadd.s32 $0x14, s15  }
0x7a: {  	[tilespmem:s1], [sflag:$0x2] =	stream.linear.gather [hbm4b:s16+s12], $0x50, $0x38;
	[tilespmem:$0x1B180] =	vst v63  }
0x7b: {  	p1 =	sne.s32 s15, $0x258;
	s15 =	sadd.s32 $0xFFFFFB00, s11  }
0x7c: {  	[tilespmem:s0], [sflag:$0x4] =	stream.linear.gather [hbm4b:s15+s12], $0x2800, $0x38;
	[tilespmem:$0x1B180] =	vst v63  }
0x7d: {  	_ =	swait.ge [sflag:s4], $0x50  }
0x7e: {  	[sflag:s4] =	ssyncset.done $0x0  }
0x7f: {  	[sflag:s4] =	ssyncadd.s32 $0xFFFFFFB0  }
0x80: {  	_ =	swait.ge [sflag:s5], $0x2800  }
0x81: {  	[sflag:s5] =	ssyncset.done $0x0  }
0x82: {  	[sflag:s5] =	ssyncadd.s32 $0xFFFFD800  }
0x83: {  	[spmem:s3] =	stream.indirect.scatter.add.f32 [tilespmem:s31], [sflag:$0x6], $0x80, s30, s6, $0xb8;
	[tilespmem:$0x1B180] =	vst v63  }
0x84: {  	_ =	swait.ge [sflag:s7], $0x2800  }
0x85: {  	s15 =	sshrl.u32 s13, $0x3;
	[sflag:s7] =	ssyncset.done $0x0  }
0x86: {  	s15 =	sadd.s32 s2, s15;
	[sflag:s7] =	ssyncadd.s32 $0xFFFFD800  }
0x87: {  	[tilespmem:s30], [sflag:$0x1] =	stream.linear.gather [hbm4b:s15+s12], $0x50, $0x38;
	[tilespmem:$0x1B180] =	vst v63  }
0x88: {  	_ = 	snop  }
0x89: {  	[tilespmem:s31], [sflag:$0x3] =	stream.linear.gather [hbm4b:s11+s12], $0x2800, $0x38;
	[tilespmem:$0x1B180] =	vst v63  }
0x8a: {  	_ =	swait.ge [sflag:s8], $0x50  }
0x8b: {  	[sflag:s8] =	ssyncset.done $0x0  }
0x8c: {  	[sflag:s8] =	ssyncadd.s32 $0xFFFFFFB0  }
0x8d: {  	_ =	swait.ge [sflag:s9], $0x2800  }
.Ltmp1:
0x8e: {  	[sflag:s9] =	ssyncset.done $0x0;
	(pc) =	sbr.rel @p1 .LBB2_4-.Ltmp1, $4  }
0x8f: {  	[sflag:s9] =	ssyncadd.s32 $0xFFFFD800  }
0x90: {  	[spmem:s3] =	stream.indirect.scatter.add.f32 [tilespmem:s0], [sflag:$0x5], $0x80, s1, s6, $0xb8;
	[tilespmem:$0x1B180] =	vst v63  }
0x91: {  	s13 =	sadd.s32 $0xA0, s13;
	_ =	swait.ge [sflag:s29], $0x2800  }
0x92: {  	s15 =	smov.u32 s17;
	s11 =	sadd.s32 $0xA00, s11;
	[sflag:s29] =	ssyncset.done $0x0  }
0x93: {  	s14 =	sadd.s32 s14, s26;
	[sflag:s29] =	ssyncadd.s32 $0xFFFFD800  }
0x94: {  	[tilespmem:s1], [sflag:$0x2] =	stream.linear.gather [hbm4b:s14+s12], $0x50, $0x38;
	[tilespmem:$0x1B180] =	vst v63  }
0x95: {  	s17 =	sadd.s32 $0xFFFFFB00, s11  }
0x96: {  	[tilespmem:s0], [sflag:$0x4] =	stream.linear.gather [hbm4b:s17+s12], $0x2800, $0x38;
	[tilespmem:$0x1B180] =	vst v63  }
0x97: {  	_ =	swait.ge [sflag:s4], $0x50  }
0x98: {  	[sflag:s4] =	ssyncset.done $0x0  }
0x99: {  	[sflag:s4] =	ssyncadd.s32 $0xFFFFFFB0  }
0x9a: {  	_ =	swait.ge [sflag:s5], $0x2800  }
0x9b: {  	[sflag:s5] =	ssyncset.done $0x0  }
0x9c: {  	[sflag:s5] =	ssyncadd.s32 $0xFFFFD800  }
0x9d: {  	[spmem:s3] =	stream.indirect.scatter.add.f32 [tilespmem:s31], [sflag:$0x6], $0x80, s30, s6, $0xb8;
	[tilespmem:$0x1B180] =	vst v63  }
0x9e: {  	_ =	swait.ge [sflag:s7], $0x2800  }
0x9f: {  	s13 =	sshrl.u32 s13, $0x3;
	[sflag:s7] =	ssyncset.done $0x0  }
0xa0: {  	s13 =	sadd.s32 s2, s13;
	[sflag:s7] =	ssyncadd.s32 $0xFFFFD800  }
0xa1: {  	[tilespmem:s30], [sflag:$0x1] =	stream.linear.gather [hbm4b:s13+s12], $0x50, $0x38;
	[tilespmem:$0x1B180] =	vst v63  }
0xa2: {  	_ = 	snop  }
0xa3: {  	[tilespmem:s31], [sflag:$0x3] =	stream.linear.gather [hbm4b:s11+s12], $0x2800, $0x38;
	[tilespmem:$0x1B180] =	vst v63  }
0xa4: {  	_ =	swait.ge [sflag:s8], $0x50  }
0xa5: {  	[sflag:s8] =	ssyncset.done $0x0  }
0xa6: {  	[sflag:s8] =	ssyncadd.s32 $0xFFFFFFB0  }
0xa7: {  	_ =	swait.ge [sflag:s9], $0x2800  }
0xa8: {  	[sflag:s9] =	ssyncset.done $0x0  }
0xa9: {  	[sflag:s9] =	ssyncadd.s32 $0xFFFFD800  }
0xaa: {  	[spmem:s3] =	stream.indirect.scatter.add.f32 [tilespmem:s0], [sflag:$0x5], $0x80, s1, s6, $0xb8;
	[tilespmem:$0x1B180] =	vst v63  }
0xab: {  	_ =	swait.ge [sflag:s29], $0x2800  }
0xac: {  	[sflag:s29] =	ssyncset.done $0x0  }
0xad: {  	[sflag:s29] =	ssyncadd.s32 $0xFFFFD800  }
0xae: {  	_ =	swait.ge [sflag:s4], $0x50  }
0xaf: {  	[sflag:s4] =	ssyncset.done $0x0  }
0xb0: {  	[sflag:s4] =	ssyncadd.s32 $0xFFFFFFB0  }
0xb1: {  	_ =	swait.ge [sflag:s5], $0x2800  }
0xb2: {  	[sflag:s5] =	ssyncset.done $0x0  }
0xb3: {  	[sflag:s5] =	ssyncadd.s32 $0xFFFFD800  }
0xb4: {  	[spmem:s3] =	stream.indirect.scatter.add.f32 [tilespmem:s31], [sflag:$0x6], $0x80, s30, s6, $0xb8;
	[tilespmem:$0x1B180] =	vst v63  }
0xb5: {  	_ =	swait.ge [sflag:s7], $0x2800  }
0xb6: {  	[sflag:s7] =	ssyncset.done $0x0  }
0xb7: {  	s15 =	stileid.u32;
	[sflag:s7] =	ssyncadd.s32 $0xFFFFD800  }
0xb8: {  	s11 =	sshll.u32 s15, $0x6;
	[bflag:$0x0] =	sbarrier.arrive $0xFFFF  }
0xb9: {  	s16 =	sshrl.u32 s18, $0x3;
	s11 =	sor.u32 $0x1C05, s11;
	s17 =	rddreg [dreg:$0x5]  }
0xba: {  	[hbm:s17], [sflag:s11] =	dma.local [spmem:s16], $0x500  }
0xbb: {  	_ =	swait.ge [sflag:s29], $0x500  }
0xbc: {  	s15 =	smov.u32 s18;
	s18 =	sshrl.u32 s19, $0x3;
	[sflag:s29] =	ssyncset.done $0x0  }
0xbd: {  	s16 =	smov.u32 s19;
	s19 =	rddreg [dreg:$0x6];
	[sflag:s29] =	ssyncadd.s32 $0xFFFFFB00  }
0xbe: {  	[hbm:s19], [sflag:s11] =	dma.local [spmem:s18], $0x500  }
0xbf: {  	_ =	swait.ge [sflag:s29], $0x500  }
0xc0: {  	[sflag:s29] =	ssyncset.done $0x0  }
0xc1: {  	s14 =	sshrl.u32 s20, $0x3;
	s18 =	rddreg [dreg:$0x7];
	[sflag:s29] =	ssyncadd.s32 $0xFFFFFB00  }
0xc2: {  	[hbm:s18], [sflag:s11] =	dma.local [spmem:s14], $0x500  }
0xc3: {  	_ =	swait.ge [sflag:s29], $0x500  }
0xc4: {  	s17 =	smov.u32 s20;
	[sflag:s29] =	ssyncset.done $0x0;
	s19 =	rddreg [dreg:$0xf]  }
0xc5: {  	s20 =	rddreg [dreg:$0x8];
	[sflag:s29] =	ssyncadd.s32 $0xFFFFFB00;
	s13 =	sshrl.u32 s19, $0x3  }
0xc6: {  	[hbm:s20], [sflag:s11] =	dma.local [spmem:s13], $0x500  }
0xc7: {  	_ =	swait.ge [sflag:s29], $0x500  }
0xc8: {  	[sflag:s29] =	ssyncset.done $0x0;
	s14 =	rddreg [dreg:$0x10]  }
0xc9: {  	s18 =	rddreg [dreg:$0x9];
	[sflag:s29] =	ssyncadd.s32 $0xFFFFFB00;
	s13 =	sshrl.u32 s14, $0x3  }
0xca: {  	[hbm:s18], [sflag:s11] =	dma.local [spmem:s13], $0x500  }
0xcb: {  	_ =	swait.ge [sflag:s29], $0x500  }
0xcc: {  	[sflag:s29] =	ssyncset.done $0x0  }
0xcd: {  	s19 =	sshrl.u32 s21, $0x3;
	s20 =	rddreg [dreg:$0xa];
	[sflag:s29] =	ssyncadd.s32 $0xFFFFFB00  }
0xce: {  	[hbm:s20], [sflag:s11] =	dma.local [spmem:s19], $0x500  }
0xcf: {  	_ =	swait.ge [sflag:s29], $0x500  }
0xd0: {  	[sflag:s29] =	ssyncset.done $0x0  }
0xd1: {  	s18 =	sshrl.u32 s22, $0x3;
	s19 =	rddreg [dreg:$0xb];
	[sflag:s29] =	ssyncadd.s32 $0xFFFFFB00  }
0xd2: {  	[hbm:s19], [sflag:s11] =	dma.local [spmem:s18], $0x500  }
0xd3: {  	_ =	swait.ge [sflag:s29], $0x500  }
0xd4: {  	[sflag:s29] =	ssyncset.done $0x0  }
0xd5: {  	s13 =	sshrl.u32 @!p0 s23, $0x3;
	s14 =	rddreg [dreg:$0xc];
	[sflag:s29] =	ssyncadd.s32 $0xFFFFFB00  }
0xd6: {  	[hbm:s14], [sflag:s11] =	dma.local @!p0 [spmem:s13], $0x500  }
0xd7: {  	s11 =	simm.s32 @!p0 $0x5  }
0xd8: {  	_ =	swait.ge @!p0 [sflag:s11], $0x500  }
0xd9: {  	s10 =	sadd.s32 $0x1, s10;
	s20 =	rddreg [dreg:$0xe]  }
0xda: {  	p1 =	sne.s32 s10, s20  }
.Ltmp2:
0xdb: {  	_ = 	snop;
	(pc) =	sbr.rel @p1 .LBB2_1-.Ltmp2, $3  }
0xdc: {  	_ =	sdelay $0x1  }
0xdd: {  	[sflag:s11] =	ssyncset.done @!p0 $0x0  }
0xde: {  	[sflag:s11] =	ssyncadd.s32 @!p0 $0xFFFFFB00  }
0xdf: {  	_ =	sfence.sel $0x180000  }
0xe0: {  	[bflag:$0x0] =	sbarrier.arrive $0xFFFF  }
0xe1: {  	_ =	strace $0x9000004D  }
0xe2: {  	s0 =	stileid.u32;
	[bflag:$0x2] =	sbarrier.arrive $0xFFFF  }
0xe3: {  	p0 =	sne.s32 s0, $0x0;
	s0 =	rddreg [dreg:$0x3]  }
0xe4: {  	s0 =	sadd.s32 @!p0 $0x100000, s0  }
0xe5: {  	[sflag:s0] =	ssyncadd.tile.s32 @!p0 $0x1;
	_ =	shalt  }
.Lfunc_end2:
_tile_overlayer_lowered:
.L_overlay_start_2:
0xe6: {  	(tag) =	ssettag $0x2  }
0xe7: {  	s0 =	rddreg [dreg:$0x0];
	s2 =	stileid.u32  }
0xe8: {  	s1 =	rddreg [dreg:$0x1];
	p0 =	sne.s32 s2, $0x0  }
0xe9: {  	s3 =	rddreg [dreg:$0x2];
	[bflag:$0x3] =	sbarrier.arrive $0xFFFF;
	s2 =	simm.s32 @!p0 $0x1C05  }
0xea: {  	[timem:s3], [sflag:s2] =	dma.local @!p0 [hbm:s0], s1  }
0xeb: {  	s0 =	simm.s32 @!p0 $0x5  }
0xec: {  	_ =	swait.ge @!p0 [sflag:s0], s1  }
0xed: {  	s1 =	ssub.s32 @!p0 $0x0, s1;
	[sflag:s0] =	ssyncset.done @!p0 $0x0  }
0xee: {  	[sflag:s0] =	ssyncadd.s32 @!p0 s1  }
0xef: {  	[bflag:$0x3] =	sbarrier.arrive $0xFFFF  }
0xf0: {  	_ =	shalt  }

// kernel: kernel.15.cloned.1.call-start
scs
__scs_entry_jumppad:
0x0: {  	(pc) =	sbr.rel $0x88, $3  }
0x1: {  	(tag) =	ssettag $0x0;
	lr =	simm.s32 $0x1  }
0x2: {  	[smem:$0x3F95] =	sst lr;
	_ =	strace $0xD0000000  }
0x3: {  	_ = 	snop  }
0x4: {  	_ = 	snop  }
0x5: {  	_ = 	snop  }
0x6: {  	_ = 	snop  }
0x7: {  	_ = 	snop  }
__scs_overlays_trampoline_lowered:
0x8: {  	[smem:$0x3FA4] =	sst s0  }
0x9: {  	[smem:$0x3FA5] =	sst s1  }
0xa: {  	[smem:$0x3FA6] =	sst s2  }
0xb: {  	[smem:$0x3FA7] =	sst s3  }
0xc: {  	[smem:$0x3FA8] =	sst s4  }
0xd: {  	[smem:$0x3FA9] =	sst s5  }
0xe: {  	[smem:$0x3FAA] =	sst s6  }
0xf: {  	[smem:$0x3FAB] =	sst s7  }
0x10: {  	[smem:$0x3FAC] =	sst s8  }
0x11: {  	[smem:$0x3FAD] =	sst s9;
	s0 =	simm.s32 @!p0 $0x0  }
0x12: {  	s1 =	sld [smem:$0x3F93];
	s0 =	simm.s32 @p0 $0x1  }
0x13: {  	[smem:$0x3FAE] =	sst s0;
	s0 =	simm.s32 @!p1 $0x0  }
0x14: {  	s2 =	sld [smem:$0x3F92];
	s0 =	simm.s32 @p1 $0x1  }
0x15: {  	[smem:$0x3FAF] =	sst s0;
	s0 =	simm.s32 @!p2 $0x0  }
0x16: {  	s3 =	sld [smem:$0x3FDB];
	s0 =	simm.s32 @p2 $0x1  }
0x17: {  	s4 =	simm.s32 $0x1BF5;
	[smem:$0x3FB1] =	sst s0  }
0x18: {  	s0 =	sld [smem:$0x3F94];
	_ =	swait.ge [sflag:s4], $0x0  }
0x19: {  	s7 =	sld [smem:$0x3F95]  }
0x1a: {  	s8 =	sadd.s32 $0xFFFFE003, lr  }
0x1b: {  	s9 =	sadd.s32 $0xFFFFFEF7, lr;
	s5 =	simm.s32 $0xFFFFFFFF;
	p2 =	slt.u32 s8, $0xFFFFF086  }
0x1c: {  	p1 =	slt.u32 s9, $0xF7A;
	s5 =	simm.s32 @!p2 $0x0  }
0x1d: {  	s5 =	simm.s32 @p1 $0x1;
	p0 =	seq.s32 s7, s2  }
0x1e: {  	s7 =	smul.u32 @!p0 $0xF7A, s2;
	p2 =	seq.s32 @!p0 s5, $0x0  }
0x1f: {  	s9 =	smul.u32 $0xF7A, s1;
	s8 =	simm.s32 @!p0 $0x1BF5;
	p2 =	por !p2, p0  }
0x20: {  	[sflag:s8] =	ssyncset.s32 @!p0 $0xFFFFF086;
	s6 =	sadd.s32 @!p0 s3, s7;
	s7 =	simm.s32 @!p0 $0x108  }
0x21: {  	s3 =	sadd.s32 s3, s9;
	s6 =	sadd.s32 @!p0 $0x88, s6;
	s7 =	simm.s32 @p2 $0x1082  }
0x22: {  	[simem:s7], [sflag:s8] =	dma.local @!p0 [hbm:s6], $0xF7A  }
0x23: {  	s9 =	sor.u32 $0xD0000000, s2;
	s6 =	simm.s32 $0x108;
	_ =	swait.ge @!p0 [sflag:s8], $0x0  }
0x24: {  	s3 =	sadd.s32 $0x88, s3;
	s6 =	simm.s32 @!p1 $0x1082;
	[sflag:s4] =	ssyncset.s32 $0xFFFFF086  }
0x25: {  	[simem:s6], [sflag:s4] =	dma.local [hbm:s3], $0xF7A  }
0x26: {  	[smem:$0x3F95] =	sst s1;
	(tag) =	ssettag s2;
	_ =	strace s9  }
0x27: {  	s1 =	sld [smem:$0x3FA5]  }
0x28: {  	s2 =	sld [smem:$0x3FA6]  }
0x29: {  	s4 =	sld [smem:$0x3FA8]  }
0x2a: {  	p0 =	seq.s32 s5, $0x0;
	s5 =	sld [smem:$0x3FA9]  }
0x2b: {  	s6 =	sld [smem:$0x3FAA]  }
0x2c: {  	s7 =	sld [smem:$0x3FAB]  }
0x2d: {  	s3 =	simm.s32 $0x108;
	s8 =	sld [smem:$0x3FAC]  }
0x2e: {  	s3 =	simm.s32 @!p0 $0x1082;
	s9 =	sld [smem:$0x3FAD]  }
0x2f: {  	lr =	sadd.s32 s0, s3;
	s0 =	sld [smem:$0x3FA4]  }
0x30: {  	s3 =	sld [smem:$0x3FA7]  }
0x31: {  	[smem:$0x3FB0] =	sst s10  }
0x32: {  	s10 =	sld [smem:$0x3FAE];
	_ =	sdelay $0x3  }
0x33: {  	p0 =	seq.s32 s10, $0x1;
	s10 =	sld [smem:$0x3FB0];
	_ =	sdelay $0x3  }
0x34: {  	[smem:$0x3FB0] =	sst s10  }
0x35: {  	s10 =	sld [smem:$0x3FAF];
	_ =	sdelay $0x3  }
0x36: {  	p1 =	seq.s32 s10, $0x1;
	s10 =	sld [smem:$0x3FB0];
	_ =	sdelay $0x3  }
0x37: {  	[smem:$0x3FB0] =	sst s10  }
0x38: {  	s10 =	sld [smem:$0x3FB1]  }
0x39: {  	_ = 	snop;
	(pc) =	sbr.ind lr, $3  }
0x3a: {  	_ = 	snop  }
0x3b: {  	_ = 	snop  }
0x3c: {  	p2 =	seq.s32 s10, $0x1;
	s10 =	sld [smem:$0x3FB0]  }
0x3d: {  	_ =	shalt  }
0x3e: {  	_ =	shalt  }
0x3f: {  	_ =	shalt  }
0x40: {  	_ =	shalt  }
0x41: {  	_ =	shalt  }
0x42: {  	_ =	shalt  }
0x43: {  	_ =	shalt  }
0x44: {  	_ =	shalt  }
0x45: {  	_ =	shalt  }
0x46: {  	_ =	shalt  }
0x47: {  	_ =	shalt  }
0x48: {  	_ =	shalt  }
0x49: {  	_ =	shalt  }
0x4a: {  	_ =	shalt  }
0x4b: {  	_ =	shalt  }
0x4c: {  	_ =	shalt  }
0x4d: {  	_ =	shalt  }
0x4e: {  	_ =	shalt  }
0x4f: {  	_ =	shalt  }
0x50: {  	_ =	shalt  }
0x51: {  	_ =	shalt  }
0x52: {  	_ =	shalt  }
0x53: {  	_ =	shalt  }
0x54: {  	_ =	shalt  }
0x55: {  	_ =	shalt  }
0x56: {  	_ =	shalt  }
0x57: {  	_ =	shalt  }
0x58: {  	_ =	shalt  }
0x59: {  	_ =	shalt  }
0x5a: {  	_ =	shalt  }
0x5b: {  	_ =	shalt  }
0x5c: {  	_ =	shalt  }
0x5d: {  	_ =	shalt  }
0x5e: {  	_ =	shalt  }
0x5f: {  	_ =	shalt  }
0x60: {  	_ =	shalt  }
0x61: {  	_ =	shalt  }
0x62: {  	_ =	shalt  }
0x63: {  	_ =	shalt  }
0x64: {  	_ =	shalt  }
0x65: {  	_ =	shalt  }
0x66: {  	_ =	shalt  }
0x67: {  	_ =	shalt  }
0x68: {  	_ =	shalt  }
0x69: {  	_ =	shalt  }
0x6a: {  	_ =	shalt  }
0x6b: {  	_ =	shalt  }
0x6c: {  	_ =	shalt  }
0x6d: {  	_ =	shalt  }
0x6e: {  	_ =	shalt  }
0x6f: {  	_ =	shalt  }
0x70: {  	_ =	shalt  }
0x71: {  	_ =	shalt  }
0x72: {  	_ =	shalt  }
0x73: {  	_ =	shalt  }
0x74: {  	_ =	shalt  }
0x75: {  	_ =	shalt  }
0x76: {  	_ =	shalt  }
0x77: {  	_ =	shalt  }
0x78: {  	_ =	shalt  }
0x79: {  	_ =	shalt  }
0x7a: {  	_ =	shalt  }
0x7b: {  	_ =	shalt  }
0x7c: {  	_ =	shalt  }
0x7d: {  	_ =	shalt  }
0x7e: {  	_ =	shalt  }
0x7f: {  	_ =	shalt  }
0x80: {  	_ =	shalt  }
0x81: {  	_ =	shalt  }
0x82: {  	_ =	shalt  }
0x83: {  	_ =	shalt  }
0x84: {  	_ =	shalt  }
0x85: {  	_ =	shalt  }
0x86: {  	_ =	shalt  }
0x87: {  	_ =	shalt  }
.Lfunc_end0:
.L_simem_size_0:
called_computation.2_lowered:
.L_overlay_start_0:
0x88: {  	s2 =	sld [smem:$0x3FD9]  }
0x89: {  	s3 =	sld [smem:$0x3FFE];
	_ =	sdelay $0x1  }
0x8a: {  	s1 =	srdreg.scid  }
0x8b: {  	s0 =	sand.u32 $0x1, s1  }
0x8c: {  	s17 =	sshll.u32 s0, $0xA;
	s2 =	sadd.s32 s3, s2  }
0x8d: {  	s2 =	sadd.s32 s2, s17  }
0x8e: {  	[smem:$0x3FBC] =	sst s2  }
0x8f: {  	_ = 	snop  }
0x90: {  	s18 =	sld [smem:$0x3FD0];
	(tm) =	ssettm $0x1  }
0x91: {  	s19 =	sld [smem:$0x3FFB];
	_ =	sdelay $0x3  }
0x92: {  	_ =	strace s19  }
0x93: {  	s2 =	sld [smem:$0x3FFC];
	_ =	sdelay $0x3  }
0x94: {  	_ =	strace s2  }
0x95: {  	s2 =	sld [smem:$0x3FFD];
	_ =	sdelay $0x3  }
0x96: {  	_ =	strace s2  }
0x97: {  	_ =	strace $0x8FFFFFFF  }
0x98: {  	s20 =	sld [smem:$0x3FDB];
	_ =	sdelay $0x1  }
0x99: {  	s4 =	simm.s32 $_scs_section_size  }
0x9a: {  	s5 =	simm.s32 $_size__tile_overlayer_lowered;
	s6 =	simm.s32 $_tile_overlayer_lowered  }
0x9b: {  	s7 =	simm.s32 $0x1BFF;
	s21 =	sshll.u32 s6, $0x1;
	s4 =	sadd.s32 s4, s20  }
0x9c: {  	s22 =	simm.s32 $0x0;
	s5 =	sshll.u32 s5, $0x1;
	s6 =	sadd.s32 s21, s4  }
0x9d: {  	[timem:s22], [sflag:s7] =	dma.local [hbm:s6], s5  }
0x9e: {  	_ =	swait.ge [sflag:s7], s5  }
0x9f: {  	s5 =	ssub.s32 $0x0, s5;
	[sflag:s7] =	ssyncset.done $0x0  }
0xa0: {  	[sflag:s7] =	ssyncadd.s32 s5;
	_ =	sdelay $0x1  }
0xa1: {  	s23 =	simm.s32 $0x1B8B  }
0xa2: {  	_ =	swait.ge [sflag:s23], $0x1  }
0xa3: {  	[sflag:s23] =	ssyncset.done $0x0  }
0xa4: {  	[sflag:s23] =	ssyncadd.s32 $0xFFFFFFFF  }
0xa5: {  	s5 =	sld [smem:$0x0]  }
0xa6: {  	s6 =	sand.u32 $0xFFFFFFFE, s1  }
0xa7: {  	p0 =	sne.s32 s1, s6  }
0xa8: {  	s6 =	sshll.u32 @p0 s6, $0xE  }
0xa9: {  	s6 =	sadd.s32 @p0 $0x11B8D, s6;
	s7 =	sshll.u32 @p0 s5, $0x11  }
0xaa: {  	s6 =	sor.u32 @p0 s7, s6  }
0xab: {  	[sflag:s6] =	ssyncadd.remote.s32 @p0 $0x1;
	_ =	sdelay $0x1  }
0xac: {  	s6 =	simm.s32 @p0 $0x1B8D  }
0xad: {  	_ =	swait.eq @p0 [sflag:s6], $0x1  }
0xae: {  	[sflag:s6] =	ssyncadd.s32 @p0 $0xFFFFFFFF  }
0xaf: {  	s7 =	sshll.u32 @!p0 s1, $0xE  }
0xb0: {  	s7 =	sor.u32 @!p0 $0x4000, s7;
	s6 =	simm.s32 @!p0 $0x1B8D  }
0xb1: {  	s5 =	sshll.u32 @!p0 s5, $0x11;
	s7 =	sadd.s32 @!p0 $0x11B8D, s7;
	_ =	swait.eq @!p0 [sflag:s6], $0x1  }
0xb2: {  	s5 =	sor.u32 @!p0 s5, s7;
	[sflag:s6] =	ssyncadd.s32 @!p0 $0xFFFFFFFF  }
0xb3: {  	s25 =	simm.s32 $0x1B8E;
	s24 =	sld [smem:$0x3FFE];
	[sflag:s5] =	ssyncadd.remote.s32 @!p0 $0x1  }
0xb4: {  	s26 =	simm.s32 $execute0_lowered;
	[smem:$0x3FD2] =	sst s25  }
0xb5: {  	s6 =	sshll.u32 s26, $0x1;
	_ =	strace $0x80000049;
	[dreg:$0x1] =	wrdreg $0xFFFFFFFF  }
0xb6: {  	s28 =	simm.s32 $_size_execute0_lowered;
	s4 =	sadd.s32 s4, s6;
	[dreg:$0x0] =	wrdreg $0x0  }
0xb7: {  	s6 =	sshll.u32 s28, $0x1;
	[dreg:$0x2] =	wrdreg s4  }
0xb8: {  	[dreg:$0x3] =	wrdreg s6  }
0xb9: {  	[dreg:$0x4] =	wrdreg $0xC0  }
0xba: {  	_ =	task [dreg:s22], $0x5FFFF  }
0xbb: {  	[dreg:$0x1] =	wrdreg $0xFFFFFFFF  }
0xbc: {  	[dreg:$0x0] =	wrdreg $0x60  }
0xbd: {  	[dreg:$0x2] =	wrdreg s24  }
0xbe: {  	[dreg:$0x3] =	wrdreg s18  }
0xbf: {  	[dreg:$0x4] =	wrdreg $0xA  }
0xc0: {  	_ =	task.clear_ibuf [dreg:s22], $0x5FFFF;
	_ =	strace $0x90000049  }
0xc1: {  	s29 =	simm.s32 $0xA;
	_ =	strace $0x8000004B  }
0xc2: {  	_ =	swait.ge [sflag:s29], $0x1  }
0xc3: {  	[sflag:s29] =	ssyncadd.s32 $0xFFFFFFFF  }
0xc4: {  	_ =	strace $0x9000004B  }
0xc5: {  	_ =	sfence  }
0xc6: {  	s30 =	sld [smem:$0x0];
	_ =	sdelay $0x2  }
0xc7: {  	s31 =	sshll.u32 s1, $0xD;
	s1 =	sshrl.u32 s1, $0x2  }
0xc8: {  	s4 =	sand.u32 $0x4000, s31;
	s1 =	sadd.s32 s1, s30  }
0xc9: {  	s0 =	sor.u32 s4, s0;
	s1 =	sshll.u32 s1, $0x11  }
0xca: {  	s0 =	sor.u32 s1, s0  }
0xcb: {  	s0 =	sadd.s32 $0x8F2B, s0  }
0xcc: {  	[sflag:s0] =	ssyncadd.remote.s32 $0x1  }
0xcd: {  	_ =	sfence.sel $0xFFFF  }
0xce: {  	[dreg:$0x0] =	wrdreg $0xFFFFFFFF;
	(pc) =	sbr.abs _section_cstart, $3  }
0xcf: {  	[dreg:$0x1] =	wrdreg $0xFFFFFFFF  }
0xd0: {  	_ =	task.clear_ibuf [dreg:s22], $0x2FFFF;
	_ =	strace $0x9FFFFFFF  }
0xd1: {  	(tm) =	ssettm $0x7FFFFFFF  }
tec
execute0_lowered:
.L_overlay_start_1:
0x0: {  	(tag) =	ssettag $0x1  }
0x1: {  	s1 =	srdreg.scid;
	s4 =	rddreg [dreg:$0x0]  }
0x2: {  	s0 =	stileid.u32;
	s5 =	rddreg [dreg:$0x1];
	s2 =	simm.s32 $0x0  }
0x3: {  	s9 =	simm.s32 $0x7580;
	s10 =	simm.s32 $0x8900;
	s11 =	simm.s32 $0x9C80  }
0x4: {  	s12 =	simm.s32 $0x2;
	s3 =	sand.u32 $0x1, s1;
	s31 =	sshll.u32 s0, $0x1  }
0x5: {  	s13 =	simm.s32 $0x0;
	s1 =	rddreg [dreg:$0x2];
	s6 =	sor.u32 s3, s31  }
0x6: {  	[smem:$0x7FF] =	sst s2;
	s7 =	ssub.s32 $0x2, s3;
	s6 =	smul.u32 $0x1360, s6  }
0x7: {  	_ =	strace $0x8000004A;
	s3 =	sadd.s32 $0x4000, s4;
	s8 =	sshrl.u32 s7, $0x1  }
0x8: {  	s7 =	ssub.s32 s7, s8;
	s8 =	simm.s32 $0x1;
	s6 =	sshrl.u32 s6, $0x3  }
0x9: {  	s7 =	smax.u32 s7, $0x1;
	s5 =	sadd.s32 s5, s6;
	s6 =	sadd.s32 s6, s4  }
0xa: {  	s4 =	sadd.s32 $0x4EC0, s5;
	s5 =	sadd.s32 $0xEB00, s5;
	s6 =	sadd.s32 $0xA000, s6  }
.LBB2_1:
0xb: {  	[tilespmem:s2], [sflag:$0x1] =	stream.linear.gather [hbm4b:s3+s2], $0x7580, $0x38;
	[tilespmem:$0xB000] =	vst v63  }
0xc: {  	_ =	swait.ge [sflag:s8], $0x7580  }
0xd: {  	[sflag:s8] =	ssyncset.done $0x0  }
0xe: {  	[sflag:s8] =	ssyncadd.s32 $0xFFFF8A80  }
0xf: {  	[tilespmem:s9], [sflag:$0x1] =	stream.linear.gather [hbm4b:s4+s2], $0x1360, $0x38;
	[tilespmem:$0xB000] =	vst v63  }
0x10: {  	_ =	swait.ge [sflag:s8], $0x1360  }
0x11: {  	[sflag:s8] =	ssyncset.done $0x0  }
0x12: {  	[sflag:s8] =	ssyncadd.s32 $0xFFFFECA0  }
0x13: {  	[tilespmem:s10], [sflag:$0x1] =	stream.linear.gather [hbm4b:s5+s2], $0x1360, $0x38;
	[tilespmem:$0xB000] =	vst v63  }
0x14: {  	_ =	swait.ge [sflag:s8], $0x1360  }
0x15: {  	[sflag:s8] =	ssyncset.done $0x0  }
0x16: {  	s14 =	simm.s32 $0x0;
	[sflag:s8] =	ssyncadd.s32 $0xFFFFECA0  }
0x17: {  	v0 =	vld [tilespmem:s14+$0x8900]  }
0x18: {  	v1 =	vld [tilespmem:s14+$0x7580];
	_ =	sdelay $0x3  }
0x19: {  	v0 =	vmul.u32 $0x3, v0  }
0x1a: {  	v1 =	vmul.u32 $0x3, v1;
	_ =	sdelay $0x1  }
0x1b: {  	v2 =	vadd.s32 $0x1, v1  }
0x1c: {  	v3 =	vadd.s32 $0x1, v0  }
0x1d: {  	v4 =	vadd.s32 $0x2, v0  }
0x1e: {  	v5 =	vadd.s32 $0x2, v1;
	v0 =	vld.idx.msk [tilespmem:v0+s2+$0x0], $0xffff  }
0x1f: {  	v1 =	vld.idx.msk [tilespmem:v1+s2+$0x0], $0xffff  }
0x20: {  	v2 =	vld.idx.msk [tilespmem:v2+s2+$0x0], $0xffff  }
0x21: {  	v3 =	vld.idx.msk [tilespmem:v3+s2+$0x0], $0xffff  }
0x22: {  	v4 =	vld.idx.msk [tilespmem:v4+s2+$0x0], $0xffff  }
0x23: {  	v5 =	vld.idx.msk [tilespmem:v5+s2+$0x0], $0xffff;
	_ =	sdelay $0x3  }
0x24: {  	v0 =	vsub.f32 v1, v0  }
0x25: {  	v1 =	vsub.f32 v2, v3;
	v2 =	vsub.f32 v5, v4;
	v4 =	vld [tilespmem:s14+$0x8910];
	_ =	sdelay $0x1  }
0x26: {  	v5 =	vld [tilespmem:s14+$0x7590];
	v0 =	vmul.f32 v0, v0;
	v1 =	vmul.f32 v1, v1;
	_ =	sdelay $0x1  }
0x27: {  	v0 =	vadd.f32 v1, v0;
	v1 =	vmul.f32 v2, v2  }
0x28: {  	v4 =	vmul.u32 $0x3, v4  }
0x29: {  	v0 =	vadd.f32 v1, v0  }
0x2a: {  	s15 =	simm.s32 $0x20;
	v5 =	vmul.u32 $0x3, v5;
	v7 =	vadd.s32 $0x1, v4  }
0x2b: {  	v3 =	vld [tilespmem:s15+$0x8900];
	v6 =	vmul.f32 $1.000000010e+24, v0  }
0x2c: {  	v2 =	vld [tilespmem:s15+$0x7580];
	v8 =	vadd.s32 $0x1, v5  }
0x2d: {  	v1 =	vld [tilespmem:s15+$0x8910];
	v9 =	vmin.f32 v6, $1.000000000e+00  }
0x2e: {  	s16 =	simm.s32 $0x100;
	v0 =	vld [tilespmem:s15+$0x7590];
	v6 =	vadd.s32 $0x2, v5;
	[tilespmem:s14+$0x9C80] =	vst v9;
	v9 =	vadd.s32 $0x2, v4  }
.LBB2_2:
0x2f: {  	p0 =	sne.s32 s16, $0x4D00;
	v7 =	vld.idx.msk [tilespmem:v7+s2+$0x0], $0xffff;
	s17 =	smov.u32 s16;
	s16 =	sadd.s32 $0x80, s16  }
0x30: {  	v4 =	vld.idx.msk [tilespmem:v4+s2+$0x0], $0xffff  }
0x31: {  	v8 =	vld.idx.msk [tilespmem:v8+s2+$0x0], $0xffff  }
0x32: {  	v3 =	vmul.u32 $0x3, v3;
	v5 =	vld.idx.msk [tilespmem:v5+s2+$0x0], $0xffff  }
0x33: {  	v9 =	vld.idx.msk [tilespmem:v9+s2+$0x0], $0xffff  }
0x34: {  	v10 =	vadd.s32 $0x1, v3;
	v6 =	vld.idx.msk [tilespmem:v6+s2+$0x0], $0xffff;
	_ =	sdelay $0x2  }
0x35: {  	v7 =	vsub.f32 v8, v7  }
0x36: {  	v4 =	vsub.f32 v5, v4;
	_ =	sdelay $0x1  }
0x37: {  	v5 =	vsub.f32 v6, v9;
	v4 =	vmul.f32 v4, v4;
	v6 =	vmul.f32 v7, v7;
	_ =	sdelay $0x1  }
0x38: {  	v4 =	vadd.f32 v6, v4;
	v5 =	vmul.f32 v5, v5;
	_ =	sdelay $0x1  }
0x39: {  	v2 =	vmul.u32 $0x3, v2;
	v4 =	vadd.f32 v5, v4;
	_ =	sdelay $0x1  }
0x3a: {  	v5 =	vadd.s32 $0x1, v2;
	v4 =	vmul.f32 $1.000000010e+24, v4;
	_ =	sdelay $0x1  }
0x3b: {  	v4 =	vmin.f32 v4, $1.000000000e+00  }
0x3c: {  	v6 =	vadd.s32 $0x2, v3;
	[tilespmem:s14+$0x9C90] =	vst v4;
	s14 =	smov.u32 s15  }
0x3d: {  	v4 =	vadd.s32 $0x2, v2;
	v3 =	vld.idx.msk [tilespmem:v3+s2+$0x0], $0xffff  }
0x3e: {  	v5 =	vld.idx.msk [tilespmem:v5+s2+$0x0], $0xffff  }
0x3f: {  	v2 =	vld.idx.msk [tilespmem:v2+s2+$0x0], $0xffff  }
0x40: {  	v7 =	vld.idx.msk [tilespmem:v10+s2+$0x0], $0xffff  }
0x41: {  	v6 =	vld.idx.msk [tilespmem:v6+s2+$0x0], $0xffff  }
0x42: {  	v4 =	vld.idx.msk [tilespmem:v4+s2+$0x0], $0xffff;
	_ =	sdelay $0x2  }
0x43: {  	v2 =	vsub.f32 v2, v3  }
0x44: {  	v3 =	vsub.f32 v5, v7;
	_ =	sdelay $0x1  }
0x45: {  	v2 =	vmul.f32 v2, v2;
	v4 =	vsub.f32 v4, v6;
	v3 =	vmul.f32 v3, v3;
	_ =	sdelay $0x1  }
0x46: {  	v2 =	vadd.f32 v3, v2;
	v3 =	vmul.f32 v4, v4  }
0x47: {  	v4 =	vmul.u32 $0x3, v1  }
0x48: {  	s15 =	sshra.s32 s17, $0x2;
	v1 =	vadd.f32 v3, v2  }
.Ltmp0:
0x49: {  	v5 =	vmul.u32 $0x3, v0;
	v7 =	vadd.s32 $0x1, v4;
	v3 =	vld [tilespmem:s15+$0x8900];
	(pc) =	sbr.rel @p0 .LBB2_2-.Ltmp0, $4  }
0x4a: {  	v9 =	vmul.f32 $1.000000010e+24, v1;
	v2 =	vld [tilespmem:s15+$0x7580]  }
0x4b: {  	v8 =	vadd.s32 $0x1, v5;
	v6 =	vadd.s32 $0x2, v5;
	v1 =	vld [tilespmem:s15+$0x8910]  }
0x4c: {  	v9 =	vmin.f32 v9, $1.000000000e+00;
	v0 =	vld [tilespmem:s15+$0x7590]  }
0x4d: {  	[tilespmem:s14+$0x9C80] =	vst v9;
	v9 =	vadd.s32 $0x2, v4  }
0x4e: {  	_ =	sdelay $0x3  }
0x4f: {  	v7 =	vld.idx.msk [tilespmem:v7+s2+$0x0], $0xffff  }
0x50: {  	v4 =	vld.idx.msk [tilespmem:v4+s2+$0x0], $0xffff  }
0x51: {  	v8 =	vld.idx.msk [tilespmem:v8+s2+$0x0], $0xffff  }
0x52: {  	v5 =	vld.idx.msk [tilespmem:v5+s2+$0x0], $0xffff  }
0x53: {  	v9 =	vld.idx.msk [tilespmem:v9+s2+$0x0], $0xffff  }
0x54: {  	v6 =	vld.idx.msk [tilespmem:v6+s2+$0x0], $0xffff;
	_ =	sdelay $0x2  }
0x55: {  	v7 =	vsub.f32 v8, v7;
	v4 =	vsub.f32 v5, v4;
	_ =	sdelay $0x1  }
0x56: {  	v50 =	vsub.f32 v6, v9;
	v4 =	vmul.f32 v4, v4;
	v51 =	vmul.f32 v7, v7;
	_ =	sdelay $0x1  }
0x57: {  	v5 =	vmul.f32 v50, v50;
	v4 =	vadd.f32 v51, v4;
	_ =	sdelay $0x1  }
0x58: {  	v3 =	vmul.u32 $0x3, v3;
	v2 =	vmul.u32 $0x3, v2;
	v4 =	vadd.f32 v5, v4;
	_ =	sdelay $0x1  }
0x59: {  	v52 =	vadd.s32 $0x1, v2;
	v4 =	vmul.f32 $1.000000010e+24, v4;
	_ =	sdelay $0x1  }
0x5a: {  	v53 =	vadd.s32 $0x1, v3;
	v4 =	vmin.f32 v4, $1.000000000e+00  }
0x5b: {  	v54 =	vadd.s32 $0x2, v3;
	[tilespmem:s14+$0x9C90] =	vst v4  }
0x5c: {  	v55 =	vadd.s32 $0x2, v2;
	v3 =	vld.idx.msk [tilespmem:v3+s2+$0x0], $0xffff  }
0x5d: {  	v5 =	vld.idx.msk [tilespmem:v52+s2+$0x0], $0xffff  }
0x5e: {  	v2 =	vld.idx.msk [tilespmem:v2+s2+$0x0], $0xffff  }
0x5f: {  	v6 =	vld.idx.msk [tilespmem:v53+s2+$0x0], $0xffff  }
0x60: {  	v7 =	vld.idx.msk [tilespmem:v54+s2+$0x0], $0xffff  }
0x61: {  	v4 =	vld.idx.msk [tilespmem:v55+s2+$0x0], $0xffff;
	_ =	sdelay $0x2  }
0x62: {  	v2 =	vsub.f32 v2, v3;
	v56 =	vsub.f32 v5, v6;
	_ =	sdelay $0x1  }
0x63: {  	v4 =	vsub.f32 v4, v7;
	v2 =	vmul.f32 v2, v2;
	v3 =	vmul.f32 v56, v56;
	_ =	sdelay $0x1  }
0x64: {  	v57 =	vmul.f32 v4, v4;
	v2 =	vadd.f32 v3, v2  }
0x65: {  	v1 =	vmul.u32 $0x3, v1  }
0x66: {  	v2 =	vadd.f32 v57, v2  }
0x67: {  	v0 =	vmul.u32 $0x3, v0;
	v58 =	vadd.s32 $0x1, v1  }
0x68: {  	v2 =	vmul.f32 $1.000000010e+24, v2  }
0x69: {  	v59 =	vadd.s32 $0x1, v0  }
0x6a: {  	v2 =	vmin.f32 v2, $1.000000000e+00  }
0x6b: {  	v60 =	vadd.s32 $0x2, v1;
	[tilespmem:s15+$0x9C80] =	vst v2  }
0x6c: {  	v61 =	vadd.s32 $0x2, v0;
	v3 =	vld.idx.msk [tilespmem:v58+s2+$0x0], $0xffff  }
0x6d: {  	v1 =	vld.idx.msk [tilespmem:v1+s2+$0x0], $0xffff  }
0x6e: {  	v4 =	vld.idx.msk [tilespmem:v59+s2+$0x0], $0xffff  }
0x6f: {  	v0 =	vld.idx.msk [tilespmem:v0+s2+$0x0], $0xffff  }
0x70: {  	v2 =	vld.idx.msk [tilespmem:v60+s2+$0x0], $0xffff  }
0x71: {  	v5 =	vld.idx.msk [tilespmem:v61+s2+$0x0], $0xffff;
	_ =	sdelay $0x2  }
0x72: {  	v3 =	vsub.f32 v4, v3;
	v0 =	vsub.f32 v0, v1;
	_ =	sdelay $0x1  }
0x73: {  	v62 =	vsub.f32 v5, v2;
	v0 =	vmul.f32 v0, v0;
	v63 =	vmul.f32 v3, v3;
	_ =	sdelay $0x1  }
0x74: {  	v1 =	vmul.f32 v62, v62;
	v0 =	vadd.f32 v63, v0;
	_ =	sdelay $0x1  }
0x75: {  	v0 =	vadd.f32 v1, v0;
	_ =	sdelay $0x1  }
0x76: {  	v0 =	vmul.f32 $1.000000010e+24, v0  }
0x77: {  	s13 =	sadd.s32 $0x1, s13  }
0x78: {  	p0 =	sne.s32 s13, s7;
	v0 =	vmin.f32 v0, $1.000000000e+00  }
.Ltmp1:
0x79: {  	[tilespmem:s15+$0x9C90] =	vst v0;
	(pc) =	sbr.rel @p0 .LBB2_1-.Ltmp1, $4  }
0x7a: {  	[hbm4b:s6+s2] =	stream.linear.scatter [tilespmem:s11], [sflag:$0x2], $0x1360, $0x38;
	[tilespmem:$0xB000] =	vst v63  }
0x7b: {  	_ =	swait.ge [sflag:s12], $0x1360  }
0x7c: {  	[sflag:s12] =	ssyncset.done $0x0  }
0x7d: {  	[sflag:s12] =	ssyncadd.s32 $0xFFFFECA0  }
0x7e: {  	_ =	sfence.sel $0x180000  }
0x7f: {  	[bflag:$0x0] =	sbarrier.arrive $0xFFFF  }
0x80: {  	p0 =	sne.s32 s0, $0x0;
	_ =	strace $0x9000004A  }
0x81: {  	s0 =	sadd.s32 @!p0 $0x100000, s1;
	[bflag:$0x2] =	sbarrier.arrive $0xFFFF  }
0x82: {  	[sflag:s0] =	ssyncadd.tile.s32 @!p0 $0x1;
	_ =	shalt  }
.Lfunc_end2:
_tile_overlayer_lowered:
.L_overlay_start_2:
0x83: {  	(tag) =	ssettag $0x2  }
0x84: {  	s0 =	rddreg [dreg:$0x0];
	s2 =	stileid.u32  }
0x85: {  	s1 =	rddreg [dreg:$0x1];
	p0 =	sne.s32 s2, $0x0  }
0x86: {  	s3 =	rddreg [dreg:$0x2];
	[bflag:$0x3] =	sbarrier.arrive $0xFFFF;
	s2 =	simm.s32 @!p0 $0x1C02  }
0x87: {  	[timem:s3], [sflag:s2] =	dma.local @!p0 [hbm:s0], s1  }
0x88: {  	s0 =	simm.s32 @!p0 $0x2  }
0x89: {  	_ =	swait.ge @!p0 [sflag:s0], s1  }
0x8a: {  	s1 =	ssub.s32 @!p0 $0x0, s1;
	[sflag:s0] =	ssyncset.done @!p0 $0x0  }
0x8b: {  	[sflag:s0] =	ssyncadd.s32 @!p0 s1  }
0x8c: {  	[bflag:$0x3] =	sbarrier.arrive $0xFFFF  }
0x8d: {  	_ =	shalt  }

// kernel: kernel.18.cloned.1.call-start
scs
__scs_entry_jumppad:
0x0: {  	(pc) =	sbr.rel $0x88, $3  }
0x1: {  	(tag) =	ssettag $0x0;
	lr =	simm.s32 $0x1  }
0x2: {  	[smem:$0x3F95] =	sst lr;
	_ =	strace $0xD0000000  }
0x3: {  	_ = 	snop  }
0x4: {  	_ = 	snop  }
0x5: {  	_ = 	snop  }
0x6: {  	_ = 	snop  }
0x7: {  	_ = 	snop  }
__scs_overlays_trampoline_lowered:
0x8: {  	[smem:$0x3FA4] =	sst s0  }
0x9: {  	[smem:$0x3FA5] =	sst s1  }
0xa: {  	[smem:$0x3FA6] =	sst s2  }
0xb: {  	[smem:$0x3FA7] =	sst s3  }
0xc: {  	[smem:$0x3FA8] =	sst s4  }
0xd: {  	[smem:$0x3FA9] =	sst s5  }
0xe: {  	[smem:$0x3FAA] =	sst s6  }
0xf: {  	[smem:$0x3FAB] =	sst s7  }
0x10: {  	[smem:$0x3FAC] =	sst s8  }
0x11: {  	[smem:$0x3FAD] =	sst s9;
	s0 =	simm.s32 @!p0 $0x0  }
0x12: {  	s1 =	sld [smem:$0x3F93];
	s0 =	simm.s32 @p0 $0x1  }
0x13: {  	[smem:$0x3FAE] =	sst s0;
	s0 =	simm.s32 @!p1 $0x0  }
0x14: {  	s2 =	sld [smem:$0x3F92];
	s0 =	simm.s32 @p1 $0x1  }
0x15: {  	[smem:$0x3FAF] =	sst s0;
	s0 =	simm.s32 @!p2 $0x0  }
0x16: {  	s3 =	sld [smem:$0x3FDB];
	s0 =	simm.s32 @p2 $0x1  }
0x17: {  	s4 =	simm.s32 $0x1BF5;
	[smem:$0x3FB1] =	sst s0  }
0x18: {  	s0 =	sld [smem:$0x3F94];
	_ =	swait.ge [sflag:s4], $0x0  }
0x19: {  	s7 =	sld [smem:$0x3F95]  }
0x1a: {  	s8 =	sadd.s32 $0xFFFFE003, lr  }
0x1b: {  	s9 =	sadd.s32 $0xFFFFFEF7, lr;
	s5 =	simm.s32 $0xFFFFFFFF;
	p2 =	slt.u32 s8, $0xFFFFF086  }
0x1c: {  	p1 =	slt.u32 s9, $0xF7A;
	s5 =	simm.s32 @!p2 $0x0  }
0x1d: {  	s5 =	simm.s32 @p1 $0x1;
	p0 =	seq.s32 s7, s2  }
0x1e: {  	s7 =	smul.u32 @!p0 $0xF7A, s2;
	p2 =	seq.s32 @!p0 s5, $0x0  }
0x1f: {  	s9 =	smul.u32 $0xF7A, s1;
	s8 =	simm.s32 @!p0 $0x1BF5;
	p2 =	por !p2, p0  }
0x20: {  	[sflag:s8] =	ssyncset.s32 @!p0 $0xFFFFF086;
	s6 =	sadd.s32 @!p0 s3, s7;
	s7 =	simm.s32 @!p0 $0x108  }
0x21: {  	s3 =	sadd.s32 s3, s9;
	s6 =	sadd.s32 @!p0 $0x88, s6;
	s7 =	simm.s32 @p2 $0x1082  }
0x22: {  	[simem:s7], [sflag:s8] =	dma.local @!p0 [hbm:s6], $0xF7A  }
0x23: {  	s9 =	sor.u32 $0xD0000000, s2;
	s6 =	simm.s32 $0x108;
	_ =	swait.ge @!p0 [sflag:s8], $0x0  }
0x24: {  	s3 =	sadd.s32 $0x88, s3;
	s6 =	simm.s32 @!p1 $0x1082;
	[sflag:s4] =	ssyncset.s32 $0xFFFFF086  }
0x25: {  	[simem:s6], [sflag:s4] =	dma.local [hbm:s3], $0xF7A  }
0x26: {  	[smem:$0x3F95] =	sst s1;
	(tag) =	ssettag s2;
	_ =	strace s9  }
0x27: {  	s1 =	sld [smem:$0x3FA5]  }
0x28: {  	s2 =	sld [smem:$0x3FA6]  }
0x29: {  	s4 =	sld [smem:$0x3FA8]  }
0x2a: {  	p0 =	seq.s32 s5, $0x0;
	s5 =	sld [smem:$0x3FA9]  }
0x2b: {  	s6 =	sld [smem:$0x3FAA]  }
0x2c: {  	s7 =	sld [smem:$0x3FAB]  }
0x2d: {  	s3 =	simm.s32 $0x108;
	s8 =	sld [smem:$0x3FAC]  }
0x2e: {  	s3 =	simm.s32 @!p0 $0x1082;
	s9 =	sld [smem:$0x3FAD]  }
0x2f: {  	lr =	sadd.s32 s0, s3;
	s0 =	sld [smem:$0x3FA4]  }
0x30: {  	s3 =	sld [smem:$0x3FA7]  }
0x31: {  	[smem:$0x3FB0] =	sst s10  }
0x32: {  	s10 =	sld [smem:$0x3FAE];
	_ =	sdelay $0x3  }
0x33: {  	p0 =	seq.s32 s10, $0x1;
	s10 =	sld [smem:$0x3FB0];
	_ =	sdelay $0x3  }
0x34: {  	[smem:$0x3FB0] =	sst s10  }
0x35: {  	s10 =	sld [smem:$0x3FAF];
	_ =	sdelay $0x3  }
0x36: {  	p1 =	seq.s32 s10, $0x1;
	s10 =	sld [smem:$0x3FB0];
	_ =	sdelay $0x3  }
0x37: {  	[smem:$0x3FB0] =	sst s10  }
0x38: {  	s10 =	sld [smem:$0x3FB1]  }
0x39: {  	_ = 	snop;
	(pc) =	sbr.ind lr, $3  }
0x3a: {  	_ = 	snop  }
0x3b: {  	_ = 	snop  }
0x3c: {  	p2 =	seq.s32 s10, $0x1;
	s10 =	sld [smem:$0x3FB0]  }
0x3d: {  	_ =	shalt  }
0x3e: {  	_ =	shalt  }
0x3f: {  	_ =	shalt  }
0x40: {  	_ =	shalt  }
0x41: {  	_ =	shalt  }
0x42: {  	_ =	shalt  }
0x43: {  	_ =	shalt  }
0x44: {  	_ =	shalt  }
0x45: {  	_ =	shalt  }
0x46: {  	_ =	shalt  }
0x47: {  	_ =	shalt  }
0x48: {  	_ =	shalt  }
0x49: {  	_ =	shalt  }
0x4a: {  	_ =	shalt  }
0x4b: {  	_ =	shalt  }
0x4c: {  	_ =	shalt  }
0x4d: {  	_ =	shalt  }
0x4e: {  	_ =	shalt  }
0x4f: {  	_ =	shalt  }
0x50: {  	_ =	shalt  }
0x51: {  	_ =	shalt  }
0x52: {  	_ =	shalt  }
0x53: {  	_ =	shalt  }
0x54: {  	_ =	shalt  }
0x55: {  	_ =	shalt  }
0x56: {  	_ =	shalt  }
0x57: {  	_ =	shalt  }
0x58: {  	_ =	shalt  }
0x59: {  	_ =	shalt  }
0x5a: {  	_ =	shalt  }
0x5b: {  	_ =	shalt  }
0x5c: {  	_ =	shalt  }
0x5d: {  	_ =	shalt  }
0x5e: {  	_ =	shalt  }
0x5f: {  	_ =	shalt  }
0x60: {  	_ =	shalt  }
0x61: {  	_ =	shalt  }
0x62: {  	_ =	shalt  }
0x63: {  	_ =	shalt  }
0x64: {  	_ =	shalt  }
0x65: {  	_ =	shalt  }
0x66: {  	_ =	shalt  }
0x67: {  	_ =	shalt  }
0x68: {  	_ =	shalt  }
0x69: {  	_ =	shalt  }
0x6a: {  	_ =	shalt  }
0x6b: {  	_ =	shalt  }
0x6c: {  	_ =	shalt  }
0x6d: {  	_ =	shalt  }
0x6e: {  	_ =	shalt  }
0x6f: {  	_ =	shalt  }
0x70: {  	_ =	shalt  }
0x71: {  	_ =	shalt  }
0x72: {  	_ =	shalt  }
0x73: {  	_ =	shalt  }
0x74: {  	_ =	shalt  }
0x75: {  	_ =	shalt  }
0x76: {  	_ =	shalt  }
0x77: {  	_ =	shalt  }
0x78: {  	_ =	shalt  }
0x79: {  	_ =	shalt  }
0x7a: {  	_ =	shalt  }
0x7b: {  	_ =	shalt  }
0x7c: {  	_ =	shalt  }
0x7d: {  	_ =	shalt  }
0x7e: {  	_ =	shalt  }
0x7f: {  	_ =	shalt  }
0x80: {  	_ =	shalt  }
0x81: {  	_ =	shalt  }
0x82: {  	_ =	shalt  }
0x83: {  	_ =	shalt  }
0x84: {  	_ =	shalt  }
0x85: {  	_ =	shalt  }
0x86: {  	_ =	shalt  }
0x87: {  	_ =	shalt  }
.Lfunc_end0:
.L_simem_size_0:
called_computation.3_lowered:
.L_overlay_start_0:
0x88: {  	s2 =	sld [smem:$0x3FD9]  }
0x89: {  	s3 =	sld [smem:$0x3FFE];
	_ =	sdelay $0x1  }
0x8a: {  	s1 =	srdreg.scid  }
0x8b: {  	s0 =	sand.u32 $0x1, s1  }
0x8c: {  	s17 =	sshll.u32 s0, $0xA;
	s2 =	sadd.s32 s3, s2  }
0x8d: {  	s2 =	sadd.s32 s2, s17  }
0x8e: {  	[smem:$0x3FBC] =	sst s2  }
0x8f: {  	_ = 	snop  }
0x90: {  	s18 =	sld [smem:$0x3FD0];
	(tm) =	ssettm $0x1  }
0x91: {  	s19 =	sld [smem:$0x3FFB];
	_ =	sdelay $0x3  }
0x92: {  	_ =	strace s19  }
0x93: {  	s2 =	sld [smem:$0x3FFC];
	_ =	sdelay $0x3  }
0x94: {  	_ =	strace s2  }
0x95: {  	s2 =	sld [smem:$0x3FFD];
	_ =	sdelay $0x3  }
0x96: {  	_ =	strace s2  }
0x97: {  	_ =	strace $0x8FFFFFFF  }
0x98: {  	s20 =	sld [smem:$0x3FDB];
	_ =	sdelay $0x1  }
0x99: {  	s4 =	simm.s32 $_scs_section_size  }
0x9a: {  	s5 =	simm.s32 $_size__tile_overlayer_lowered;
	s6 =	simm.s32 $_tile_overlayer_lowered  }
0x9b: {  	s7 =	simm.s32 $0x1BFF;
	s21 =	sshll.u32 s6, $0x1;
	s4 =	sadd.s32 s4, s20  }
0x9c: {  	s22 =	simm.s32 $0x0;
	s5 =	sshll.u32 s5, $0x1;
	s6 =	sadd.s32 s21, s4  }
0x9d: {  	[timem:s22], [sflag:s7] =	dma.local [hbm:s6], s5  }
0x9e: {  	_ =	swait.ge [sflag:s7], s5  }
0x9f: {  	s5 =	ssub.s32 $0x0, s5;
	[sflag:s7] =	ssyncset.done $0x0  }
0xa0: {  	[sflag:s7] =	ssyncadd.s32 s5;
	_ =	sdelay $0x1  }
0xa1: {  	s23 =	simm.s32 $0x1B8B  }
0xa2: {  	_ =	swait.ge [sflag:s23], $0x1  }
0xa3: {  	[sflag:s23] =	ssyncset.done $0x0  }
0xa4: {  	[sflag:s23] =	ssyncadd.s32 $0xFFFFFFFF  }
0xa5: {  	s5 =	sld [smem:$0x0]  }
0xa6: {  	s6 =	sand.u32 $0xFFFFFFFE, s1  }
0xa7: {  	p0 =	sne.s32 s1, s6  }
0xa8: {  	s6 =	sshll.u32 @p0 s6, $0xE  }
0xa9: {  	s6 =	sadd.s32 @p0 $0x11B8D, s6;
	s7 =	sshll.u32 @p0 s5, $0x11  }
0xaa: {  	s6 =	sor.u32 @p0 s7, s6  }
0xab: {  	[sflag:s6] =	ssyncadd.remote.s32 @p0 $0x1;
	_ =	sdelay $0x1  }
0xac: {  	s6 =	simm.s32 @p0 $0x1B8D  }
0xad: {  	_ =	swait.eq @p0 [sflag:s6], $0x1  }
0xae: {  	[sflag:s6] =	ssyncadd.s32 @p0 $0xFFFFFFFF  }
0xaf: {  	s7 =	sshll.u32 @!p0 s1, $0xE  }
0xb0: {  	s7 =	sor.u32 @!p0 $0x4000, s7;
	s6 =	simm.s32 @!p0 $0x1B8D  }
0xb1: {  	s5 =	sshll.u32 @!p0 s5, $0x11;
	s7 =	sadd.s32 @!p0 $0x11B8D, s7;
	_ =	swait.eq @!p0 [sflag:s6], $0x1  }
0xb2: {  	s5 =	sor.u32 @!p0 s5, s7;
	[sflag:s6] =	ssyncadd.s32 @!p0 $0xFFFFFFFF  }
0xb3: {  	s25 =	simm.s32 $0x1B8E;
	s24 =	sld [smem:$0x3FFE];
	[sflag:s5] =	ssyncadd.remote.s32 @!p0 $0x1  }
0xb4: {  	s26 =	simm.s32 $execute0_lowered;
	[smem:$0x3FD2] =	sst s25  }
0xb5: {  	s6 =	sshll.u32 s26, $0x1;
	_ =	strace $0x8000004F;
	[dreg:$0x1] =	wrdreg $0xFFFFFFFF  }
0xb6: {  	s28 =	simm.s32 $_size_execute0_lowered;
	s4 =	sadd.s32 s4, s6;
	[dreg:$0x0] =	wrdreg $0x0  }
0xb7: {  	s6 =	sshll.u32 s28, $0x1;
	[dreg:$0x2] =	wrdreg s4  }
0xb8: {  	[dreg:$0x3] =	wrdreg s6  }
0xb9: {  	[dreg:$0x4] =	wrdreg $0xC0  }
0xba: {  	_ =	task [dreg:s22], $0x5FFFF  }
0xbb: {  	[dreg:$0x1] =	wrdreg $0xFFFFFFFF  }
0xbc: {  	[dreg:$0x0] =	wrdreg $0x60  }
0xbd: {  	[dreg:$0x2] =	wrdreg s24  }
0xbe: {  	[dreg:$0x3] =	wrdreg s18  }
0xbf: {  	[dreg:$0x4] =	wrdreg $0x0  }
0xc0: {  	[dreg:$0x5] =	wrdreg $0xA  }
0xc1: {  	_ =	task.clear_ibuf [dreg:s22], $0x6FFFF;
	_ =	strace $0x9000004F  }
0xc2: {  	s29 =	simm.s32 $0xA;
	_ =	strace $0x80000051  }
0xc3: {  	_ =	swait.ge [sflag:s29], $0x1  }
0xc4: {  	[sflag:s29] =	ssyncadd.s32 $0xFFFFFFFF  }
0xc5: {  	_ =	strace $0x90000051  }
0xc6: {  	_ =	sfence  }
0xc7: {  	s30 =	sld [smem:$0x0];
	_ =	sdelay $0x2  }
0xc8: {  	s31 =	sshll.u32 s1, $0xD;
	s1 =	sshrl.u32 s1, $0x2  }
0xc9: {  	s4 =	sand.u32 $0x4000, s31;
	s1 =	sadd.s32 s1, s30  }
0xca: {  	s0 =	sor.u32 s4, s0;
	s1 =	sshll.u32 s1, $0x11  }
0xcb: {  	s0 =	sor.u32 s1, s0  }
0xcc: {  	s0 =	sadd.s32 $0x8F2B, s0  }
0xcd: {  	[sflag:s0] =	ssyncadd.remote.s32 $0x1  }
0xce: {  	_ =	sfence.sel $0xFFFF  }
0xcf: {  	[dreg:$0x0] =	wrdreg $0xFFFFFFFF;
	(pc) =	sbr.abs _section_cstart, $3  }
0xd0: {  	[dreg:$0x1] =	wrdreg $0xFFFFFFFF  }
0xd1: {  	_ =	task.clear_ibuf [dreg:s22], $0x2FFFF;
	_ =	strace $0x9FFFFFFF  }
0xd2: {  	(tm) =	ssettm $0x7FFFFFFF  }
0xd3: {  	_ =	shalt  }
tec
execute0_lowered:
.L_overlay_start_1:
0x0: {  	(tag) =	ssettag $0x1  }
0x1: {  	s23 =	stileid.u32  }
0x2: {  	s0 =	srdreg.scid;
	s6 =	smul.u32 $0x500, s23  }
0x3: {  	s0 =	sand.u32 $0x1, s0;
	s25 =	smul.u32 $0x26C0, s23  }
0x4: {  	s7 =	rddreg [dreg:$0x0];
	s5 =	sor.u32 $0x10, s23;
	s2 =	smul.u32 $0x27100, s0  }
0x5: {  	s10 =	rddreg [dreg:$0x1];
	s8 =	sor.u32 $0x20, s23;
	s9 =	smul.u32 $0x500, s5  }
0x6: {  	s29 =	simm.s32 $0x18980;
	s11 =	sor.u32 $0x30, s23;
	s12 =	smul.u32 $0x500, s8  }
0x7: {  	s30 =	simm.s32 $0x5;
	s15 =	sor.u32 $0x40, s23;
	s13 =	smul.u32 $0x500, s11  }
0x8: {  	s31 =	simm.s32 $0x13880;
	s18 =	sor.u32 $0x50, s23;
	s14 =	smul.u32 $0x500, s15  }
0x9: {  	s1 =	sshll.u32 s23, $0x1;
	s20 =	sor.u32 $0x60, s23;
	s17 =	smul.u32 $0x500, s18  }
0xa: {  	s21 =	sor.u32 $0x70, s23;
	s1 =	sor.u32 s0, s1;
	s22 =	smul.u32 $0x500, s20  }
0xb: {  	s16 =	ssub.s32 $0x2, s0;
	p0 =	sgt.u32 s21, $0x7C;
	s3 =	smul.u32 $0x1360, s1  }
0xc: {  	s4 =	smul.u32 $0x13600, s1;
	s19 =	sshrl.u32 s16, $0x1;
	s2 =	sadd.s32 s2, s7  }
0xd: {  	s1 =	rddreg [dreg:$0x2];
	s16 =	ssub.s32 s16, s19;
	s2 =	sadd.s32 $0x53F000, s2  }
0xe: {  	s19 =	smul.u32 $0x500, s21;
	s7 =	sadd.s32 $0x2D3000, s7;
	s6 =	sadd.s32 s2, s6  }
0xf: {  	s3 =	sshrl.u32 s3, $0x3;
	s24 =	sadd.s32 s2, s9;
	[dreg:$0x4] =	wrdreg s6  }
0x10: {  	s26 =	sadd.s32 s2, s12;
	s12 =	sadd.s32 s2, s13;
	[dreg:$0x5] =	wrdreg s24  }
0x11: {  	s13 =	smul.u32 $0x1360, s0;
	s14 =	sadd.s32 s2, s14;
	[dreg:$0x6] =	wrdreg s26  }
0x12: {  	s17 =	sadd.s32 s2, s17;
	s22 =	sadd.s32 s2, s22;
	[dreg:$0x7] =	wrdreg s12  }
0x13: {  	s2 =	sadd.s32 s2, s19;
	s0 =	smul.u32 $0x13600, s0;
	[dreg:$0x8] =	wrdreg s14  }
0x14: {  	s9 =	sadd.s32 s7, s4;
	s3 =	sadd.s32 s10, s3;
	[dreg:$0x9] =	wrdreg s17  }
0x15: {  	s19 =	smax.u32 s16, $0x1;
	[dreg:$0xa] =	wrdreg s22;
	s17 =	smul.u32 $0xA000, s5  }
0x16: {  	[dreg:$0xb] =	wrdreg s2;
	s12 =	simm.s32 $0x0;
	s22 =	smul.u32 $0xA000, s8  }
0x17: {  	s24 =	sadd.s32 s13, s25;
	s25 =	smul.u32 $0x26C00, s23;
	[smem:$0x7FF] =	sst s12  }
0x18: {  	s6 =	sadd.s32 $0x276A0, s24;
	_ =	strace $0x80000050;
	[dreg:$0xd] =	wrdreg s19  }
0x19: {  	s2 =	sadd.s32 $0x27650, s24;
	s5 =	sshrl.u32 s22, $0x2;
	[dreg:$0xc] =	wrdreg s9  }
0x1a: {  	s19 =	sadd.s32 $0x13100, s9;
	s26 =	sadd.s32 s25, s7;
	s7 =	smul.u32 $0xA000, s23  }
0x1b: {  	s9 =	simm.s32 $0x4;
	s4 =	sshrl.u32 s6, $0x3;
	s23 =	smul.u32 $0xA000, s11  }
0x1c: {  	s2 =	sshrl.u32 s2, $0x3;
	s28 =	sadd.s32 s5, s1;
	s11 =	smul.u32 $0xA000, s21  }
0x1d: {  	[dreg:$0x11] =	wrdreg s19;
	s5 =	simm.s32 $0x50;
	s0 =	sadd.s32 s0, s26  }
0x1e: {  	s13 =	sadd.s32 s4, s10;
	s14 =	sadd.s32 s2, s10;
	s26 =	smul.u32 $0xA000, s15  }
0x1f: {  	s2 =	sshrl.u32 s17, $0x2;
	s10 =	smul.u32 $0xA000, s20;
	s17 =	sadd.s32 $0x4EC0, s3  }
0x20: {  	s4 =	sshrl.u32 s7, $0x2;
	s25 =	sadd.s32 s2, s1;
	s6 =	sshrl.u32 s23, $0x2  }
0x21: {  	s7 =	smul.u32 $0xA000, s18;
	s16 =	sshrl.u32 s11, $0x2;
	[dreg:$0xf] =	wrdreg s17  }
0x22: {  	s18 =	sadd.s32 $0x5122, s3;
	s3 =	simm.s32 $0x1;
	s24 =	sadd.s32 s4, s1  }
0x23: {  	s8 =	sadd.s32 s6, s1;
	s2 =	sshrl.u32 s26, $0x2;
	s4 =	sshrl.u32 s10, $0x2  }
0x24: {  	s23 =	sadd.s32 s16, s1;
	[dreg:$0x10] =	wrdreg s18;
	s26 =	sadd.s32 $0xA00, s0  }
0x25: {  	s6 =	simm.s32 $0x13980;
	s0 =	simm.s32 $0x13900;
	s10 =	simm.s32 $0x0  }
0x26: {  	[dreg:$0xe] =	wrdreg s8;
	s20 =	sadd.s32 s2, s1;
	s15 =	sshrl.u32 s7, $0x2  }
0x27: {  	s22 =	sadd.s32 s4, s1;
	s2 =	simm.s32 $0x16180;
	s4 =	simm.s32 $0x3  }
0x28: {  	v0 =	vimm.f32 $0.0e+00;
	s7 =	simm.s32 $0x6;
	s8 =	simm.s32 $0x2;
	s21 =	sadd.s32 s15, s1  }
.LBB2_1:
0x29: {  	s11 =	simm.s32 $0x0;
	s15 =	simm.s32 $0x200  }
.LBB2_2:
0x2a: {  	p1 =	sne.s32 s15, $0x9E00;
	[tilespmem:s11+$0x189F0] =	vst v0  }
0x2b: {  	[tilespmem:s11+$0x18980] =	vst v0  }
0x2c: {  	[tilespmem:s11+$0x18990] =	vst v0  }
.Ltmp0:
0x2d: {  	[tilespmem:s11+$0x189A0] =	vst v0;
	(pc) =	sbr.rel @p1 .LBB2_2-.Ltmp0, $4  }
0x2e: {  	[tilespmem:s11+$0x189B0] =	vst v0  }
0x2f: {  	[tilespmem:s11+$0x189C0] =	vst v0  }
0x30: {  	[tilespmem:s11+$0x189D0] =	vst v0  }
0x31: {  	[tilespmem:s11+$0x189E0] =	vst v0;
	s11 =	sshra.s32 s15, $0x2;
	s15 =	sadd.s32 $0x200, s15  }
0x32: {  	[tilespmem:s11+$0x189F0] =	vst v0  }
0x33: {  	[tilespmem:s11+$0x18980] =	vst v0  }
0x34: {  	[tilespmem:s11+$0x18990] =	vst v0  }
0x35: {  	[tilespmem:s11+$0x189A0] =	vst v0  }
0x36: {  	[tilespmem:s11+$0x189B0] =	vst v0  }
0x37: {  	[tilespmem:s11+$0x189C0] =	vst v0  }
0x38: {  	[tilespmem:s11+$0x189D0] =	vst v0  }
0x39: {  	[tilespmem:s11+$0x189E0] =	vst v0  }
0x3a: {  	[spmem:s24] =	stream.linear.scatter [tilespmem:s29], [sflag:$0x5], $0x2800, $0x38;
	[tilespmem:$0x1B180] =	vst v63  }
0x3b: {  	_ =	swait.ge [sflag:s30], $0x2800  }
0x3c: {  	[sflag:s30] =	ssyncset.done $0x0  }
0x3d: {  	[sflag:s30] =	ssyncadd.s32 $0xFFFFD800  }
0x3e: {  	[spmem:s25] =	stream.linear.scatter [tilespmem:s29], [sflag:$0x5], $0x2800, $0x38;
	[tilespmem:$0x1B180] =	vst v63  }
0x3f: {  	_ =	swait.ge [sflag:s30], $0x2800  }
0x40: {  	[sflag:s30] =	ssyncset.done $0x0  }
0x41: {  	[sflag:s30] =	ssyncadd.s32 $0xFFFFD800  }
0x42: {  	[spmem:s28] =	stream.linear.scatter [tilespmem:s29], [sflag:$0x5], $0x2800, $0x38;
	[tilespmem:$0x1B180] =	vst v63  }
0x43: {  	_ =	swait.ge [sflag:s30], $0x2800  }
0x44: {  	[sflag:s30] =	ssyncset.done $0x0  }
0x45: {  	s18 =	smov.u32 s25;
	s25 =	rddreg [dreg:$0xe];
	[sflag:s30] =	ssyncadd.s32 $0xFFFFD800  }
0x46: {  	[spmem:s25] =	stream.linear.scatter [tilespmem:s29], [sflag:$0x5], $0x2800, $0x38;
	[tilespmem:$0x1B180] =	vst v63  }
0x47: {  	_ =	swait.ge [sflag:s30], $0x2800  }
0x48: {  	[sflag:s30] =	ssyncset.done $0x0  }
0x49: {  	[sflag:s30] =	ssyncadd.s32 $0xFFFFD800  }
0x4a: {  	[spmem:s20] =	stream.linear.scatter [tilespmem:s29], [sflag:$0x5], $0x2800, $0x38;
	[tilespmem:$0x1B180] =	vst v63  }
0x4b: {  	_ =	swait.ge [sflag:s30], $0x2800  }
0x4c: {  	[sflag:s30] =	ssyncset.done $0x0  }
0x4d: {  	[sflag:s30] =	ssyncadd.s32 $0xFFFFD800  }
0x4e: {  	[spmem:s21] =	stream.linear.scatter [tilespmem:s29], [sflag:$0x5], $0x2800, $0x38;
	[tilespmem:$0x1B180] =	vst v63  }
0x4f: {  	_ =	swait.ge [sflag:s30], $0x2800  }
0x50: {  	[sflag:s30] =	ssyncset.done $0x0  }
0x51: {  	[sflag:s30] =	ssyncadd.s32 $0xFFFFD800  }
0x52: {  	[spmem:s22] =	stream.linear.scatter [tilespmem:s29], [sflag:$0x5], $0x2800, $0x38;
	[tilespmem:$0x1B180] =	vst v63  }
0x53: {  	_ =	swait.ge [sflag:s30], $0x2800  }
0x54: {  	[sflag:s30] =	ssyncset.done $0x0  }
0x55: {  	s11 =	simm.s32 @!p0 $0x18980;
	[sflag:s30] =	ssyncadd.s32 $0xFFFFD800  }
0x56: {  	[spmem:s23] =	stream.linear.scatter @!p0 [tilespmem:s11], [sflag:$0x5], $0x2800, $0x38;
	[tilespmem:$0x1B180] =	vst v63  }
0x57: {  	s11 =	simm.s32 @!p0 $0x5  }
0x58: {  	_ =	swait.ge @!p0 [sflag:s11], $0x2800  }
0x59: {  	[sflag:s11] =	ssyncset.done @!p0 $0x0  }
0x5a: {  	[sflag:s11] =	ssyncadd.s32 @!p0 $0xFFFFD800  }
0x5b: {  	[bflag:$0x0] =	sbarrier.arrive $0xFFFF  }
0x5c: {  	s19 =	smov.u32 s28;
	s28 =	simm.s32 $0x0;
	s15 =	rddreg [dreg:$0xf]  }
0x5d: {  	[tilespmem:s31], [sflag:$0x1] =	stream.linear.gather [hbm4b:s15+s28], $0x50, $0x38;
	[tilespmem:$0x1B180] =	vst v63  }
0x5e: {  	s16 =	rddreg [dreg:$0xc]  }
0x5f: {  	[tilespmem:s6], [sflag:$0x3] =	stream.linear.gather [hbm4b:s16+s28], $0x2800, $0x38;
	[tilespmem:$0x1B180] =	vst v63  }
0x60: {  	s17 =	smov.u32 s24;
	s24 =	sadd.s32 $0x0, s14  }
0x61: {  	[tilespmem:s0], [sflag:$0x2] =	stream.linear.gather [hbm4b:s24+s12], $0x50, $0x38;
	[tilespmem:$0x1B180] =	vst v63  }
0x62: {  	s25 =	sadd.s32 $0xFFFFFB00, s26  }
0x63: {  	[tilespmem:s2], [sflag:$0x4] =	stream.linear.gather [hbm4b:s25+s12], $0x2800, $0x38;
	[tilespmem:$0x1B180] =	vst v63  }
0x64: {  	_ =	swait.ge [sflag:s3], $0x50  }
0x65: {  	[sflag:s3] =	ssyncset.done $0x0  }
0x66: {  	[sflag:s3] =	ssyncadd.s32 $0xFFFFFFB0  }
0x67: {  	_ =	swait.ge [sflag:s4], $0x2800  }
0x68: {  	[sflag:s4] =	ssyncset.done $0x0  }
0x69: {  	[sflag:s4] =	ssyncadd.s32 $0xFFFFD800  }
0x6a: {  	[spmem:s1] =	stream.indirect.scatter.add.f32 [tilespmem:s6], [sflag:$0x6], $0x80, s31, s5, $0xb8;
	[tilespmem:$0x1B180] =	vst v63  }
0x6b: {  	_ =	swait.ge [sflag:s7], $0x2800  }
0x6c: {  	[sflag:s7] =	ssyncset.done $0x0  }
0x6d: {  	s28 =	sadd.s32 $0x0, s13;
	[sflag:s7] =	ssyncadd.s32 $0xFFFFD800  }
0x6e: {  	[tilespmem:s31], [sflag:$0x1] =	stream.linear.gather [hbm4b:s28+s12], $0x50, $0x38;
	[tilespmem:$0x1B180] =	vst v63  }
0x6f: {  	_ = 	snop  }
0x70: {  	[tilespmem:s6], [sflag:$0x3] =	stream.linear.gather [hbm4b:s26+s12], $0x2800, $0x38;
	[tilespmem:$0x1B180] =	vst v63  }
0x71: {  	_ =	swait.ge [sflag:s8], $0x50  }
0x72: {  	[sflag:s8] =	ssyncset.done $0x0  }
0x73: {  	[sflag:s8] =	ssyncadd.s32 $0xFFFFFFB0  }
0x74: {  	_ =	swait.ge [sflag:s9], $0x2800  }
0x75: {  	[sflag:s9] =	ssyncset.done $0x0  }
0x76: {  	[sflag:s9] =	ssyncadd.s32 $0xFFFFD800  }
0x77: {  	[spmem:s1] =	stream.indirect.scatter.add.f32 [tilespmem:s2], [sflag:$0x5], $0x80, s0, s5, $0xb8;
	[tilespmem:$0x1B180] =	vst v63  }
0x78: {  	s11 =	simm.s32 $0x14;
	_ =	swait.ge [sflag:s30], $0x2800  }
0x79: {  	s15 =	sadd.s32 $0xA00, s26;
	s24 =	simm.s32 $0x28;
	[sflag:s30] =	ssyncset.done $0x0  }
.LBB2_4:
0x7a: {  	s25 =	sadd.s32 s11, s14  }
0x7b: {  	[sflag:s30] =	ssyncadd.s32 $0xFFFFD800;
	s28 =	smov.u32 s24;
	s16 =	sadd.s32 $0x14, s24  }
0x7c: {  	[tilespmem:s0], [sflag:$0x2] =	stream.linear.gather [hbm4b:s25+s12], $0x50, $0x38;
	[tilespmem:$0x1B180] =	vst v63  }
0x7d: {  	p1 =	sne.s32 s24, $0x244;
	s24 =	sadd.s32 $0xFFFFFB00, s15  }
0x7e: {  	[tilespmem:s2], [sflag:$0x4] =	stream.linear.gather [hbm4b:s24+s12], $0x2800, $0x38;
	[tilespmem:$0x1B180] =	vst v63  }
0x7f: {  	_ =	swait.ge [sflag:s3], $0x50  }
0x80: {  	[sflag:s3] =	ssyncset.done $0x0  }
0x81: {  	[sflag:s3] =	ssyncadd.s32 $0xFFFFFFB0  }
0x82: {  	_ =	swait.ge [sflag:s4], $0x2800  }
0x83: {  	[sflag:s4] =	ssyncset.done $0x0  }
0x84: {  	[sflag:s4] =	ssyncadd.s32 $0xFFFFD800  }
0x85: {  	[spmem:s1] =	stream.indirect.scatter.add.f32 [tilespmem:s6], [sflag:$0x6], $0x80, s31, s5, $0xb8;
	[tilespmem:$0x1B180] =	vst v63  }
0x86: {  	_ =	swait.ge [sflag:s7], $0x2800  }
0x87: {  	[sflag:s7] =	ssyncset.done $0x0  }
0x88: {  	s24 =	sadd.s32 s11, s13;
	s11 =	smov.u32 s28;
	[sflag:s7] =	ssyncadd.s32 $0xFFFFD800  }
0x89: {  	[tilespmem:s31], [sflag:$0x1] =	stream.linear.gather [hbm4b:s24+s12], $0x50, $0x38;
	[tilespmem:$0x1B180] =	vst v63  }
0x8a: {  	_ = 	snop  }
0x8b: {  	[tilespmem:s6], [sflag:$0x3] =	stream.linear.gather [hbm4b:s15+s12], $0x2800, $0x38;
	[tilespmem:$0x1B180] =	vst v63  }
0x8c: {  	_ =	swait.ge [sflag:s8], $0x50  }
0x8d: {  	[sflag:s8] =	ssyncset.done $0x0  }
0x8e: {  	[sflag:s8] =	ssyncadd.s32 $0xFFFFFFB0  }
0x8f: {  	_ =	swait.ge [sflag:s9], $0x2800  }
.Ltmp1:
0x90: {  	[sflag:s9] =	ssyncset.done $0x0;
	(pc) =	sbr.rel @p1 .LBB2_4-.Ltmp1, $4  }
0x91: {  	[sflag:s9] =	ssyncadd.s32 $0xFFFFD800  }
0x92: {  	[spmem:s1] =	stream.indirect.scatter.add.f32 [tilespmem:s2], [sflag:$0x5], $0x80, s0, s5, $0xb8;
	[tilespmem:$0x1B180] =	vst v63  }
0x93: {  	_ =	swait.ge [sflag:s30], $0x2800  }
0x94: {  	s24 =	smov.u32 s16;
	s15 =	sadd.s32 $0xA00, s15;
	[sflag:s30] =	ssyncset.done $0x0  }
0x95: {  	s16 =	sadd.s32 s11, s14;
	[sflag:s30] =	ssyncadd.s32 $0xFFFFD800  }
0x96: {  	[tilespmem:s0], [sflag:$0x2] =	stream.linear.gather [hbm4b:s16+s12], $0x50, $0x38;
	[tilespmem:$0x1B180] =	vst v63  }
0x97: {  	s25 =	sadd.s32 $0xFFFFFB00, s15  }
0x98: {  	[tilespmem:s2], [sflag:$0x4] =	stream.linear.gather [hbm4b:s25+s12], $0x2800, $0x38;
	[tilespmem:$0x1B180] =	vst v63  }
0x99: {  	_ =	swait.ge [sflag:s3], $0x50  }
0x9a: {  	[sflag:s3] =	ssyncset.done $0x0  }
0x9b: {  	[sflag:s3] =	ssyncadd.s32 $0xFFFFFFB0  }
0x9c: {  	_ =	swait.ge [sflag:s4], $0x2800  }
0x9d: {  	[sflag:s4] =	ssyncset.done $0x0  }
0x9e: {  	[sflag:s4] =	ssyncadd.s32 $0xFFFFD800  }
0x9f: {  	[spmem:s1] =	stream.indirect.scatter.add.f32 [tilespmem:s6], [sflag:$0x6], $0x80, s31, s5, $0xb8;
	[tilespmem:$0x1B180] =	vst v63  }
0xa0: {  	_ =	swait.ge [sflag:s7], $0x2800  }
0xa1: {  	[sflag:s7] =	ssyncset.done $0x0  }
0xa2: {  	s24 =	sadd.s32 s11, s13;
	[sflag:s7] =	ssyncadd.s32 $0xFFFFD800  }
0xa3: {  	[tilespmem:s31], [sflag:$0x1] =	stream.linear.gather [hbm4b:s24+s12], $0x50, $0x38;
	[tilespmem:$0x1B180] =	vst v63  }
0xa4: {  	_ = 	snop  }
0xa5: {  	[tilespmem:s6], [sflag:$0x3] =	stream.linear.gather [hbm4b:s15+s12], $0x2800, $0x38;
	[tilespmem:$0x1B180] =	vst v63  }
0xa6: {  	_ =	swait.ge [sflag:s8], $0x50  }
0xa7: {  	[sflag:s8] =	ssyncset.done $0x0  }
0xa8: {  	[sflag:s8] =	ssyncadd.s32 $0xFFFFFFB0  }
0xa9: {  	_ =	swait.ge [sflag:s9], $0x2800  }
0xaa: {  	[sflag:s9] =	ssyncset.done $0x0  }
0xab: {  	[sflag:s9] =	ssyncadd.s32 $0xFFFFD800  }
0xac: {  	[spmem:s1] =	stream.indirect.scatter.add.f32 [tilespmem:s2], [sflag:$0x5], $0x80, s0, s5, $0xb8;
	[tilespmem:$0x1B180] =	vst v63  }
0xad: {  	_ =	swait.ge [sflag:s30], $0x2800  }
0xae: {  	[sflag:s30] =	ssyncset.done $0x0  }
0xaf: {  	s25 =	rddreg [dreg:$0x10];
	[sflag:s30] =	ssyncadd.s32 $0xFFFFD800  }
0xb0: {  	[tilespmem:s0], [sflag:$0x2] =	stream.linear.gather [hbm4b:s25+s12], $0x50, $0x38;
	[tilespmem:$0x1B180] =	vst v63  }
0xb1: {  	s15 =	rddreg [dreg:$0x11]  }
0xb2: {  	[tilespmem:s2], [sflag:$0x4] =	stream.linear.gather [hbm4b:s15+s12], $0x2800, $0x38;
	[tilespmem:$0x1B180] =	vst v63  }
0xb3: {  	_ =	swait.ge [sflag:s3], $0x50  }
0xb4: {  	[sflag:s3] =	ssyncset.done $0x0  }
0xb5: {  	[sflag:s3] =	ssyncadd.s32 $0xFFFFFFB0  }
0xb6: {  	_ =	swait.ge [sflag:s4], $0x2800  }
0xb7: {  	[sflag:s4] =	ssyncset.done $0x0  }
0xb8: {  	[sflag:s4] =	ssyncadd.s32 $0xFFFFD800  }
0xb9: {  	[spmem:s1] =	stream.indirect.scatter.add.f32 [tilespmem:s6], [sflag:$0x6], $0x80, s31, s5, $0xb8;
	[tilespmem:$0x1B180] =	vst v63  }
0xba: {  	_ =	swait.ge [sflag:s7], $0x2800  }
0xbb: {  	[sflag:s7] =	ssyncset.done $0x0  }
0xbc: {  	[sflag:s7] =	ssyncadd.s32 $0xFFFFD800  }
0xbd: {  	_ =	swait.ge [sflag:s8], $0x50  }
0xbe: {  	[sflag:s8] =	ssyncset.done $0x0  }
0xbf: {  	[sflag:s8] =	ssyncadd.s32 $0xFFFFFFB0  }
0xc0: {  	_ =	swait.ge [sflag:s9], $0x2800  }
0xc1: {  	[sflag:s9] =	ssyncset.done $0x0  }
0xc2: {  	[sflag:s9] =	ssyncadd.s32 $0xFFFFD800  }
0xc3: {  	[spmem:s1] =	stream.indirect.scatter.add.f32 [tilespmem:s2], [sflag:$0x5], $0x80, s0, s5, $0xb8;
	[tilespmem:$0x1B180] =	vst v63  }
0xc4: {  	_ =	swait.ge [sflag:s30], $0x2800  }
0xc5: {  	s16 =	stileid.u32;
	[sflag:s30] =	ssyncset.done $0x0  }
0xc6: {  	s11 =	sshll.u32 s16, $0x6;
	[sflag:s30] =	ssyncadd.s32 $0xFFFFD800  }
0xc7: {  	s11 =	sor.u32 $0x1C05, s11;
	[bflag:$0x0] =	sbarrier.arrive $0xFFFF  }
0xc8: {  	s24 =	smov.u32 s17;
	s17 =	sshrl.u32 s17, $0x3;
	s25 =	rddreg [dreg:$0x4]  }
0xc9: {  	[hbm:s25], [sflag:s11] =	dma.local [spmem:s17], $0x500  }
0xca: {  	_ =	swait.ge [sflag:s30], $0x500  }
0xcb: {  	s25 =	smov.u32 s18;
	[sflag:s30] =	ssyncset.done $0x0  }
0xcc: {  	s17 =	sshrl.u32 s18, $0x3;
	s18 =	rddreg [dreg:$0x5];
	[sflag:s30] =	ssyncadd.s32 $0xFFFFFB00  }
0xcd: {  	[hbm:s18], [sflag:s11] =	dma.local [spmem:s17], $0x500  }
0xce: {  	_ =	swait.ge [sflag:s30], $0x500  }
0xcf: {  	[sflag:s30] =	ssyncset.done $0x0  }
0xd0: {  	s16 =	sshrl.u32 s19, $0x3;
	s17 =	rddreg [dreg:$0x6];
	[sflag:s30] =	ssyncadd.s32 $0xFFFFFB00  }
0xd1: {  	[hbm:s17], [sflag:s11] =	dma.local [spmem:s16], $0x500  }
0xd2: {  	_ =	swait.ge [sflag:s30], $0x500  }
0xd3: {  	s28 =	smov.u32 s19;
	[sflag:s30] =	ssyncset.done $0x0;
	s18 =	rddreg [dreg:$0xe]  }
0xd4: {  	s19 =	rddreg [dreg:$0x7];
	[sflag:s30] =	ssyncadd.s32 $0xFFFFFB00;
	s15 =	sshrl.u32 s18, $0x3  }
0xd5: {  	[hbm:s19], [sflag:s11] =	dma.local [spmem:s15], $0x500  }
0xd6: {  	_ =	swait.ge [sflag:s30], $0x500  }
0xd7: {  	[sflag:s30] =	ssyncset.done $0x0  }
0xd8: {  	s16 =	sshrl.u32 s20, $0x3;
	s17 =	rddreg [dreg:$0x8];
	[sflag:s30] =	ssyncadd.s32 $0xFFFFFB00  }
0xd9: {  	[hbm:s17], [sflag:s11] =	dma.local [spmem:s16], $0x500  }
0xda: {  	_ =	swait.ge [sflag:s30], $0x500  }
0xdb: {  	[sflag:s30] =	ssyncset.done $0x0  }
0xdc: {  	s18 =	sshrl.u32 s21, $0x3;
	s19 =	rddreg [dreg:$0x9];
	[sflag:s30] =	ssyncadd.s32 $0xFFFFFB00  }
0xdd: {  	[hbm:s19], [sflag:s11] =	dma.local [spmem:s18], $0x500  }
0xde: {  	_ =	swait.ge [sflag:s30], $0x500  }
0xdf: {  	[sflag:s30] =	ssyncset.done $0x0  }
0xe0: {  	s17 =	sshrl.u32 s22, $0x3;
	s18 =	rddreg [dreg:$0xa];
	[sflag:s30] =	ssyncadd.s32 $0xFFFFFB00  }
0xe1: {  	[hbm:s18], [sflag:s11] =	dma.local [spmem:s17], $0x500  }
0xe2: {  	_ =	swait.ge [sflag:s30], $0x500  }
0xe3: {  	[sflag:s30] =	ssyncset.done $0x0  }
0xe4: {  	s15 =	sshrl.u32 @!p0 s23, $0x3;
	s16 =	rddreg [dreg:$0xb];
	[sflag:s30] =	ssyncadd.s32 $0xFFFFFB00  }
0xe5: {  	[hbm:s16], [sflag:s11] =	dma.local @!p0 [spmem:s15], $0x500  }
0xe6: {  	s11 =	simm.s32 @!p0 $0x5  }
0xe7: {  	_ =	swait.ge @!p0 [sflag:s11], $0x500  }
0xe8: {  	s10 =	sadd.s32 $0x1, s10;
	s19 =	rddreg [dreg:$0xd]  }
0xe9: {  	p1 =	sne.s32 s10, s19  }
.Ltmp2:
0xea: {  	_ = 	snop;
	(pc) =	sbr.rel @p1 .LBB2_1-.Ltmp2, $3  }
0xeb: {  	_ =	sdelay $0x1  }
0xec: {  	[sflag:s11] =	ssyncset.done @!p0 $0x0  }
0xed: {  	[sflag:s11] =	ssyncadd.s32 @!p0 $0xFFFFFB00  }
0xee: {  	_ =	sfence.sel $0x180000  }
0xef: {  	[bflag:$0x0] =	sbarrier.arrive $0xFFFF  }
0xf0: {  	_ =	strace $0x90000050  }
0xf1: {  	s0 =	stileid.u32;
	[bflag:$0x2] =	sbarrier.arrive $0xFFFF  }
0xf2: {  	p0 =	sne.s32 s0, $0x0;
	s0 =	rddreg [dreg:$0x3]  }
0xf3: {  	s0 =	sadd.s32 @!p0 $0x100000, s0  }
0xf4: {  	[sflag:s0] =	ssyncadd.tile.s32 @!p0 $0x1;
	_ =	shalt  }
.Lfunc_end2:
_tile_overlayer_lowered:
.L_overlay_start_2:
0xf5: {  	(tag) =	ssettag $0x2  }
0xf6: {  	s0 =	rddreg [dreg:$0x0];
	s2 =	stileid.u32  }
0xf7: {  	s1 =	rddreg [dreg:$0x1];
	p0 =	sne.s32 s2, $0x0  }
0xf8: {  	s3 =	rddreg [dreg:$0x2];
	[bflag:$0x3] =	sbarrier.arrive $0xFFFF;
	s2 =	simm.s32 @!p0 $0x1C05  }
0xf9: {  	[timem:s3], [sflag:s2] =	dma.local @!p0 [hbm:s0], s1  }
0xfa: {  	s0 =	simm.s32 @!p0 $0x5  }
0xfb: {  	_ =	swait.ge @!p0 [sflag:s0], s1  }
0xfc: {  	s1 =	ssub.s32 @!p0 $0x0, s1;
	[sflag:s0] =	ssyncset.done @!p0 $0x0  }
0xfd: {  	[sflag:s0] =	ssyncadd.s32 @!p0 s1  }
0xfe: {  	[bflag:$0x3] =	sbarrier.arrive $0xFFFF  }
0xff: {  	_ =	shalt  }

// kernel: kernel.9.cloned.1.call-start
scs
__scs_entry_jumppad:
0x0: {  	(pc) =	sbr.rel $0x88, $3  }
0x1: {  	(tag) =	ssettag $0x0;
	lr =	simm.s32 $0x1  }
0x2: {  	[smem:$0x3F95] =	sst lr;
	_ =	strace $0xD0000000  }
0x3: {  	_ = 	snop  }
0x4: {  	_ = 	snop  }
0x5: {  	_ = 	snop  }
0x6: {  	_ = 	snop  }
0x7: {  	_ = 	snop  }
__scs_overlays_trampoline_lowered:
0x8: {  	[smem:$0x3FA4] =	sst s0  }
0x9: {  	[smem:$0x3FA5] =	sst s1  }
0xa: {  	[smem:$0x3FA6] =	sst s2  }
0xb: {  	[smem:$0x3FA7] =	sst s3  }
0xc: {  	[smem:$0x3FA8] =	sst s4  }
0xd: {  	[smem:$0x3FA9] =	sst s5  }
0xe: {  	[smem:$0x3FAA] =	sst s6  }
0xf: {  	[smem:$0x3FAB] =	sst s7  }
0x10: {  	[smem:$0x3FAC] =	sst s8  }
0x11: {  	[smem:$0x3FAD] =	sst s9;
	s0 =	simm.s32 @!p0 $0x0  }
0x12: {  	s1 =	sld [smem:$0x3F93];
	s0 =	simm.s32 @p0 $0x1  }
0x13: {  	[smem:$0x3FAE] =	sst s0;
	s0 =	simm.s32 @!p1 $0x0  }
0x14: {  	s2 =	sld [smem:$0x3F92];
	s0 =	simm.s32 @p1 $0x1  }
0x15: {  	[smem:$0x3FAF] =	sst s0;
	s0 =	simm.s32 @!p2 $0x0  }
0x16: {  	s3 =	sld [smem:$0x3FDB];
	s0 =	simm.s32 @p2 $0x1  }
0x17: {  	s4 =	simm.s32 $0x1BF5;
	[smem:$0x3FB1] =	sst s0  }
0x18: {  	s0 =	sld [smem:$0x3F94];
	_ =	swait.ge [sflag:s4], $0x0  }
0x19: {  	s7 =	sld [smem:$0x3F95]  }
0x1a: {  	s8 =	sadd.s32 $0xFFFFE003, lr  }
0x1b: {  	s9 =	sadd.s32 $0xFFFFFEF7, lr;
	s5 =	simm.s32 $0xFFFFFFFF;
	p2 =	slt.u32 s8, $0xFFFFF086  }
0x1c: {  	p1 =	slt.u32 s9, $0xF7A;
	s5 =	simm.s32 @!p2 $0x0  }
0x1d: {  	s5 =	simm.s32 @p1 $0x1;
	p0 =	seq.s32 s7, s2  }
0x1e: {  	s7 =	smul.u32 @!p0 $0xF7A, s2;
	p2 =	seq.s32 @!p0 s5, $0x0  }
0x1f: {  	s9 =	smul.u32 $0xF7A, s1;
	s8 =	simm.s32 @!p0 $0x1BF5;
	p2 =	por !p2, p0  }
0x20: {  	[sflag:s8] =	ssyncset.s32 @!p0 $0xFFFFF086;
	s6 =	sadd.s32 @!p0 s3, s7;
	s7 =	simm.s32 @!p0 $0x108  }
0x21: {  	s3 =	sadd.s32 s3, s9;
	s6 =	sadd.s32 @!p0 $0x88, s6;
	s7 =	simm.s32 @p2 $0x1082  }
0x22: {  	[simem:s7], [sflag:s8] =	dma.local @!p0 [hbm:s6], $0xF7A  }
0x23: {  	s9 =	sor.u32 $0xD0000000, s2;
	s6 =	simm.s32 $0x108;
	_ =	swait.ge @!p0 [sflag:s8], $0x0  }
0x24: {  	s3 =	sadd.s32 $0x88, s3;
	s6 =	simm.s32 @!p1 $0x1082;
	[sflag:s4] =	ssyncset.s32 $0xFFFFF086  }
0x25: {  	[simem:s6], [sflag:s4] =	dma.local [hbm:s3], $0xF7A  }
0x26: {  	[smem:$0x3F95] =	sst s1;
	(tag) =	ssettag s2;
	_ =	strace s9  }
0x27: {  	s1 =	sld [smem:$0x3FA5]  }
0x28: {  	s2 =	sld [smem:$0x3FA6]  }
0x29: {  	s4 =	sld [smem:$0x3FA8]  }
0x2a: {  	p0 =	seq.s32 s5, $0x0;
	s5 =	sld [smem:$0x3FA9]  }
0x2b: {  	s6 =	sld [smem:$0x3FAA]  }
0x2c: {  	s7 =	sld [smem:$0x3FAB]  }
0x2d: {  	s3 =	simm.s32 $0x108;
	s8 =	sld [smem:$0x3FAC]  }
0x2e: {  	s3 =	simm.s32 @!p0 $0x1082;
	s9 =	sld [smem:$0x3FAD]  }
0x2f: {  	lr =	sadd.s32 s0, s3;
	s0 =	sld [smem:$0x3FA4]  }
0x30: {  	s3 =	sld [smem:$0x3FA7]  }
0x31: {  	[smem:$0x3FB0] =	sst s10  }
0x32: {  	s10 =	sld [smem:$0x3FAE];
	_ =	sdelay $0x3  }
0x33: {  	p0 =	seq.s32 s10, $0x1;
	s10 =	sld [smem:$0x3FB0];
	_ =	sdelay $0x3  }
0x34: {  	[smem:$0x3FB0] =	sst s10  }
0x35: {  	s10 =	sld [smem:$0x3FAF];
	_ =	sdelay $0x3  }
0x36: {  	p1 =	seq.s32 s10, $0x1;
	s10 =	sld [smem:$0x3FB0];
	_ =	sdelay $0x3  }
0x37: {  	[smem:$0x3FB0] =	sst s10  }
0x38: {  	s10 =	sld [smem:$0x3FB1]  }
0x39: {  	_ = 	snop;
	(pc) =	sbr.ind lr, $3  }
0x3a: {  	_ = 	snop  }
0x3b: {  	_ = 	snop  }
0x3c: {  	p2 =	seq.s32 s10, $0x1;
	s10 =	sld [smem:$0x3FB0]  }
0x3d: {  	_ =	shalt  }
0x3e: {  	_ =	shalt  }
0x3f: {  	_ =	shalt  }
0x40: {  	_ =	shalt  }
0x41: {  	_ =	shalt  }
0x42: {  	_ =	shalt  }
0x43: {  	_ =	shalt  }
0x44: {  	_ =	shalt  }
0x45: {  	_ =	shalt  }
0x46: {  	_ =	shalt  }
0x47: {  	_ =	shalt  }
0x48: {  	_ =	shalt  }
0x49: {  	_ =	shalt  }
0x4a: {  	_ =	shalt  }
0x4b: {  	_ =	shalt  }
0x4c: {  	_ =	shalt  }
0x4d: {  	_ =	shalt  }
0x4e: {  	_ =	shalt  }
0x4f: {  	_ =	shalt  }
0x50: {  	_ =	shalt  }
0x51: {  	_ =	shalt  }
0x52: {  	_ =	shalt  }
0x53: {  	_ =	shalt  }
0x54: {  	_ =	shalt  }
0x55: {  	_ =	shalt  }
0x56: {  	_ =	shalt  }
0x57: {  	_ =	shalt  }
0x58: {  	_ =	shalt  }
0x59: {  	_ =	shalt  }
0x5a: {  	_ =	shalt  }
0x5b: {  	_ =	shalt  }
0x5c: {  	_ =	shalt  }
0x5d: {  	_ =	shalt  }
0x5e: {  	_ =	shalt  }
0x5f: {  	_ =	shalt  }
0x60: {  	_ =	shalt  }
0x61: {  	_ =	shalt  }
0x62: {  	_ =	shalt  }
0x63: {  	_ =	shalt  }
0x64: {  	_ =	shalt  }
0x65: {  	_ =	shalt  }
0x66: {  	_ =	shalt  }
0x67: {  	_ =	shalt  }
0x68: {  	_ =	shalt  }
0x69: {  	_ =	shalt  }
0x6a: {  	_ =	shalt  }
0x6b: {  	_ =	shalt  }
0x6c: {  	_ =	shalt  }
0x6d: {  	_ =	shalt  }
0x6e: {  	_ =	shalt  }
0x6f: {  	_ =	shalt  }
0x70: {  	_ =	shalt  }
0x71: {  	_ =	shalt  }
0x72: {  	_ =	shalt  }
0x73: {  	_ =	shalt  }
0x74: {  	_ =	shalt  }
0x75: {  	_ =	shalt  }
0x76: {  	_ =	shalt  }
0x77: {  	_ =	shalt  }
0x78: {  	_ =	shalt  }
0x79: {  	_ =	shalt  }
0x7a: {  	_ =	shalt  }
0x7b: {  	_ =	shalt  }
0x7c: {  	_ =	shalt  }
0x7d: {  	_ =	shalt  }
0x7e: {  	_ =	shalt  }
0x7f: {  	_ =	shalt  }
0x80: {  	_ =	shalt  }
0x81: {  	_ =	shalt  }
0x82: {  	_ =	shalt  }
0x83: {  	_ =	shalt  }
0x84: {  	_ =	shalt  }
0x85: {  	_ =	shalt  }
0x86: {  	_ =	shalt  }
0x87: {  	_ =	shalt  }
.Lfunc_end0:
.L_simem_size_0:
called_computation_lowered:
.L_overlay_start_0:
0x88: {  	s2 =	sld [smem:$0x3FD9]  }
0x89: {  	s3 =	sld [smem:$0x3FFE];
	_ =	sdelay $0x1  }
0x8a: {  	s1 =	srdreg.scid  }
0x8b: {  	s0 =	sand.u32 $0x1, s1  }
0x8c: {  	s17 =	sshll.u32 s0, $0xA;
	s2 =	sadd.s32 s3, s2  }
0x8d: {  	s2 =	sadd.s32 s2, s17  }
0x8e: {  	[smem:$0x3FBC] =	sst s2  }
0x8f: {  	_ = 	snop  }
0x90: {  	s2 =	sld [smem:$0x3FD0];
	(tm) =	ssettm $0x1  }
0x91: {  	s18 =	sld [smem:$0x3FFB];
	_ =	sdelay $0x3  }
0x92: {  	_ =	strace s18  }
0x93: {  	s3 =	sld [smem:$0x3FFC];
	_ =	sdelay $0x3  }
0x94: {  	_ =	strace s3  }
0x95: {  	s3 =	sld [smem:$0x3FFD];
	_ =	sdelay $0x3  }
0x96: {  	_ =	strace s3  }
0x97: {  	_ =	strace $0x8FFFFFFF  }
0x98: {  	s19 =	sld [smem:$0x3FDB];
	_ =	sdelay $0x1  }
0x99: {  	s4 =	simm.s32 $_scs_section_size  }
0x9a: {  	s5 =	simm.s32 $_size__tile_overlayer_lowered;
	s6 =	simm.s32 $_tile_overlayer_lowered  }
0x9b: {  	s22 =	simm.s32 $0x1BFF;
	s21 =	sshll.u32 s6, $0x1;
	s3 =	sadd.s32 s4, s19  }
0x9c: {  	s7 =	simm.s32 $0x0;
	s20 =	sshll.u32 s5, $0x1;
	s5 =	sadd.s32 s21, s3  }
0x9d: {  	[timem:s7], [sflag:s22] =	dma.local [hbm:s5], s20  }
0x9e: {  	_ =	swait.ge [sflag:s22], s20  }
0x9f: {  	s4 =	ssub.s32 $0x0, s20;
	[sflag:s22] =	ssyncset.done $0x0  }
0xa0: {  	[sflag:s22] =	ssyncadd.s32 s4;
	_ =	sdelay $0x1  }
0xa1: {  	s23 =	simm.s32 $0x1B8B  }
0xa2: {  	_ =	swait.ge [sflag:s23], $0x1  }
0xa3: {  	[sflag:s23] =	ssyncset.done $0x0  }
0xa4: {  	s25 =	simm.s32 $0x1B8E;
	s24 =	sld [smem:$0x3FFE];
	[sflag:s23] =	ssyncadd.s32 $0xFFFFFFFF  }
0xa5: {  	s26 =	simm.s32 $execute0_lowered;
	[smem:$0x3FD2] =	sst s25  }
0xa6: {  	s5 =	sshll.u32 s26, $0x1;
	_ =	strace $0x80000046;
	[dreg:$0x1] =	wrdreg $0xFFFFFFFF  }
0xa7: {  	s28 =	simm.s32 $_size_execute0_lowered;
	s3 =	sadd.s32 s3, s5;
	[dreg:$0x0] =	wrdreg $0x0  }
0xa8: {  	s5 =	sshll.u32 s28, $0x1;
	[dreg:$0x2] =	wrdreg s3  }
0xa9: {  	[dreg:$0x3] =	wrdreg s5  }
0xaa: {  	[dreg:$0x4] =	wrdreg $0xC0  }
0xab: {  	_ =	task [dreg:s7], $0x5FFFF  }
0xac: {  	[dreg:$0x1] =	wrdreg $0xFFFFFFFF  }
0xad: {  	[dreg:$0x0] =	wrdreg $0x60  }
0xae: {  	[dreg:$0x2] =	wrdreg s24  }
0xaf: {  	[dreg:$0x3] =	wrdreg s2  }
0xb0: {  	[dreg:$0x4] =	wrdreg $0x9  }
0xb1: {  	_ =	task.clear_ibuf [dreg:s7], $0x5FFFF;
	_ =	strace $0x90000046  }
0xb2: {  	s29 =	simm.s32 $0x9;
	_ =	strace $0x80000048  }
0xb3: {  	_ =	swait.ge [sflag:s29], $0x1  }
0xb4: {  	[sflag:s29] =	ssyncadd.s32 $0xFFFFFFFF  }
0xb5: {  	_ =	strace $0x90000048  }
0xb6: {  	_ =	sfence  }
0xb7: {  	s30 =	sld [smem:$0x0];
	_ =	sdelay $0x2  }
0xb8: {  	s31 =	sshll.u32 s1, $0xD;
	s1 =	sshrl.u32 s1, $0x2  }
0xb9: {  	s3 =	sand.u32 $0x4000, s31;
	s1 =	sadd.s32 s1, s30  }
0xba: {  	s0 =	sor.u32 s3, s0;
	s1 =	sshll.u32 s1, $0x11  }
0xbb: {  	s0 =	sor.u32 s1, s0  }
0xbc: {  	s0 =	sadd.s32 $0x8F2B, s0  }
0xbd: {  	[sflag:s0] =	ssyncadd.remote.s32 $0x1  }
0xbe: {  	_ =	sfence.sel $0xFFFF  }
0xbf: {  	[dreg:$0x0] =	wrdreg $0xFFFFFFFF;
	(pc) =	sbr.abs _section_cstart, $3  }
0xc0: {  	[dreg:$0x1] =	wrdreg $0xFFFFFFFF  }
0xc1: {  	_ =	task.clear_ibuf [dreg:s7], $0x2FFFF;
	_ =	strace $0x9FFFFFFF  }
0xc2: {  	(tm) =	ssettm $0x7FFFFFFF  }
0xc3: {  	_ =	shalt  }
tec
execute0_lowered:
.L_overlay_start_1:
0x0: {  	(tag) =	ssettag $0x1  }
0x1: {  	s4 =	rddreg [dreg:$0x0];
	s1 =	srdreg.scid  }
0x2: {  	s0 =	stileid.u32;
	s5 =	rddreg [dreg:$0x1]  }
0x3: {  	s2 =	simm.s32 $0x0;
	s10 =	simm.s32 $0x8980;
	s11 =	simm.s32 $0x9D80  }
0x4: {  	s12 =	simm.s32 $0x2;
	s3 =	sand.u32 $0x1, s1;
	s6 =	sshll.u32 s0, $0x1  }
0x5: {  	s13 =	simm.s32 $0x0;
	s1 =	rddreg [dreg:$0x2];
	s6 =	sor.u32 s3, s6  }
0x6: {  	[smem:$0x7FF] =	sst s2;
	s7 =	ssub.s32 $0x2, s3;
	s6 =	smul.u32 $0x13B0, s6  }
0x7: {  	_ =	strace $0x80000047;
	s3 =	sadd.s32 $0x4000, s4;
	s8 =	sshrl.u32 s7, $0x1  }
0x8: {  	s7 =	ssub.s32 s7, s8;
	s8 =	simm.s32 $0x1;
	s6 =	sshrl.u32 s6, $0x3  }
0x9: {  	s7 =	smax.u32 s7, $0x1;
	s9 =	sadd.s32 s6, s4;
	s4 =	sadd.s32 s5, s6  }
0xa: {  	s5 =	sadd.s32 $0x9C40, s4;
	s6 =	sadd.s32 $0x5000, s9;
	s9 =	simm.s32 $0x7580  }
.LBB2_1:
0xb: {  	[tilespmem:s2], [sflag:$0x1] =	stream.linear.gather [hbm4b:s3+s2], $0x7580, $0x38;
	[tilespmem:$0xB180] =	vst v63  }
0xc: {  	_ =	swait.ge [sflag:s8], $0x7580  }
0xd: {  	[sflag:s8] =	ssyncset.done $0x0  }
0xe: {  	[sflag:s8] =	ssyncadd.s32 $0xFFFF8A80  }
0xf: {  	[tilespmem:s9], [sflag:$0x1] =	stream.linear.gather [hbm4b:s4+s2], $0x13B0, $0x38;
	[tilespmem:$0xB180] =	vst v63  }
0x10: {  	_ =	swait.ge [sflag:s8], $0x13B0  }
0x11: {  	[sflag:s8] =	ssyncset.done $0x0  }
0x12: {  	[sflag:s8] =	ssyncadd.s32 $0xFFFFEC50  }
0x13: {  	[tilespmem:s10], [sflag:$0x1] =	stream.linear.gather [hbm4b:s5+s2], $0x13B0, $0x38;
	[tilespmem:$0xB180] =	vst v63  }
0x14: {  	_ =	swait.ge [sflag:s8], $0x13B0  }
0x15: {  	[sflag:s8] =	ssyncset.done $0x0  }
0x16: {  	s14 =	simm.s32 $0x0;
	[sflag:s8] =	ssyncadd.s32 $0xFFFFEC50  }
0x17: {  	v0 =	vld [tilespmem:s14+$0x8980]  }
0x18: {  	v1 =	vld [tilespmem:s14+$0x7580];
	_ =	sdelay $0x3  }
0x19: {  	v0 =	vmul.u32 $0x3, v0  }
0x1a: {  	v1 =	vmul.u32 $0x3, v1;
	_ =	sdelay $0x1  }
0x1b: {  	v2 =	vadd.s32 $0x1, v1  }
0x1c: {  	v3 =	vadd.s32 $0x1, v0  }
0x1d: {  	v4 =	vadd.s32 $0x2, v1  }
0x1e: {  	v5 =	vld.idx.msk [tilespmem:v0+s2+$0x0], $0xffff;
	v0 =	vadd.s32 $0x2, v0  }
0x1f: {  	v1 =	vld.idx.msk [tilespmem:v1+s2+$0x0], $0xffff  }
0x20: {  	v2 =	vld.idx.msk [tilespmem:v2+s2+$0x0], $0xffff  }
0x21: {  	v3 =	vld.idx.msk [tilespmem:v3+s2+$0x0], $0xffff  }
0x22: {  	v4 =	vld.idx.msk [tilespmem:v4+s2+$0x0], $0xffff  }
0x23: {  	v6 =	vld.idx.msk [tilespmem:v0+s2+$0x0], $0xffff;
	_ =	sdelay $0x2  }
0x24: {  	s15 =	simm.s32 $0x10;
	v5 =	vsub.f32 v1, v5;
	v7 =	vsub.f32 v2, v3  }
0x25: {  	v1 =	vld [tilespmem:s15+$0x8980]  }
0x26: {  	s16 =	simm.s32 $0x80;
	v0 =	vld [tilespmem:s15+$0x7580];
	v3 =	vmul.f32 v5, v5;
	v2 =	vsub.f32 v4, v6;
	v4 =	vmul.f32 v7, v7  }
.LBB2_2:
0x27: {  	p0 =	sne.s32 s16, $0x4E80  }
0x28: {  	v3 =	vadd.f32 v4, v3;
	v2 =	vmul.f32 v2, v2;
	_ =	sdelay $0x1  }
0x29: {  	v1 =	vmul.u32 $0x3, v1;
	v2 =	vadd.f32 v2, v3  }
0x2a: {  	v0 =	vmul.u32 $0x3, v0  }
0x2b: {  	v2 =	vmul.f32 $1.000000010e+24, v2  }
0x2c: {  	v3 =	vadd.s32 $0x1, v0  }
0x2d: {  	v4 =	vadd.s32 $0x1, v1;
	v2 =	vmin.f32 v2, $1.000000000e+00  }
0x2e: {  	v5 =	vadd.s32 $0x2, v0;
	[tilespmem:s14+$0x9D80] =	vst v2;
	s14 =	smov.u32 s15  }
0x2f: {  	v2 =	vld.idx.msk [tilespmem:v1+s2+$0x0], $0xffff;
	v1 =	vadd.s32 $0x2, v1  }
0x30: {  	v0 =	vld.idx.msk [tilespmem:v0+s2+$0x0], $0xffff  }
0x31: {  	v3 =	vld.idx.msk [tilespmem:v3+s2+$0x0], $0xffff  }
0x32: {  	v4 =	vld.idx.msk [tilespmem:v4+s2+$0x0], $0xffff  }
0x33: {  	v5 =	vld.idx.msk [tilespmem:v5+s2+$0x0], $0xffff  }
0x34: {  	v6 =	vld.idx.msk [tilespmem:v1+s2+$0x0], $0xffff;
	_ =	sdelay $0x1  }
.Ltmp0:
0x35: {  	(pc) =	sbr.rel @p0 .LBB2_2-.Ltmp0, $4  }
0x36: {  	_ = 	snop  }
0x37: {  	s15 =	sshra.s32 s16, $0x2;
	v7 =	vsub.f32 v0, v2;
	v4 =	vsub.f32 v3, v4  }
0x38: {  	v1 =	vld [tilespmem:s15+$0x8980]  }
0x39: {  	s16 =	sadd.s32 $0x40, s16;
	v3 =	vmul.f32 v7, v7;
	v2 =	vsub.f32 v5, v6;
	v4 =	vmul.f32 v4, v4;
	v0 =	vld [tilespmem:s15+$0x7580]  }
0x3a: {  	_ = 	snop  }
0x3b: {  	v3 =	vadd.f32 v4, v3;
	v2 =	vmul.f32 v2, v2;
	_ =	sdelay $0x1  }
0x3c: {  	v1 =	vmul.u32 $0x3, v1;
	v2 =	vadd.f32 v2, v3  }
0x3d: {  	v0 =	vmul.u32 $0x3, v0  }
0x3e: {  	v2 =	vmul.f32 $1.000000010e+24, v2  }
0x3f: {  	v62 =	vadd.s32 $0x1, v1  }
0x40: {  	v61 =	vadd.s32 $0x1, v0;
	v2 =	vmin.f32 v2, $1.000000000e+00  }
0x41: {  	v5 =	vadd.s32 $0x2, v0;
	[tilespmem:s14+$0x9D80] =	vst v2  }
0x42: {  	v2 =	vld.idx.msk [tilespmem:v1+s2+$0x0], $0xffff;
	v1 =	vadd.s32 $0x2, v1  }
0x43: {  	v0 =	vld.idx.msk [tilespmem:v0+s2+$0x0], $0xffff  }
0x44: {  	v4 =	vld.idx.msk [tilespmem:v62+s2+$0x0], $0xffff  }
0x45: {  	v3 =	vld.idx.msk [tilespmem:v61+s2+$0x0], $0xffff  }
0x46: {  	v5 =	vld.idx.msk [tilespmem:v5+s2+$0x0], $0xffff  }
0x47: {  	v1 =	vld.idx.msk [tilespmem:v1+s2+$0x0], $0xffff;
	_ =	sdelay $0x2  }
0x48: {  	v0 =	vsub.f32 v0, v2;
	v63 =	vsub.f32 v3, v4;
	_ =	sdelay $0x1  }
0x49: {  	v0 =	vmul.f32 v0, v0;
	v2 =	vmul.f32 v63, v63;
	v1 =	vsub.f32 v5, v1;
	_ =	sdelay $0x1  }
0x4a: {  	v0 =	vadd.f32 v2, v0;
	v1 =	vmul.f32 v1, v1;
	_ =	sdelay $0x1  }
0x4b: {  	v0 =	vadd.f32 v1, v0;
	_ =	sdelay $0x1  }
0x4c: {  	v0 =	vmul.f32 $1.000000010e+24, v0  }
0x4d: {  	s13 =	sadd.s32 $0x1, s13  }
0x4e: {  	p0 =	sne.s32 s13, s7;
	v0 =	vmin.f32 v0, $1.000000000e+00  }
.Ltmp1:
0x4f: {  	[tilespmem:s15+$0x9D80] =	vst v0;
	(pc) =	sbr.rel @p0 .LBB2_1-.Ltmp1, $4  }
0x50: {  	[hbm4b:s6+s2] =	stream.linear.scatter [tilespmem:s11], [sflag:$0x2], $0x13B0, $0x38;
	[tilespmem:$0xB180] =	vst v63  }
0x51: {  	_ =	swait.ge [sflag:s12], $0x13B0  }
0x52: {  	[sflag:s12] =	ssyncset.done $0x0  }
0x53: {  	[sflag:s12] =	ssyncadd.s32 $0xFFFFEC50  }
0x54: {  	_ =	sfence.sel $0x180000  }
0x55: {  	[bflag:$0x0] =	sbarrier.arrive $0xFFFF  }
0x56: {  	p0 =	sne.s32 s0, $0x0;
	_ =	strace $0x90000047  }
0x57: {  	s0 =	sadd.s32 @!p0 $0x100000, s1;
	[bflag:$0x2] =	sbarrier.arrive $0xFFFF  }
0x58: {  	[sflag:s0] =	ssyncadd.tile.s32 @!p0 $0x1;
	_ =	shalt  }
.Lfunc_end2:
_tile_overlayer_lowered:
.L_overlay_start_2:
0x59: {  	(tag) =	ssettag $0x2  }
0x5a: {  	s0 =	rddreg [dreg:$0x0];
	s2 =	stileid.u32  }
0x5b: {  	s1 =	rddreg [dreg:$0x1];
	p0 =	sne.s32 s2, $0x0  }
0x5c: {  	s3 =	rddreg [dreg:$0x2];
	[bflag:$0x3] =	sbarrier.arrive $0xFFFF;
	s2 =	simm.s32 @!p0 $0x1C02  }
0x5d: {  	[timem:s3], [sflag:s2] =	dma.local @!p0 [hbm:s0], s1  }
0x5e: {  	s0 =	simm.s32 @!p0 $0x2  }
0x5f: {  	_ =	swait.ge @!p0 [sflag:s0], s1  }
0x60: {  	s1 =	ssub.s32 @!p0 $0x0, s1;
	[sflag:s0] =	ssyncset.done @!p0 $0x0  }
0x61: {  	[sflag:s0] =	ssyncadd.s32 @!p0 s1  }
0x62: {  	[bflag:$0x3] =	sbarrier.arrive $0xFFFF  }
0x63: {  	_ =	shalt  }

</sc_bundles>
